<compile_context>
chip_gen: v7x
topology: tpu7x:2x2x1
jax: 0.10.2.dev20260603
libtpu: 0.0.44.dev20260713+nightly
codegen_flags: <defaults>
</compile_context>

<pallas_src>
import functools

import jax
import jax.numpy as jnp
from jax import lax
from jax.experimental import pallas as pl
from jax.experimental.pallas import tpu as pltpu
from jax.experimental.pallas import tpu_sc as plsc

B = 16384
D = 128
NC = 2
NS = 16
NW = NC * NS
BPW = B // NW
CH = 32
NCHUNK = BPW // CH
NBUF = 8
RUNROLL = 4

_mesh = plsc.VectorSubcoreMesh(core_axis_name="c", subcore_axis_name="s")


@functools.partial(
    pl.kernel,
    mesh=_mesh,
    compiler_params=pltpu.CompilerParams(needs_layout_passes=False),
    out_type=jax.ShapeDtypeStruct((B,), jnp.float32),
    scratch_types=[
        pltpu.VMEM((BPW,), jnp.int32),
        [pltpu.VMEM((CH, D), jnp.float32) for _ in range(NBUF)],
        [pltpu.VMEM((CH, D), jnp.float32) for _ in range(NBUF)],
        pltpu.VMEM((BPW,), jnp.float32),
        [pltpu.SemaphoreType.DMA for _ in range(NBUF)],
        [pltpu.SemaphoreType.DMA for _ in range(NBUF)],
        pltpu.SemaphoreType.DMA,
        pltpu.SemaphoreType.DMA,
    ],
)
def _sim_kernel(x_hbm, idx_hbm, out_hbm, idx_v, own_v, gth_v, out_v, gsem, osem, isem, wsem):
    wid = lax.axis_index("s") * NC + lax.axis_index("c")
    stripe = wid * BPW
    lanes = lax.iota(jnp.int32, 16)
    last_lane = lanes == 15

    h_idx = pltpu.async_copy(idx_hbm.at[pl.ds(stripe, BPW)], idx_v, isem)

    def issue(ci, bi):
        pltpu.async_copy(
            x_hbm.at[pl.ds(stripe + ci * CH, CH)], own_v[bi], osem[bi]
        )
        pltpu.async_copy(
            x_hbm.at[idx_v.at[pl.ds(ci * CH, CH)]], gth_v[bi], gsem[bi]
        )

    def compute_row(r, r_out, ov, gv):
        acc0 = jnp.abs(ov[r, pl.ds(0, 16)] - gv[r, pl.ds(0, 16)])
        acc1 = jnp.abs(ov[r, pl.ds(16, 16)] - gv[r, pl.ds(16, 16)])
        for k in range(2, D // 16, 2):
            acc0 = acc0 + jnp.abs(ov[r, pl.ds(k * 16, 16)] - gv[r, pl.ds(k * 16, 16)])
            acc1 = acc1 + jnp.abs(ov[r, pl.ds(k * 16 + 16, 16)] - gv[r, pl.ds(k * 16 + 16, 16)])
        cs = plsc.cumsum(acc0 + acc1)
        plsc.store_scatter(
            out_v, [jnp.full((16,), r_out, jnp.int32)], jnp.exp(-cs), mask=last_lane
        )

    pltpu.async_copy(x_hbm.at[pl.ds(stripe, CH)], own_v[0], osem[0])
    h_idx.wait()
    pltpu.async_copy(x_hbm.at[idx_v.at[pl.ds(0, CH)]], gth_v[0], gsem[0])
    for b in range(1, NBUF):
        issue(b, b)

    def superchunk(s, carry):
        for bi in range(NBUF):
            ci = s * NBUF + bi
            off = ci * CH
            pltpu.make_async_copy(x_hbm.at[pl.ds(0, CH)], gth_v[bi], gsem[bi]).wait()
            pltpu.make_async_copy(x_hbm.at[pl.ds(0, CH)], own_v[bi], osem[bi]).wait()

            ov, gv = own_v[bi], gth_v[bi]

            @plsc.parallel_loop(0, CH, step=1, unroll=RUNROLL)
            def _rows(r):
                compute_row(r, off + r, ov, gv)

            pltpu.async_copy(
                out_v.at[pl.ds(off, CH)], out_hbm.at[pl.ds(stripe + off, CH)], wsem
            )

            @pl.when(ci + NBUF < NCHUNK)
            def _prefetch():
                issue(ci + NBUF, bi)

        return carry

    lax.fori_loop(0, NCHUNK // NBUF, superchunk, 0)

    pltpu.make_async_copy(out_v, out_hbm.at[pl.ds(stripe, BPW)], wsem).wait()


def kernel(x, idx):
    return _sim_kernel(x, idx).reshape(B, 1)

# --- scband reference (transcript-rebuilt; emitter-appended) ---
"""Pipeline reference for scband-batch-similarity-8280696947223 (READ-ONLY COPY).

The authoritative reference and input builder live on the scoring server;
editing this copy changes nothing except your own understanding.
"""

import jax, jax.numpy as jnp
import numpy as np

B = 16384
D = 128

def exp_l1(a, b):
    # gandlf.similarities.exp_l1: exp(-sum |a-b|) along last axis, keepdims
    return jnp.exp(-jnp.sum(jnp.abs(a - b), axis=-1, keepdims=True))

def setup_inputs(seed: int = 0) -> dict:
    key = jax.random.key(seed)
    k1, k2 = jax.random.split(key)
    x = jax.random.normal(k1, (B, D), dtype=jnp.float32)
    # The original layer draws idx = random_uniform((batch,), 0, batch, 'int32')
    # inside call(); we materialize it here for determinism.
    idx = jax.random.randint(k2, (B,), 0, B, dtype=jnp.int32)
    return {"x": x, "idx": idx}

def reference(x, idx):
    # x_shuffled = K.gather(x, idx)
    x_shuffled = jnp.take(x, idx, axis=0)
    # single similarity 'exp_l1', concatenated along last axis -> (B, 1)
    sims = [exp_l1(x, x_shuffled)]
    return jnp.concatenate(sims, axis=-1)

if __name__ == "__main__":
    import jax
    _d = setup_inputs()
    print(jax.jit(kernel)(*tuple(_d.values())))

</pallas_src>

<mosaic_0001>
#map = affine_map<(d0, d1) -> (0, 0)>
#map1 = affine_map<(d0, d1) -> (0)>
module attributes {stable_mosaic.version = 14 : i64} {
  func.func @_sim_kernel(%arg0: i32, %arg1: i32, %arg2: memref<16384x128xf32, #tpu.memory_space<hbm>>, %arg3: memref<16384xi32, #tpu.memory_space<hbm>>, %arg4: memref<16384xf32, #tpu.memory_space<hbm>>, %arg5: memref<512xi32, #tpu.memory_space<vmem>>, %arg6: memref<32x128xf32, #tpu.memory_space<vmem>>, %arg7: memref<32x128xf32, #tpu.memory_space<vmem>>, %arg8: memref<32x128xf32, #tpu.memory_space<vmem>>, %arg9: memref<32x128xf32, #tpu.memory_space<vmem>>, %arg10: memref<32x128xf32, #tpu.memory_space<vmem>>, %arg11: memref<32x128xf32, #tpu.memory_space<vmem>>, %arg12: memref<32x128xf32, #tpu.memory_space<vmem>>, %arg13: memref<32x128xf32, #tpu.memory_space<vmem>>, %arg14: memref<32x128xf32, #tpu.memory_space<vmem>>, %arg15: memref<32x128xf32, #tpu.memory_space<vmem>>, %arg16: memref<32x128xf32, #tpu.memory_space<vmem>>, %arg17: memref<32x128xf32, #tpu.memory_space<vmem>>, %arg18: memref<32x128xf32, #tpu.memory_space<vmem>>, %arg19: memref<32x128xf32, #tpu.memory_space<vmem>>, %arg20: memref<32x128xf32, #tpu.memory_space<vmem>>, %arg21: memref<32x128xf32, #tpu.memory_space<vmem>>, %arg22: memref<512xf32, #tpu.memory_space<vmem>>, %arg23: memref<!tpu.dma_semaphore, #tpu.memory_space<semaphore_mem>>, %arg24: memref<!tpu.dma_semaphore, #tpu.memory_space<semaphore_mem>>, %arg25: memref<!tpu.dma_semaphore, #tpu.memory_space<semaphore_mem>>, %arg26: memref<!tpu.dma_semaphore, #tpu.memory_space<semaphore_mem>>, %arg27: memref<!tpu.dma_semaphore, #tpu.memory_space<semaphore_mem>>, %arg28: memref<!tpu.dma_semaphore, #tpu.memory_space<semaphore_mem>>, %arg29: memref<!tpu.dma_semaphore, #tpu.memory_space<semaphore_mem>>, %arg30: memref<!tpu.dma_semaphore, #tpu.memory_space<semaphore_mem>>, %arg31: memref<!tpu.dma_semaphore, #tpu.memory_space<semaphore_mem>>, %arg32: memref<!tpu.dma_semaphore, #tpu.memory_space<semaphore_mem>>, %arg33: memref<!tpu.dma_semaphore, #tpu.memory_space<semaphore_mem>>, %arg34: memref<!tpu.dma_semaphore, #tpu.memory_space<semaphore_mem>>, %arg35: memref<!tpu.dma_semaphore, #tpu.memory_space<semaphore_mem>>, %arg36: memref<!tpu.dma_semaphore, #tpu.memory_space<semaphore_mem>>, %arg37: memref<!tpu.dma_semaphore, #tpu.memory_space<semaphore_mem>>, %arg38: memref<!tpu.dma_semaphore, #tpu.memory_space<semaphore_mem>>, %arg39: memref<!tpu.dma_semaphore, #tpu.memory_space<semaphore_mem>>, %arg40: memref<!tpu.dma_semaphore, #tpu.memory_space<semaphore_mem>>) attributes {dimension_semantics = [#tpu.dimension_semantics<core_parallel>, #tpu.dimension_semantics<subcore_parallel>], iteration_bounds = array<i64: 2, 16>, scalar_prefetch = 0 : i64, scratch_operands = 36 : i64, tpu.core_type = #tpu.core_type<sc_vector_subcore>, window_params = [{transform_indices = #map}, {transform_indices = #map1}, {transform_indices = #map1}]} {
    %mul3A = arith.constant 2 : i32
    %mul3A_0 = arith.muli %arg1, %mul3A : i32
    %add3A = arith.addi %mul3A_0, %arg0 : i32
    %mul3A_1 = arith.constant 512 : i32
    %mul3A_2 = arith.muli %add3A, %mul3A_1 : i32
    %iota3A = tpu.iota {dimensions = array<i32: 0>} : vector<16xi32>
    %eq3A = arith.constant 15 : i32
    %eq3A_3 = vector.broadcast %eq3A : i32 to vector<16xi32>
    %eq3A_4 = arith.cmpi eq, %iota3A, %eq3A_3 : vector<16xi32>
    %dma_start3A = tpu.memref_slice %arg3[%mul3A_2] : memref<16384xi32, #tpu.memory_space<hbm>> -> memref<512xi32, #tpu.memory_space<hbm>>
    %dma_start3A_5 = tpu.memref_slice %arg3[%mul3A_2] : memref<16384xi32, #tpu.memory_space<hbm>> -> memref<512xi32, #tpu.memory_space<hbm>>
    tpu.enqueue_dma source(%dma_start3A_5 : memref<512xi32, #tpu.memory_space<hbm>>) target(%arg5 : memref<512xi32, #tpu.memory_space<vmem>>) target_semaphore(%arg39 : memref<!tpu.dma_semaphore, #tpu.memory_space<semaphore_mem>>)
    %dma_start3A_6 = arith.constant 0 : i32
    %dma_start3A_7 = tpu.memref_slice %arg2[%mul3A_2, %dma_start3A_6] : memref<16384x128xf32, #tpu.memory_space<hbm>> -> memref<32x128xf32, #tpu.memory_space<hbm>>
    %dma_start3A_8 = arith.constant 0 : i32
    %dma_start3A_9 = tpu.memref_slice %arg2[%mul3A_2, %dma_start3A_8] : memref<16384x128xf32, #tpu.memory_space<hbm>> -> memref<32x128xf32, #tpu.memory_space<hbm>>
    tpu.enqueue_dma source(%dma_start3A_9 : memref<32x128xf32, #tpu.memory_space<hbm>>) target(%arg6 : memref<32x128xf32, #tpu.memory_space<vmem>>) target_semaphore(%arg31 : memref<!tpu.dma_semaphore, #tpu.memory_space<semaphore_mem>>)
    %dma_wait3A = tpu.memref_slice %arg3[%mul3A_2] : memref<16384xi32, #tpu.memory_space<hbm>> -> memref<512xi32, #tpu.memory_space<hbm>>
    %dma_wait3A_10 = tpu.memref_slice %arg3[%mul3A_2] : memref<16384xi32, #tpu.memory_space<hbm>> -> memref<512xi32, #tpu.memory_space<hbm>>
    tpu.wait_dma2 semaphore(%arg39 : memref<!tpu.dma_semaphore, #tpu.memory_space<semaphore_mem>>) src(%dma_wait3A_10 : memref<512xi32, #tpu.memory_space<hbm>>) dst(%arg5 : memref<512xi32, #tpu.memory_space<vmem>>)
    %dma_start3A_11 = arith.constant 0 : i32
    %dma_start3A_12 = tpu.memref_slice %arg5[%dma_start3A_11] : memref<512xi32, #tpu.memory_space<vmem>> -> memref<32xi32, #tpu.memory_space<vmem>>
    %dma_start3A_13 = arith.constant 0 : i32
    %dma_start3A_14 = arith.constant 0 : i32
    %dma_start3A_15 = tpu.memref_slice %arg2[%dma_start3A_13, %dma_start3A_14] : memref<16384x128xf32, #tpu.memory_space<hbm>> -> memref<16384x128xf32, #tpu.memory_space<hbm>>
    tpu.enqueue_indirect_dma source(%dma_start3A_15 : memref<16384x128xf32, #tpu.memory_space<hbm>>) target(%arg14 : memref<32x128xf32, #tpu.memory_space<vmem>>) offsets(%dma_start3A_12 : memref<32xi32, #tpu.memory_space<vmem>>) semaphore(%arg23 : memref<!tpu.dma_semaphore, #tpu.memory_space<semaphore_mem>>)
    %add3A_16 = arith.constant 32 : i32
    %add3A_17 = arith.addi %mul3A_2, %add3A_16 : i32
    %dma_start3A_18 = arith.constant 0 : i32
    %dma_start3A_19 = tpu.memref_slice %arg2[%add3A_17, %dma_start3A_18] : memref<16384x128xf32, #tpu.memory_space<hbm>> -> memref<32x128xf32, #tpu.memory_space<hbm>>
    %dma_start3A_20 = arith.constant 0 : i32
    %dma_start3A_21 = tpu.memref_slice %arg2[%add3A_17, %dma_start3A_20] : memref<16384x128xf32, #tpu.memory_space<hbm>> -> memref<32x128xf32, #tpu.memory_space<hbm>>
    tpu.enqueue_dma source(%dma_start3A_21 : memref<32x128xf32, #tpu.memory_space<hbm>>) target(%arg7 : memref<32x128xf32, #tpu.memory_space<vmem>>) target_semaphore(%arg32 : memref<!tpu.dma_semaphore, #tpu.memory_space<semaphore_mem>>)
    %dma_start3A_22 = arith.constant 32 : i32
    %dma_start3A_23 = tpu.memref_slice %arg5[%dma_start3A_22] : memref<512xi32, #tpu.memory_space<vmem>> -> memref<32xi32, #tpu.memory_space<vmem>>
    %dma_start3A_24 = arith.constant 0 : i32
    %dma_start3A_25 = arith.constant 0 : i32
    %dma_start3A_26 = tpu.memref_slice %arg2[%dma_start3A_24, %dma_start3A_25] : memref<16384x128xf32, #tpu.memory_space<hbm>> -> memref<16384x128xf32, #tpu.memory_space<hbm>>
    tpu.enqueue_indirect_dma source(%dma_start3A_26 : memref<16384x128xf32, #tpu.memory_space<hbm>>) target(%arg15 : memref<32x128xf32, #tpu.memory_space<vmem>>) offsets(%dma_start3A_23 : memref<32xi32, #tpu.memory_space<vmem>>) semaphore(%arg24 : memref<!tpu.dma_semaphore, #tpu.memory_space<semaphore_mem>>)
    %add3A_27 = arith.constant 64 : i32
    %add3A_28 = arith.addi %mul3A_2, %add3A_27 : i32
    %dma_start3A_29 = arith.constant 0 : i32
    %dma_start3A_30 = tpu.memref_slice %arg2[%add3A_28, %dma_start3A_29] : memref<16384x128xf32, #tpu.memory_space<hbm>> -> memref<32x128xf32, #tpu.memory_space<hbm>>
    %dma_start3A_31 = arith.constant 0 : i32
    %dma_start3A_32 = tpu.memref_slice %arg2[%add3A_28, %dma_start3A_31] : memref<16384x128xf32, #tpu.memory_space<hbm>> -> memref<32x128xf32, #tpu.memory_space<hbm>>
    tpu.enqueue_dma source(%dma_start3A_32 : memref<32x128xf32, #tpu.memory_space<hbm>>) target(%arg8 : memref<32x128xf32, #tpu.memory_space<vmem>>) target_semaphore(%arg33 : memref<!tpu.dma_semaphore, #tpu.memory_space<semaphore_mem>>)
    %dma_start3A_33 = arith.constant 64 : i32
    %dma_start3A_34 = tpu.memref_slice %arg5[%dma_start3A_33] : memref<512xi32, #tpu.memory_space<vmem>> -> memref<32xi32, #tpu.memory_space<vmem>>
    %dma_start3A_35 = arith.constant 0 : i32
    %dma_start3A_36 = arith.constant 0 : i32
    %dma_start3A_37 = tpu.memref_slice %arg2[%dma_start3A_35, %dma_start3A_36] : memref<16384x128xf32, #tpu.memory_space<hbm>> -> memref<16384x128xf32, #tpu.memory_space<hbm>>
    tpu.enqueue_indirect_dma source(%dma_start3A_37 : memref<16384x128xf32, #tpu.memory_space<hbm>>) target(%arg16 : memref<32x128xf32, #tpu.memory_space<vmem>>) offsets(%dma_start3A_34 : memref<32xi32, #tpu.memory_space<vmem>>) semaphore(%arg25 : memref<!tpu.dma_semaphore, #tpu.memory_space<semaphore_mem>>)
    %add3A_38 = arith.constant 96 : i32
    %add3A_39 = arith.addi %mul3A_2, %add3A_38 : i32
    %dma_start3A_40 = arith.constant 0 : i32
    %dma_start3A_41 = tpu.memref_slice %arg2[%add3A_39, %dma_start3A_40] : memref<16384x128xf32, #tpu.memory_space<hbm>> -> memref<32x128xf32, #tpu.memory_space<hbm>>
    %dma_start3A_42 = arith.constant 0 : i32
    %dma_start3A_43 = tpu.memref_slice %arg2[%add3A_39, %dma_start3A_42] : memref<16384x128xf32, #tpu.memory_space<hbm>> -> memref<32x128xf32, #tpu.memory_space<hbm>>
    tpu.enqueue_dma source(%dma_start3A_43 : memref<32x128xf32, #tpu.memory_space<hbm>>) target(%arg9 : memref<32x128xf32, #tpu.memory_space<vmem>>) target_semaphore(%arg34 : memref<!tpu.dma_semaphore, #tpu.memory_space<semaphore_mem>>)
    %dma_start3A_44 = arith.constant 96 : i32
    %dma_start3A_45 = tpu.memref_slice %arg5[%dma_start3A_44] : memref<512xi32, #tpu.memory_space<vmem>> -> memref<32xi32, #tpu.memory_space<vmem>>
    %dma_start3A_46 = arith.constant 0 : i32
    %dma_start3A_47 = arith.constant 0 : i32
    %dma_start3A_48 = tpu.memref_slice %arg2[%dma_start3A_46, %dma_start3A_47] : memref<16384x128xf32, #tpu.memory_space<hbm>> -> memref<16384x128xf32, #tpu.memory_space<hbm>>
    tpu.enqueue_indirect_dma source(%dma_start3A_48 : memref<16384x128xf32, #tpu.memory_space<hbm>>) target(%arg17 : memref<32x128xf32, #tpu.memory_space<vmem>>) offsets(%dma_start3A_45 : memref<32xi32, #tpu.memory_space<vmem>>) semaphore(%arg26 : memref<!tpu.dma_semaphore, #tpu.memory_space<semaphore_mem>>)
    %add3A_49 = arith.constant 128 : i32
    %add3A_50 = arith.addi %mul3A_2, %add3A_49 : i32
    %dma_start3A_51 = arith.constant 0 : i32
    %dma_start3A_52 = tpu.memref_slice %arg2[%add3A_50, %dma_start3A_51] : memref<16384x128xf32, #tpu.memory_space<hbm>> -> memref<32x128xf32, #tpu.memory_space<hbm>>
    %dma_start3A_53 = arith.constant 0 : i32
    %dma_start3A_54 = tpu.memref_slice %arg2[%add3A_50, %dma_start3A_53] : memref<16384x128xf32, #tpu.memory_space<hbm>> -> memref<32x128xf32, #tpu.memory_space<hbm>>
    tpu.enqueue_dma source(%dma_start3A_54 : memref<32x128xf32, #tpu.memory_space<hbm>>) target(%arg10 : memref<32x128xf32, #tpu.memory_space<vmem>>) target_semaphore(%arg35 : memref<!tpu.dma_semaphore, #tpu.memory_space<semaphore_mem>>)
    %dma_start3A_55 = arith.constant 128 : i32
    %dma_start3A_56 = tpu.memref_slice %arg5[%dma_start3A_55] : memref<512xi32, #tpu.memory_space<vmem>> -> memref<32xi32, #tpu.memory_space<vmem>>
    %dma_start3A_57 = arith.constant 0 : i32
    %dma_start3A_58 = arith.constant 0 : i32
    %dma_start3A_59 = tpu.memref_slice %arg2[%dma_start3A_57, %dma_start3A_58] : memref<16384x128xf32, #tpu.memory_space<hbm>> -> memref<16384x128xf32, #tpu.memory_space<hbm>>
    tpu.enqueue_indirect_dma source(%dma_start3A_59 : memref<16384x128xf32, #tpu.memory_space<hbm>>) target(%arg18 : memref<32x128xf32, #tpu.memory_space<vmem>>) offsets(%dma_start3A_56 : memref<32xi32, #tpu.memory_space<vmem>>) semaphore(%arg27 : memref<!tpu.dma_semaphore, #tpu.memory_space<semaphore_mem>>)
    %add3A_60 = arith.constant 160 : i32
    %add3A_61 = arith.addi %mul3A_2, %add3A_60 : i32
    %dma_start3A_62 = arith.constant 0 : i32
    %dma_start3A_63 = tpu.memref_slice %arg2[%add3A_61, %dma_start3A_62] : memref<16384x128xf32, #tpu.memory_space<hbm>> -> memref<32x128xf32, #tpu.memory_space<hbm>>
    %dma_start3A_64 = arith.constant 0 : i32
    %dma_start3A_65 = tpu.memref_slice %arg2[%add3A_61, %dma_start3A_64] : memref<16384x128xf32, #tpu.memory_space<hbm>> -> memref<32x128xf32, #tpu.memory_space<hbm>>
    tpu.enqueue_dma source(%dma_start3A_65 : memref<32x128xf32, #tpu.memory_space<hbm>>) target(%arg11 : memref<32x128xf32, #tpu.memory_space<vmem>>) target_semaphore(%arg36 : memref<!tpu.dma_semaphore, #tpu.memory_space<semaphore_mem>>)
    %dma_start3A_66 = arith.constant 160 : i32
    %dma_start3A_67 = tpu.memref_slice %arg5[%dma_start3A_66] : memref<512xi32, #tpu.memory_space<vmem>> -> memref<32xi32, #tpu.memory_space<vmem>>
    %dma_start3A_68 = arith.constant 0 : i32
    %dma_start3A_69 = arith.constant 0 : i32
    %dma_start3A_70 = tpu.memref_slice %arg2[%dma_start3A_68, %dma_start3A_69] : memref<16384x128xf32, #tpu.memory_space<hbm>> -> memref<16384x128xf32, #tpu.memory_space<hbm>>
    tpu.enqueue_indirect_dma source(%dma_start3A_70 : memref<16384x128xf32, #tpu.memory_space<hbm>>) target(%arg19 : memref<32x128xf32, #tpu.memory_space<vmem>>) offsets(%dma_start3A_67 : memref<32xi32, #tpu.memory_space<vmem>>) semaphore(%arg28 : memref<!tpu.dma_semaphore, #tpu.memory_space<semaphore_mem>>)
    %add3A_71 = arith.constant 192 : i32
    %add3A_72 = arith.addi %mul3A_2, %add3A_71 : i32
    %dma_start3A_73 = arith.constant 0 : i32
    %dma_start3A_74 = tpu.memref_slice %arg2[%add3A_72, %dma_start3A_73] : memref<16384x128xf32, #tpu.memory_space<hbm>> -> memref<32x128xf32, #tpu.memory_space<hbm>>
    %dma_start3A_75 = arith.constant 0 : i32
    %dma_start3A_76 = tpu.memref_slice %arg2[%add3A_72, %dma_start3A_75] : memref<16384x128xf32, #tpu.memory_space<hbm>> -> memref<32x128xf32, #tpu.memory_space<hbm>>
    tpu.enqueue_dma source(%dma_start3A_76 : memref<32x128xf32, #tpu.memory_space<hbm>>) target(%arg12 : memref<32x128xf32, #tpu.memory_space<vmem>>) target_semaphore(%arg37 : memref<!tpu.dma_semaphore, #tpu.memory_space<semaphore_mem>>)
    %dma_start3A_77 = arith.constant 192 : i32
    %dma_start3A_78 = tpu.memref_slice %arg5[%dma_start3A_77] : memref<512xi32, #tpu.memory_space<vmem>> -> memref<32xi32, #tpu.memory_space<vmem>>
    %dma_start3A_79 = arith.constant 0 : i32
    %dma_start3A_80 = arith.constant 0 : i32
    %dma_start3A_81 = tpu.memref_slice %arg2[%dma_start3A_79, %dma_start3A_80] : memref<16384x128xf32, #tpu.memory_space<hbm>> -> memref<16384x128xf32, #tpu.memory_space<hbm>>
    tpu.enqueue_indirect_dma source(%dma_start3A_81 : memref<16384x128xf32, #tpu.memory_space<hbm>>) target(%arg20 : memref<32x128xf32, #tpu.memory_space<vmem>>) offsets(%dma_start3A_78 : memref<32xi32, #tpu.memory_space<vmem>>) semaphore(%arg29 : memref<!tpu.dma_semaphore, #tpu.memory_space<semaphore_mem>>)
    %add3A_82 = arith.constant 224 : i32
    %add3A_83 = arith.addi %mul3A_2, %add3A_82 : i32
    %dma_start3A_84 = arith.constant 0 : i32
    %dma_start3A_85 = tpu.memref_slice %arg2[%add3A_83, %dma_start3A_84] : memref<16384x128xf32, #tpu.memory_space<hbm>> -> memref<32x128xf32, #tpu.memory_space<hbm>>
    %dma_start3A_86 = arith.constant 0 : i32
    %dma_start3A_87 = tpu.memref_slice %arg2[%add3A_83, %dma_start3A_86] : memref<16384x128xf32, #tpu.memory_space<hbm>> -> memref<32x128xf32, #tpu.memory_space<hbm>>
    tpu.enqueue_dma source(%dma_start3A_87 : memref<32x128xf32, #tpu.memory_space<hbm>>) target(%arg13 : memref<32x128xf32, #tpu.memory_space<vmem>>) target_semaphore(%arg38 : memref<!tpu.dma_semaphore, #tpu.memory_space<semaphore_mem>>)
    %dma_start3A_88 = arith.constant 224 : i32
    %dma_start3A_89 = tpu.memref_slice %arg5[%dma_start3A_88] : memref<512xi32, #tpu.memory_space<vmem>> -> memref<32xi32, #tpu.memory_space<vmem>>
    %dma_start3A_90 = arith.constant 0 : i32
    %dma_start3A_91 = arith.constant 0 : i32
    %dma_start3A_92 = tpu.memref_slice %arg2[%dma_start3A_90, %dma_start3A_91] : memref<16384x128xf32, #tpu.memory_space<hbm>> -> memref<16384x128xf32, #tpu.memory_space<hbm>>
    tpu.enqueue_indirect_dma source(%dma_start3A_92 : memref<16384x128xf32, #tpu.memory_space<hbm>>) target(%arg21 : memref<32x128xf32, #tpu.memory_space<vmem>>) offsets(%dma_start3A_89 : memref<32xi32, #tpu.memory_space<vmem>>) semaphore(%arg30 : memref<!tpu.dma_semaphore, #tpu.memory_space<semaphore_mem>>)
    %scan3A = arith.constant 0 : i32
    %scan3A_93 = arith.constant 0 : i32
    %scan3A_94 = arith.constant 2 : i32
    %scan3A_95 = arith.addi %scan3A_93, %scan3A_94 : i32
    %scan3A_96 = arith.constant 1 : i32
    scf.for %scan3A_100 = %scan3A_93 to %scan3A_95 step %scan3A_96  : i32 {
      %mul3A_101 = arith.constant 8 : i32
      %mul3A_102 = arith.muli %scan3A_100, %mul3A_101 : i32
      %add3A_103 = arith.constant 0 : i32
      %add3A_104 = arith.addi %mul3A_102, %add3A_103 : i32
      %mul3A_105 = arith.constant 32 : i32
      %mul3A_106 = arith.muli %add3A_104, %mul3A_105 : i32
      %dma_wait3A_107 = arith.constant 0 : i32
      %dma_wait3A_108 = arith.constant 0 : i32
      %dma_wait3A_109 = tpu.memref_slice %arg2[%dma_wait3A_107, %dma_wait3A_108] : memref<16384x128xf32, #tpu.memory_space<hbm>> -> memref<32x128xf32, #tpu.memory_space<hbm>>
      %dma_wait3A_110 = arith.constant 0 : i32
      %dma_wait3A_111 = arith.constant 0 : i32
      %dma_wait3A_112 = tpu.memref_slice %arg2[%dma_wait3A_110, %dma_wait3A_111] : memref<16384x128xf32, #tpu.memory_space<hbm>> -> memref<32x128xf32, #tpu.memory_space<hbm>>
      tpu.wait_dma2 semaphore(%arg23 : memref<!tpu.dma_semaphore, #tpu.memory_space<semaphore_mem>>) src(%dma_wait3A_112 : memref<32x128xf32, #tpu.memory_space<hbm>>) dst(%arg14 : memref<32x128xf32, #tpu.memory_space<vmem>>)
      %dma_wait3A_113 = arith.constant 0 : i32
      %dma_wait3A_114 = arith.constant 0 : i32
      %dma_wait3A_115 = tpu.memref_slice %arg2[%dma_wait3A_113, %dma_wait3A_114] : memref<16384x128xf32, #tpu.memory_space<hbm>> -> memref<32x128xf32, #tpu.memory_space<hbm>>
      %dma_wait3A_116 = arith.constant 0 : i32
      %dma_wait3A_117 = arith.constant 0 : i32
      %dma_wait3A_118 = tpu.memref_slice %arg2[%dma_wait3A_116, %dma_wait3A_117] : memref<16384x128xf32, #tpu.memory_space<hbm>> -> memref<32x128xf32, #tpu.memory_space<hbm>>
      tpu.wait_dma2 semaphore(%arg31 : memref<!tpu.dma_semaphore, #tpu.memory_space<semaphore_mem>>) src(%dma_wait3A_118 : memref<32x128xf32, #tpu.memory_space<hbm>>) dst(%arg6 : memref<32x128xf32, #tpu.memory_space<vmem>>)
      %parallel_loop3A = arith.constant 0 : i32
      %parallel_loop3A_119 = arith.constant 32 : i32
      %parallel_loop3A_120 = arith.constant 1 : i32
      scf.for %parallel_loop3A_361 = %parallel_loop3A to %parallel_loop3A_119 step %parallel_loop3A_120  : i32 {
        %parallel_loop3A_362 = arith.addi %mul3A_106, %parallel_loop3A_361 : i32
        %parallel_loop3A_363 = arith.index_cast %parallel_loop3A_361 : i32 to index
        %parallel_loop3A_364 = arith.constant 0 : index
        %parallel_loop3A_365 = tpu.vector_load %arg6[%parallel_loop3A_363, %parallel_loop3A_364] {strides = array<i32>} : memref<32x128xf32, #tpu.memory_space<vmem>>, vector<16xf32>,
        %parallel_loop3A_366 = arith.index_cast %parallel_loop3A_361 : i32 to index
        %parallel_loop3A_367 = arith.constant 0 : index
        %parallel_loop3A_368 = tpu.vector_load %arg14[%parallel_loop3A_366, %parallel_loop3A_367] {strides = array<i32>} : memref<32x128xf32, #tpu.memory_space<vmem>>, vector<16xf32>,
        %parallel_loop3A_369 = arith.subf %parallel_loop3A_365, %parallel_loop3A_368 : vector<16xf32>
        %parallel_loop3A_370 = math.absf %parallel_loop3A_369 : vector<16xf32>
        %parallel_loop3A_371 = arith.index_cast %parallel_loop3A_361 : i32 to index
        %parallel_loop3A_372 = arith.constant 16 : index
        %parallel_loop3A_373 = tpu.vector_load %arg6[%parallel_loop3A_371, %parallel_loop3A_372] {strides = array<i32>} : memref<32x128xf32, #tpu.memory_space<vmem>>, vector<16xf32>,
        %parallel_loop3A_374 = arith.index_cast %parallel_loop3A_361 : i32 to index
        %parallel_loop3A_375 = arith.constant 16 : index
        %parallel_loop3A_376 = tpu.vector_load %arg14[%parallel_loop3A_374, %parallel_loop3A_375] {strides = array<i32>} : memref<32x128xf32, #tpu.memory_space<vmem>>, vector<16xf32>,
        %parallel_loop3A_377 = arith.subf %parallel_loop3A_373, %parallel_loop3A_376 : vector<16xf32>
        %parallel_loop3A_378 = math.absf %parallel_loop3A_377 : vector<16xf32>
        %parallel_loop3A_379 = arith.index_cast %parallel_loop3A_361 : i32 to index
        %parallel_loop3A_380 = arith.constant 32 : index
        %parallel_loop3A_381 = tpu.vector_load %arg6[%parallel_loop3A_379, %parallel_loop3A_380] {strides = array<i32>} : memref<32x128xf32, #tpu.memory_space<vmem>>, vector<16xf32>,
        %parallel_loop3A_382 = arith.index_cast %parallel_loop3A_361 : i32 to index
        %parallel_loop3A_383 = arith.constant 32 : index
        %parallel_loop3A_384 = tpu.vector_load %arg14[%parallel_loop3A_382, %parallel_loop3A_383] {strides = array<i32>} : memref<32x128xf32, #tpu.memory_space<vmem>>, vector<16xf32>,
        %parallel_loop3A_385 = arith.subf %parallel_loop3A_381, %parallel_loop3A_384 : vector<16xf32>
        %parallel_loop3A_386 = math.absf %parallel_loop3A_385 : vector<16xf32>
        %parallel_loop3A_387 = arith.addf %parallel_loop3A_370, %parallel_loop3A_386 : vector<16xf32>
        %parallel_loop3A_388 = arith.index_cast %parallel_loop3A_361 : i32 to index
        %parallel_loop3A_389 = arith.constant 48 : index
        %parallel_loop3A_390 = tpu.vector_load %arg6[%parallel_loop3A_388, %parallel_loop3A_389] {strides = array<i32>} : memref<32x128xf32, #tpu.memory_space<vmem>>, vector<16xf32>,
        %parallel_loop3A_391 = arith.index_cast %parallel_loop3A_361 : i32 to index
        %parallel_loop3A_392 = arith.constant 48 : index
        %parallel_loop3A_393 = tpu.vector_load %arg14[%parallel_loop3A_391, %parallel_loop3A_392] {strides = array<i32>} : memref<32x128xf32, #tpu.memory_space<vmem>>, vector<16xf32>,
        %parallel_loop3A_394 = arith.subf %parallel_loop3A_390, %parallel_loop3A_393 : vector<16xf32>
        %parallel_loop3A_395 = math.absf %parallel_loop3A_394 : vector<16xf32>
        %parallel_loop3A_396 = arith.addf %parallel_loop3A_378, %parallel_loop3A_395 : vector<16xf32>
        %parallel_loop3A_397 = arith.index_cast %parallel_loop3A_361 : i32 to index
        %parallel_loop3A_398 = arith.constant 64 : index
        %parallel_loop3A_399 = tpu.vector_load %arg6[%parallel_loop3A_397, %parallel_loop3A_398] {strides = array<i32>} : memref<32x128xf32, #tpu.memory_space<vmem>>, vector<16xf32>,
        %parallel_loop3A_400 = arith.index_cast %parallel_loop3A_361 : i32 to index
        %parallel_loop3A_401 = arith.constant 64 : index
        %parallel_loop3A_402 = tpu.vector_load %arg14[%parallel_loop3A_400, %parallel_loop3A_401] {strides = array<i32>} : memref<32x128xf32, #tpu.memory_space<vmem>>, vector<16xf32>,
        %parallel_loop3A_403 = arith.subf %parallel_loop3A_399, %parallel_loop3A_402 : vector<16xf32>
        %parallel_loop3A_404 = math.absf %parallel_loop3A_403 : vector<16xf32>
        %parallel_loop3A_405 = arith.addf %parallel_loop3A_387, %parallel_loop3A_404 : vector<16xf32>
        %parallel_loop3A_406 = arith.index_cast %parallel_loop3A_361 : i32 to index
        %parallel_loop3A_407 = arith.constant 80 : index
        %parallel_loop3A_408 = tpu.vector_load %arg6[%parallel_loop3A_406, %parallel_loop3A_407] {strides = array<i32>} : memref<32x128xf32, #tpu.memory_space<vmem>>, vector<16xf32>,
        %parallel_loop3A_409 = arith.index_cast %parallel_loop3A_361 : i32 to index
        %parallel_loop3A_410 = arith.constant 80 : index
        %parallel_loop3A_411 = tpu.vector_load %arg14[%parallel_loop3A_409, %parallel_loop3A_410] {strides = array<i32>} : memref<32x128xf32, #tpu.memory_space<vmem>>, vector<16xf32>,
        %parallel_loop3A_412 = arith.subf %parallel_loop3A_408, %parallel_loop3A_411 : vector<16xf32>
        %parallel_loop3A_413 = math.absf %parallel_loop3A_412 : vector<16xf32>
        %parallel_loop3A_414 = arith.addf %parallel_loop3A_396, %parallel_loop3A_413 : vector<16xf32>
        %parallel_loop3A_415 = arith.index_cast %parallel_loop3A_361 : i32 to index
        %parallel_loop3A_416 = arith.constant 96 : index
        %parallel_loop3A_417 = tpu.vector_load %arg6[%parallel_loop3A_415, %parallel_loop3A_416] {strides = array<i32>} : memref<32x128xf32, #tpu.memory_space<vmem>>, vector<16xf32>,
        %parallel_loop3A_418 = arith.index_cast %parallel_loop3A_361 : i32 to index
        %parallel_loop3A_419 = arith.constant 96 : index
        %parallel_loop3A_420 = tpu.vector_load %arg14[%parallel_loop3A_418, %parallel_loop3A_419] {strides = array<i32>} : memref<32x128xf32, #tpu.memory_space<vmem>>, vector<16xf32>,
        %parallel_loop3A_421 = arith.subf %parallel_loop3A_417, %parallel_loop3A_420 : vector<16xf32>
        %parallel_loop3A_422 = math.absf %parallel_loop3A_421 : vector<16xf32>
        %parallel_loop3A_423 = arith.addf %parallel_loop3A_405, %parallel_loop3A_422 : vector<16xf32>
        %parallel_loop3A_424 = arith.index_cast %parallel_loop3A_361 : i32 to index
        %parallel_loop3A_425 = arith.constant 112 : index
        %parallel_loop3A_426 = tpu.vector_load %arg6[%parallel_loop3A_424, %parallel_loop3A_425] {strides = array<i32>} : memref<32x128xf32, #tpu.memory_space<vmem>>, vector<16xf32>,
        %parallel_loop3A_427 = arith.index_cast %parallel_loop3A_361 : i32 to index
        %parallel_loop3A_428 = arith.constant 112 : index
        %parallel_loop3A_429 = tpu.vector_load %arg14[%parallel_loop3A_427, %parallel_loop3A_428] {strides = array<i32>} : memref<32x128xf32, #tpu.memory_space<vmem>>, vector<16xf32>,
        %parallel_loop3A_430 = arith.subf %parallel_loop3A_426, %parallel_loop3A_429 : vector<16xf32>
        %parallel_loop3A_431 = math.absf %parallel_loop3A_430 : vector<16xf32>
        %parallel_loop3A_432 = arith.addf %parallel_loop3A_414, %parallel_loop3A_431 : vector<16xf32>
        %parallel_loop3A_433 = arith.addf %parallel_loop3A_423, %parallel_loop3A_432 : vector<16xf32>
        %parallel_loop3A_434 = arith.constant true
        %parallel_loop3A_435 = vector.broadcast %parallel_loop3A_434 : i1 to vector<16xi1>
        %parallel_loop3A_436 = tpu.scan <sum>, %parallel_loop3A_433 masked %parallel_loop3A_435 : vector<16xf32>, vector<16xi1> -> vector<16xf32>
        %parallel_loop3A_437 = vector.broadcast %parallel_loop3A_362 : i32 to vector<16xi32>
        %parallel_loop3A_438 = arith.constant 0.000000e+00 : f32
        %parallel_loop3A_439 = vector.broadcast %parallel_loop3A_438 : f32 to vector<16xf32>
        %parallel_loop3A_440 = arith.subf %parallel_loop3A_439, %parallel_loop3A_436 : vector<16xf32>
        %parallel_loop3A_441 = math.exp %parallel_loop3A_440 : vector<16xf32>
        tpu.vector_store_idx %arg22[%parallel_loop3A_437], %parallel_loop3A_441 masked %eq3A_4 : memref<512xf32, #tpu.memory_space<vmem>>[vector<16xi32>], vector<16xf32>, vector<16xi1>
      } {sc.loop_unroll_factor = 4 : i64, sc.parallel_access}
      %add3A_121 = arith.addi %mul3A_2, %mul3A_106 : i32
      %dma_start3A_122 = tpu.memref_slice %arg22[%mul3A_106] : memref<512xf32, #tpu.memory_space<vmem>> -> memref<32xf32, #tpu.memory_space<vmem>>
      %dma_start3A_123 = tpu.memref_slice %arg4[%add3A_121] : memref<16384xf32, #tpu.memory_space<hbm>> -> memref<32xf32, #tpu.memory_space<hbm>>
      %dma_start3A_124 = tpu.memref_slice %arg4[%add3A_121] : memref<16384xf32, #tpu.memory_space<hbm>> -> memref<32xf32, #tpu.memory_space<hbm>>
      %dma_start3A_125 = tpu.memref_slice %arg22[%mul3A_106] : memref<512xf32, #tpu.memory_space<vmem>> -> memref<32xf32, #tpu.memory_space<vmem>>
      tpu.enqueue_dma source(%dma_start3A_125 : memref<32xf32, #tpu.memory_space<vmem>>) target(%dma_start3A_124 : memref<32xf32, #tpu.memory_space<hbm>>) target_semaphore(%arg40 : memref<!tpu.dma_semaphore, #tpu.memory_space<semaphore_mem>>)
      %add3A_126 = arith.constant 8 : i32
      %add3A_127 = arith.addi %add3A_104, %add3A_126 : i32
      %lt3A = arith.constant 16 : i32
      %lt3A_128 = arith.cmpi slt, %add3A_127, %lt3A : i32
      %convert_element_type3A = arith.extui %lt3A_128 : i1 to i32
      %cond3A = arith.constant 0 : i32
      %cond3A_129 = arith.cmpi ne, %convert_element_type3A, %cond3A : i32
      scf.if %cond3A_129 {
        %add3A_361 = arith.constant 8 : i32
        %add3A_362 = arith.addi %add3A_104, %add3A_361 : i32
        %mul3A_363 = arith.constant 32 : i32
        %mul3A_364 = arith.muli %add3A_362, %mul3A_363 : i32
        %add3A_365 = arith.addi %mul3A_2, %mul3A_364 : i32
        %dma_start3A_366 = arith.constant 0 : i32
        %dma_start3A_367 = tpu.memref_slice %arg2[%add3A_365, %dma_start3A_366] : memref<16384x128xf32, #tpu.memory_space<hbm>> -> memref<32x128xf32, #tpu.memory_space<hbm>>
        %dma_start3A_368 = arith.constant 0 : i32
        %dma_start3A_369 = tpu.memref_slice %arg2[%add3A_365, %dma_start3A_368] : memref<16384x128xf32, #tpu.memory_space<hbm>> -> memref<32x128xf32, #tpu.memory_space<hbm>>
        tpu.enqueue_dma source(%dma_start3A_369 : memref<32x128xf32, #tpu.memory_space<hbm>>) target(%arg6 : memref<32x128xf32, #tpu.memory_space<vmem>>) target_semaphore(%arg31 : memref<!tpu.dma_semaphore, #tpu.memory_space<semaphore_mem>>)
        %mul3A_370 = arith.constant 32 : i32
        %mul3A_371 = arith.muli %add3A_362, %mul3A_370 : i32
        %dma_start3A_372 = tpu.memref_slice %arg5[%mul3A_371] : memref<512xi32, #tpu.memory_space<vmem>> -> memref<32xi32, #tpu.memory_space<vmem>>
        %dma_start3A_373 = arith.constant 0 : i32
        %dma_start3A_374 = arith.constant 0 : i32
        %dma_start3A_375 = tpu.memref_slice %arg2[%dma_start3A_373, %dma_start3A_374] : memref<16384x128xf32, #tpu.memory_space<hbm>> -> memref<16384x128xf32, #tpu.memory_space<hbm>>
        tpu.enqueue_indirect_dma source(%dma_start3A_375 : memref<16384x128xf32, #tpu.memory_space<hbm>>) target(%arg14 : memref<32x128xf32, #tpu.memory_space<vmem>>) offsets(%dma_start3A_372 : memref<32xi32, #tpu.memory_space<vmem>>) semaphore(%arg23 : memref<!tpu.dma_semaphore, #tpu.memory_space<semaphore_mem>>)
      } else {
      }
      %mul3A_130 = arith.constant 8 : i32
      %mul3A_131 = arith.muli %scan3A_100, %mul3A_130 : i32
      %add3A_132 = arith.constant 1 : i32
      %add3A_133 = arith.addi %mul3A_131, %add3A_132 : i32
      %mul3A_134 = arith.constant 32 : i32
      %mul3A_135 = arith.muli %add3A_133, %mul3A_134 : i32
      %dma_wait3A_136 = arith.constant 0 : i32
      %dma_wait3A_137 = arith.constant 0 : i32
      %dma_wait3A_138 = tpu.memref_slice %arg2[%dma_wait3A_136, %dma_wait3A_137] : memref<16384x128xf32, #tpu.memory_space<hbm>> -> memref<32x128xf32, #tpu.memory_space<hbm>>
      %dma_wait3A_139 = arith.constant 0 : i32
      %dma_wait3A_140 = arith.constant 0 : i32
      %dma_wait3A_141 = tpu.memref_slice %arg2[%dma_wait3A_139, %dma_wait3A_140] : memref<16384x128xf32, #tpu.memory_space<hbm>> -> memref<32x128xf32, #tpu.memory_space<hbm>>
      tpu.wait_dma2 semaphore(%arg24 : memref<!tpu.dma_semaphore, #tpu.memory_space<semaphore_mem>>) src(%dma_wait3A_141 : memref<32x128xf32, #tpu.memory_space<hbm>>) dst(%arg15 : memref<32x128xf32, #tpu.memory_space<vmem>>)
      %dma_wait3A_142 = arith.constant 0 : i32
      %dma_wait3A_143 = arith.constant 0 : i32
      %dma_wait3A_144 = tpu.memref_slice %arg2[%dma_wait3A_142, %dma_wait3A_143] : memref<16384x128xf32, #tpu.memory_space<hbm>> -> memref<32x128xf32, #tpu.memory_space<hbm>>
      %dma_wait3A_145 = arith.constant 0 : i32
      %dma_wait3A_146 = arith.constant 0 : i32
      %dma_wait3A_147 = tpu.memref_slice %arg2[%dma_wait3A_145, %dma_wait3A_146] : memref<16384x128xf32, #tpu.memory_space<hbm>> -> memref<32x128xf32, #tpu.memory_space<hbm>>
      tpu.wait_dma2 semaphore(%arg32 : memref<!tpu.dma_semaphore, #tpu.memory_space<semaphore_mem>>) src(%dma_wait3A_147 : memref<32x128xf32, #tpu.memory_space<hbm>>) dst(%arg7 : memref<32x128xf32, #tpu.memory_space<vmem>>)
      %parallel_loop3A_148 = arith.constant 0 : i32
      %parallel_loop3A_149 = arith.constant 32 : i32
      %parallel_loop3A_150 = arith.constant 1 : i32
      scf.for %parallel_loop3A_361 = %parallel_loop3A_148 to %parallel_loop3A_149 step %parallel_loop3A_150  : i32 {
        %parallel_loop3A_362 = arith.addi %mul3A_135, %parallel_loop3A_361 : i32
        %parallel_loop3A_363 = arith.index_cast %parallel_loop3A_361 : i32 to index
        %parallel_loop3A_364 = arith.constant 0 : index
        %parallel_loop3A_365 = tpu.vector_load %arg7[%parallel_loop3A_363, %parallel_loop3A_364] {strides = array<i32>} : memref<32x128xf32, #tpu.memory_space<vmem>>, vector<16xf32>,
        %parallel_loop3A_366 = arith.index_cast %parallel_loop3A_361 : i32 to index
        %parallel_loop3A_367 = arith.constant 0 : index
        %parallel_loop3A_368 = tpu.vector_load %arg15[%parallel_loop3A_366, %parallel_loop3A_367] {strides = array<i32>} : memref<32x128xf32, #tpu.memory_space<vmem>>, vector<16xf32>,
        %parallel_loop3A_369 = arith.subf %parallel_loop3A_365, %parallel_loop3A_368 : vector<16xf32>
        %parallel_loop3A_370 = math.absf %parallel_loop3A_369 : vector<16xf32>
        %parallel_loop3A_371 = arith.index_cast %parallel_loop3A_361 : i32 to index
        %parallel_loop3A_372 = arith.constant 16 : index
        %parallel_loop3A_373 = tpu.vector_load %arg7[%parallel_loop3A_371, %parallel_loop3A_372] {strides = array<i32>} : memref<32x128xf32, #tpu.memory_space<vmem>>, vector<16xf32>,
        %parallel_loop3A_374 = arith.index_cast %parallel_loop3A_361 : i32 to index
        %parallel_loop3A_375 = arith.constant 16 : index
        %parallel_loop3A_376 = tpu.vector_load %arg15[%parallel_loop3A_374, %parallel_loop3A_375] {strides = array<i32>} : memref<32x128xf32, #tpu.memory_space<vmem>>, vector<16xf32>,
        %parallel_loop3A_377 = arith.subf %parallel_loop3A_373, %parallel_loop3A_376 : vector<16xf32>
        %parallel_loop3A_378 = math.absf %parallel_loop3A_377 : vector<16xf32>
        %parallel_loop3A_379 = arith.index_cast %parallel_loop3A_361 : i32 to index
        %parallel_loop3A_380 = arith.constant 32 : index
        %parallel_loop3A_381 = tpu.vector_load %arg7[%parallel_loop3A_379, %parallel_loop3A_380] {strides = array<i32>} : memref<32x128xf32, #tpu.memory_space<vmem>>, vector<16xf32>,
        %parallel_loop3A_382 = arith.index_cast %parallel_loop3A_361 : i32 to index
        %parallel_loop3A_383 = arith.constant 32 : index
        %parallel_loop3A_384 = tpu.vector_load %arg15[%parallel_loop3A_382, %parallel_loop3A_383] {strides = array<i32>} : memref<32x128xf32, #tpu.memory_space<vmem>>, vector<16xf32>,
        %parallel_loop3A_385 = arith.subf %parallel_loop3A_381, %parallel_loop3A_384 : vector<16xf32>
        %parallel_loop3A_386 = math.absf %parallel_loop3A_385 : vector<16xf32>
        %parallel_loop3A_387 = arith.addf %parallel_loop3A_370, %parallel_loop3A_386 : vector<16xf32>
        %parallel_loop3A_388 = arith.index_cast %parallel_loop3A_361 : i32 to index
        %parallel_loop3A_389 = arith.constant 48 : index
        %parallel_loop3A_390 = tpu.vector_load %arg7[%parallel_loop3A_388, %parallel_loop3A_389] {strides = array<i32>} : memref<32x128xf32, #tpu.memory_space<vmem>>, vector<16xf32>,
        %parallel_loop3A_391 = arith.index_cast %parallel_loop3A_361 : i32 to index
        %parallel_loop3A_392 = arith.constant 48 : index
        %parallel_loop3A_393 = tpu.vector_load %arg15[%parallel_loop3A_391, %parallel_loop3A_392] {strides = array<i32>} : memref<32x128xf32, #tpu.memory_space<vmem>>, vector<16xf32>,
        %parallel_loop3A_394 = arith.subf %parallel_loop3A_390, %parallel_loop3A_393 : vector<16xf32>
        %parallel_loop3A_395 = math.absf %parallel_loop3A_394 : vector<16xf32>
        %parallel_loop3A_396 = arith.addf %parallel_loop3A_378, %parallel_loop3A_395 : vector<16xf32>
        %parallel_loop3A_397 = arith.index_cast %parallel_loop3A_361 : i32 to index
        %parallel_loop3A_398 = arith.constant 64 : index
        %parallel_loop3A_399 = tpu.vector_load %arg7[%parallel_loop3A_397, %parallel_loop3A_398] {strides = array<i32>} : memref<32x128xf32, #tpu.memory_space<vmem>>, vector<16xf32>,
        %parallel_loop3A_400 = arith.index_cast %parallel_loop3A_361 : i32 to index
        %parallel_loop3A_401 = arith.constant 64 : index
        %parallel_loop3A_402 = tpu.vector_load %arg15[%parallel_loop3A_400, %parallel_loop3A_401] {strides = array<i32>} : memref<32x128xf32, #tpu.memory_space<vmem>>, vector<16xf32>,
        %parallel_loop3A_403 = arith.subf %parallel_loop3A_399, %parallel_loop3A_402 : vector<16xf32>
        %parallel_loop3A_404 = math.absf %parallel_loop3A_403 : vector<16xf32>
        %parallel_loop3A_405 = arith.addf %parallel_loop3A_387, %parallel_loop3A_404 : vector<16xf32>
        %parallel_loop3A_406 = arith.index_cast %parallel_loop3A_361 : i32 to index
        %parallel_loop3A_407 = arith.constant 80 : index
        %parallel_loop3A_408 = tpu.vector_load %arg7[%parallel_loop3A_406, %parallel_loop3A_407] {strides = array<i32>} : memref<32x128xf32, #tpu.memory_space<vmem>>, vector<16xf32>,
        %parallel_loop3A_409 = arith.index_cast %parallel_loop3A_361 : i32 to index
        %parallel_loop3A_410 = arith.constant 80 : index
        %parallel_loop3A_411 = tpu.vector_load %arg15[%parallel_loop3A_409, %parallel_loop3A_410] {strides = array<i32>} : memref<32x128xf32, #tpu.memory_space<vmem>>, vector<16xf32>,
        %parallel_loop3A_412 = arith.subf %parallel_loop3A_408, %parallel_loop3A_411 : vector<16xf32>
        %parallel_loop3A_413 = math.absf %parallel_loop3A_412 : vector<16xf32>
        %parallel_loop3A_414 = arith.addf %parallel_loop3A_396, %parallel_loop3A_413 : vector<16xf32>
        %parallel_loop3A_415 = arith.index_cast %parallel_loop3A_361 : i32 to index
        %parallel_loop3A_416 = arith.constant 96 : index
        %parallel_loop3A_417 = tpu.vector_load %arg7[%parallel_loop3A_415, %parallel_loop3A_416] {strides = array<i32>} : memref<32x128xf32, #tpu.memory_space<vmem>>, vector<16xf32>,
        %parallel_loop3A_418 = arith.index_cast %parallel_loop3A_361 : i32 to index
        %parallel_loop3A_419 = arith.constant 96 : index
        %parallel_loop3A_420 = tpu.vector_load %arg15[%parallel_loop3A_418, %parallel_loop3A_419] {strides = array<i32>} : memref<32x128xf32, #tpu.memory_space<vmem>>, vector<16xf32>,
        %parallel_loop3A_421 = arith.subf %parallel_loop3A_417, %parallel_loop3A_420 : vector<16xf32>
        %parallel_loop3A_422 = math.absf %parallel_loop3A_421 : vector<16xf32>
        %parallel_loop3A_423 = arith.addf %parallel_loop3A_405, %parallel_loop3A_422 : vector<16xf32>
        %parallel_loop3A_424 = arith.index_cast %parallel_loop3A_361 : i32 to index
        %parallel_loop3A_425 = arith.constant 112 : index
        %parallel_loop3A_426 = tpu.vector_load %arg7[%parallel_loop3A_424, %parallel_loop3A_425] {strides = array<i32>} : memref<32x128xf32, #tpu.memory_space<vmem>>, vector<16xf32>,
        %parallel_loop3A_427 = arith.index_cast %parallel_loop3A_361 : i32 to index
        %parallel_loop3A_428 = arith.constant 112 : index
        %parallel_loop3A_429 = tpu.vector_load %arg15[%parallel_loop3A_427, %parallel_loop3A_428] {strides = array<i32>} : memref<32x128xf32, #tpu.memory_space<vmem>>, vector<16xf32>,
        %parallel_loop3A_430 = arith.subf %parallel_loop3A_426, %parallel_loop3A_429 : vector<16xf32>
        %parallel_loop3A_431 = math.absf %parallel_loop3A_430 : vector<16xf32>
        %parallel_loop3A_432 = arith.addf %parallel_loop3A_414, %parallel_loop3A_431 : vector<16xf32>
        %parallel_loop3A_433 = arith.addf %parallel_loop3A_423, %parallel_loop3A_432 : vector<16xf32>
        %parallel_loop3A_434 = arith.constant true
        %parallel_loop3A_435 = vector.broadcast %parallel_loop3A_434 : i1 to vector<16xi1>
        %parallel_loop3A_436 = tpu.scan <sum>, %parallel_loop3A_433 masked %parallel_loop3A_435 : vector<16xf32>, vector<16xi1> -> vector<16xf32>
        %parallel_loop3A_437 = vector.broadcast %parallel_loop3A_362 : i32 to vector<16xi32>
        %parallel_loop3A_438 = arith.constant 0.000000e+00 : f32
        %parallel_loop3A_439 = vector.broadcast %parallel_loop3A_438 : f32 to vector<16xf32>
        %parallel_loop3A_440 = arith.subf %parallel_loop3A_439, %parallel_loop3A_436 : vector<16xf32>
        %parallel_loop3A_441 = math.exp %parallel_loop3A_440 : vector<16xf32>
        tpu.vector_store_idx %arg22[%parallel_loop3A_437], %parallel_loop3A_441 masked %eq3A_4 : memref<512xf32, #tpu.memory_space<vmem>>[vector<16xi32>], vector<16xf32>, vector<16xi1>
      } {sc.loop_unroll_factor = 4 : i64, sc.parallel_access}
      %add3A_151 = arith.addi %mul3A_2, %mul3A_135 : i32
      %dma_start3A_152 = tpu.memref_slice %arg22[%mul3A_135] : memref<512xf32, #tpu.memory_space<vmem>> -> memref<32xf32, #tpu.memory_space<vmem>>
      %dma_start3A_153 = tpu.memref_slice %arg4[%add3A_151] : memref<16384xf32, #tpu.memory_space<hbm>> -> memref<32xf32, #tpu.memory_space<hbm>>
      %dma_start3A_154 = tpu.memref_slice %arg4[%add3A_151] : memref<16384xf32, #tpu.memory_space<hbm>> -> memref<32xf32, #tpu.memory_space<hbm>>
      %dma_start3A_155 = tpu.memref_slice %arg22[%mul3A_135] : memref<512xf32, #tpu.memory_space<vmem>> -> memref<32xf32, #tpu.memory_space<vmem>>
      tpu.enqueue_dma source(%dma_start3A_155 : memref<32xf32, #tpu.memory_space<vmem>>) target(%dma_start3A_154 : memref<32xf32, #tpu.memory_space<hbm>>) target_semaphore(%arg40 : memref<!tpu.dma_semaphore, #tpu.memory_space<semaphore_mem>>)
      %add3A_156 = arith.constant 8 : i32
      %add3A_157 = arith.addi %add3A_133, %add3A_156 : i32
      %lt3A_158 = arith.constant 16 : i32
      %lt3A_159 = arith.cmpi slt, %add3A_157, %lt3A_158 : i32
      %convert_element_type3A_160 = arith.extui %lt3A_159 : i1 to i32
      %cond3A_161 = arith.constant 0 : i32
      %cond3A_162 = arith.cmpi ne, %convert_element_type3A_160, %cond3A_161 : i32
      scf.if %cond3A_162 {
        %add3A_361 = arith.constant 8 : i32
        %add3A_362 = arith.addi %add3A_133, %add3A_361 : i32
        %mul3A_363 = arith.constant 32 : i32
        %mul3A_364 = arith.muli %add3A_362, %mul3A_363 : i32
        %add3A_365 = arith.addi %mul3A_2, %mul3A_364 : i32
        %dma_start3A_366 = arith.constant 0 : i32
        %dma_start3A_367 = tpu.memref_slice %arg2[%add3A_365, %dma_start3A_366] : memref<16384x128xf32, #tpu.memory_space<hbm>> -> memref<32x128xf32, #tpu.memory_space<hbm>>
        %dma_start3A_368 = arith.constant 0 : i32
        %dma_start3A_369 = tpu.memref_slice %arg2[%add3A_365, %dma_start3A_368] : memref<16384x128xf32, #tpu.memory_space<hbm>> -> memref<32x128xf32, #tpu.memory_space<hbm>>
        tpu.enqueue_dma source(%dma_start3A_369 : memref<32x128xf32, #tpu.memory_space<hbm>>) target(%arg7 : memref<32x128xf32, #tpu.memory_space<vmem>>) target_semaphore(%arg32 : memref<!tpu.dma_semaphore, #tpu.memory_space<semaphore_mem>>)
        %mul3A_370 = arith.constant 32 : i32
        %mul3A_371 = arith.muli %add3A_362, %mul3A_370 : i32
        %dma_start3A_372 = tpu.memref_slice %arg5[%mul3A_371] : memref<512xi32, #tpu.memory_space<vmem>> -> memref<32xi32, #tpu.memory_space<vmem>>
        %dma_start3A_373 = arith.constant 0 : i32
        %dma_start3A_374 = arith.constant 0 : i32
        %dma_start3A_375 = tpu.memref_slice %arg2[%dma_start3A_373, %dma_start3A_374] : memref<16384x128xf32, #tpu.memory_space<hbm>> -> memref<16384x128xf32, #tpu.memory_space<hbm>>
        tpu.enqueue_indirect_dma source(%dma_start3A_375 : memref<16384x128xf32, #tpu.memory_space<hbm>>) target(%arg15 : memref<32x128xf32, #tpu.memory_space<vmem>>) offsets(%dma_start3A_372 : memref<32xi32, #tpu.memory_space<vmem>>) semaphore(%arg24 : memref<!tpu.dma_semaphore, #tpu.memory_space<semaphore_mem>>)
      } else {
      }
      %mul3A_163 = arith.constant 8 : i32
      %mul3A_164 = arith.muli %scan3A_100, %mul3A_163 : i32
      %add3A_165 = arith.constant 2 : i32
      %add3A_166 = arith.addi %mul3A_164, %add3A_165 : i32
      %mul3A_167 = arith.constant 32 : i32
      %mul3A_168 = arith.muli %add3A_166, %mul3A_167 : i32
      %dma_wait3A_169 = arith.constant 0 : i32
      %dma_wait3A_170 = arith.constant 0 : i32
      %dma_wait3A_171 = tpu.memref_slice %arg2[%dma_wait3A_169, %dma_wait3A_170] : memref<16384x128xf32, #tpu.memory_space<hbm>> -> memref<32x128xf32, #tpu.memory_space<hbm>>
      %dma_wait3A_172 = arith.constant 0 : i32
      %dma_wait3A_173 = arith.constant 0 : i32
      %dma_wait3A_174 = tpu.memref_slice %arg2[%dma_wait3A_172, %dma_wait3A_173] : memref<16384x128xf32, #tpu.memory_space<hbm>> -> memref<32x128xf32, #tpu.memory_space<hbm>>
      tpu.wait_dma2 semaphore(%arg25 : memref<!tpu.dma_semaphore, #tpu.memory_space<semaphore_mem>>) src(%dma_wait3A_174 : memref<32x128xf32, #tpu.memory_space<hbm>>) dst(%arg16 : memref<32x128xf32, #tpu.memory_space<vmem>>)
      %dma_wait3A_175 = arith.constant 0 : i32
      %dma_wait3A_176 = arith.constant 0 : i32
      %dma_wait3A_177 = tpu.memref_slice %arg2[%dma_wait3A_175, %dma_wait3A_176] : memref<16384x128xf32, #tpu.memory_space<hbm>> -> memref<32x128xf32, #tpu.memory_space<hbm>>
      %dma_wait3A_178 = arith.constant 0 : i32
      %dma_wait3A_179 = arith.constant 0 : i32
      %dma_wait3A_180 = tpu.memref_slice %arg2[%dma_wait3A_178, %dma_wait3A_179] : memref<16384x128xf32, #tpu.memory_space<hbm>> -> memref<32x128xf32, #tpu.memory_space<hbm>>
      tpu.wait_dma2 semaphore(%arg33 : memref<!tpu.dma_semaphore, #tpu.memory_space<semaphore_mem>>) src(%dma_wait3A_180 : memref<32x128xf32, #tpu.memory_space<hbm>>) dst(%arg8 : memref<32x128xf32, #tpu.memory_space<vmem>>)
      %parallel_loop3A_181 = arith.constant 0 : i32
      %parallel_loop3A_182 = arith.constant 32 : i32
      %parallel_loop3A_183 = arith.constant 1 : i32
      scf.for %parallel_loop3A_361 = %parallel_loop3A_181 to %parallel_loop3A_182 step %parallel_loop3A_183  : i32 {
        %parallel_loop3A_362 = arith.addi %mul3A_168, %parallel_loop3A_361 : i32
        %parallel_loop3A_363 = arith.index_cast %parallel_loop3A_361 : i32 to index
        %parallel_loop3A_364 = arith.constant 0 : index
        %parallel_loop3A_365 = tpu.vector_load %arg8[%parallel_loop3A_363, %parallel_loop3A_364] {strides = array<i32>} : memref<32x128xf32, #tpu.memory_space<vmem>>, vector<16xf32>,
        %parallel_loop3A_366 = arith.index_cast %parallel_loop3A_361 : i32 to index
        %parallel_loop3A_367 = arith.constant 0 : index
        %parallel_loop3A_368 = tpu.vector_load %arg16[%parallel_loop3A_366, %parallel_loop3A_367] {strides = array<i32>} : memref<32x128xf32, #tpu.memory_space<vmem>>, vector<16xf32>,
        %parallel_loop3A_369 = arith.subf %parallel_loop3A_365, %parallel_loop3A_368 : vector<16xf32>
        %parallel_loop3A_370 = math.absf %parallel_loop3A_369 : vector<16xf32>
        %parallel_loop3A_371 = arith.index_cast %parallel_loop3A_361 : i32 to index
        %parallel_loop3A_372 = arith.constant 16 : index
        %parallel_loop3A_373 = tpu.vector_load %arg8[%parallel_loop3A_371, %parallel_loop3A_372] {strides = array<i32>} : memref<32x128xf32, #tpu.memory_space<vmem>>, vector<16xf32>,
        %parallel_loop3A_374 = arith.index_cast %parallel_loop3A_361 : i32 to index
        %parallel_loop3A_375 = arith.constant 16 : index
        %parallel_loop3A_376 = tpu.vector_load %arg16[%parallel_loop3A_374, %parallel_loop3A_375] {strides = array<i32>} : memref<32x128xf32, #tpu.memory_space<vmem>>, vector<16xf32>,
        %parallel_loop3A_377 = arith.subf %parallel_loop3A_373, %parallel_loop3A_376 : vector<16xf32>
        %parallel_loop3A_378 = math.absf %parallel_loop3A_377 : vector<16xf32>
        %parallel_loop3A_379 = arith.index_cast %parallel_loop3A_361 : i32 to index
        %parallel_loop3A_380 = arith.constant 32 : index
        %parallel_loop3A_381 = tpu.vector_load %arg8[%parallel_loop3A_379, %parallel_loop3A_380] {strides = array<i32>} : memref<32x128xf32, #tpu.memory_space<vmem>>, vector<16xf32>,
        %parallel_loop3A_382 = arith.index_cast %parallel_loop3A_361 : i32 to index
        %parallel_loop3A_383 = arith.constant 32 : index
        %parallel_loop3A_384 = tpu.vector_load %arg16[%parallel_loop3A_382, %parallel_loop3A_383] {strides = array<i32>} : memref<32x128xf32, #tpu.memory_space<vmem>>, vector<16xf32>,
        %parallel_loop3A_385 = arith.subf %parallel_loop3A_381, %parallel_loop3A_384 : vector<16xf32>
        %parallel_loop3A_386 = math.absf %parallel_loop3A_385 : vector<16xf32>
        %parallel_loop3A_387 = arith.addf %parallel_loop3A_370, %parallel_loop3A_386 : vector<16xf32>
        %parallel_loop3A_388 = arith.index_cast %parallel_loop3A_361 : i32 to index
        %parallel_loop3A_389 = arith.constant 48 : index
        %parallel_loop3A_390 = tpu.vector_load %arg8[%parallel_loop3A_388, %parallel_loop3A_389] {strides = array<i32>} : memref<32x128xf32, #tpu.memory_space<vmem>>, vector<16xf32>,
        %parallel_loop3A_391 = arith.index_cast %parallel_loop3A_361 : i32 to index
        %parallel_loop3A_392 = arith.constant 48 : index
        %parallel_loop3A_393 = tpu.vector_load %arg16[%parallel_loop3A_391, %parallel_loop3A_392] {strides = array<i32>} : memref<32x128xf32, #tpu.memory_space<vmem>>, vector<16xf32>,
        %parallel_loop3A_394 = arith.subf %parallel_loop3A_390, %parallel_loop3A_393 : vector<16xf32>
        %parallel_loop3A_395 = math.absf %parallel_loop3A_394 : vector<16xf32>
        %parallel_loop3A_396 = arith.addf %parallel_loop3A_378, %parallel_loop3A_395 : vector<16xf32>
        %parallel_loop3A_397 = arith.index_cast %parallel_loop3A_361 : i32 to index
        %parallel_loop3A_398 = arith.constant 64 : index
        %parallel_loop3A_399 = tpu.vector_load %arg8[%parallel_loop3A_397, %parallel_loop3A_398] {strides = array<i32>} : memref<32x128xf32, #tpu.memory_space<vmem>>, vector<16xf32>,
        %parallel_loop3A_400 = arith.index_cast %parallel_loop3A_361 : i32 to index
        %parallel_loop3A_401 = arith.constant 64 : index
        %parallel_loop3A_402 = tpu.vector_load %arg16[%parallel_loop3A_400, %parallel_loop3A_401] {strides = array<i32>} : memref<32x128xf32, #tpu.memory_space<vmem>>, vector<16xf32>,
        %parallel_loop3A_403 = arith.subf %parallel_loop3A_399, %parallel_loop3A_402 : vector<16xf32>
        %parallel_loop3A_404 = math.absf %parallel_loop3A_403 : vector<16xf32>
        %parallel_loop3A_405 = arith.addf %parallel_loop3A_387, %parallel_loop3A_404 : vector<16xf32>
        %parallel_loop3A_406 = arith.index_cast %parallel_loop3A_361 : i32 to index
        %parallel_loop3A_407 = arith.constant 80 : index
        %parallel_loop3A_408 = tpu.vector_load %arg8[%parallel_loop3A_406, %parallel_loop3A_407] {strides = array<i32>} : memref<32x128xf32, #tpu.memory_space<vmem>>, vector<16xf32>,
        %parallel_loop3A_409 = arith.index_cast %parallel_loop3A_361 : i32 to index
        %parallel_loop3A_410 = arith.constant 80 : index
        %parallel_loop3A_411 = tpu.vector_load %arg16[%parallel_loop3A_409, %parallel_loop3A_410] {strides = array<i32>} : memref<32x128xf32, #tpu.memory_space<vmem>>, vector<16xf32>,
        %parallel_loop3A_412 = arith.subf %parallel_loop3A_408, %parallel_loop3A_411 : vector<16xf32>
        %parallel_loop3A_413 = math.absf %parallel_loop3A_412 : vector<16xf32>
        %parallel_loop3A_414 = arith.addf %parallel_loop3A_396, %parallel_loop3A_413 : vector<16xf32>
        %parallel_loop3A_415 = arith.index_cast %parallel_loop3A_361 : i32 to index
        %parallel_loop3A_416 = arith.constant 96 : index
        %parallel_loop3A_417 = tpu.vector_load %arg8[%parallel_loop3A_415, %parallel_loop3A_416] {strides = array<i32>} : memref<32x128xf32, #tpu.memory_space<vmem>>, vector<16xf32>,
        %parallel_loop3A_418 = arith.index_cast %parallel_loop3A_361 : i32 to index
        %parallel_loop3A_419 = arith.constant 96 : index
        %parallel_loop3A_420 = tpu.vector_load %arg16[%parallel_loop3A_418, %parallel_loop3A_419] {strides = array<i32>} : memref<32x128xf32, #tpu.memory_space<vmem>>, vector<16xf32>,
        %parallel_loop3A_421 = arith.subf %parallel_loop3A_417, %parallel_loop3A_420 : vector<16xf32>
        %parallel_loop3A_422 = math.absf %parallel_loop3A_421 : vector<16xf32>
        %parallel_loop3A_423 = arith.addf %parallel_loop3A_405, %parallel_loop3A_422 : vector<16xf32>
        %parallel_loop3A_424 = arith.index_cast %parallel_loop3A_361 : i32 to index
        %parallel_loop3A_425 = arith.constant 112 : index
        %parallel_loop3A_426 = tpu.vector_load %arg8[%parallel_loop3A_424, %parallel_loop3A_425] {strides = array<i32>} : memref<32x128xf32, #tpu.memory_space<vmem>>, vector<16xf32>,
        %parallel_loop3A_427 = arith.index_cast %parallel_loop3A_361 : i32 to index
        %parallel_loop3A_428 = arith.constant 112 : index
        %parallel_loop3A_429 = tpu.vector_load %arg16[%parallel_loop3A_427, %parallel_loop3A_428] {strides = array<i32>} : memref<32x128xf32, #tpu.memory_space<vmem>>, vector<16xf32>,
        %parallel_loop3A_430 = arith.subf %parallel_loop3A_426, %parallel_loop3A_429 : vector<16xf32>
        %parallel_loop3A_431 = math.absf %parallel_loop3A_430 : vector<16xf32>
        %parallel_loop3A_432 = arith.addf %parallel_loop3A_414, %parallel_loop3A_431 : vector<16xf32>
        %parallel_loop3A_433 = arith.addf %parallel_loop3A_423, %parallel_loop3A_432 : vector<16xf32>
        %parallel_loop3A_434 = arith.constant true
        %parallel_loop3A_435 = vector.broadcast %parallel_loop3A_434 : i1 to vector<16xi1>
        %parallel_loop3A_436 = tpu.scan <sum>, %parallel_loop3A_433 masked %parallel_loop3A_435 : vector<16xf32>, vector<16xi1> -> vector<16xf32>
        %parallel_loop3A_437 = vector.broadcast %parallel_loop3A_362 : i32 to vector<16xi32>
        %parallel_loop3A_438 = arith.constant 0.000000e+00 : f32
        %parallel_loop3A_439 = vector.broadcast %parallel_loop3A_438 : f32 to vector<16xf32>
        %parallel_loop3A_440 = arith.subf %parallel_loop3A_439, %parallel_loop3A_436 : vector<16xf32>
        %parallel_loop3A_441 = math.exp %parallel_loop3A_440 : vector<16xf32>
        tpu.vector_store_idx %arg22[%parallel_loop3A_437], %parallel_loop3A_441 masked %eq3A_4 : memref<512xf32, #tpu.memory_space<vmem>>[vector<16xi32>], vector<16xf32>, vector<16xi1>
      } {sc.loop_unroll_factor = 4 : i64, sc.parallel_access}
      %add3A_184 = arith.addi %mul3A_2, %mul3A_168 : i32
      %dma_start3A_185 = tpu.memref_slice %arg22[%mul3A_168] : memref<512xf32, #tpu.memory_space<vmem>> -> memref<32xf32, #tpu.memory_space<vmem>>
      %dma_start3A_186 = tpu.memref_slice %arg4[%add3A_184] : memref<16384xf32, #tpu.memory_space<hbm>> -> memref<32xf32, #tpu.memory_space<hbm>>
      %dma_start3A_187 = tpu.memref_slice %arg4[%add3A_184] : memref<16384xf32, #tpu.memory_space<hbm>> -> memref<32xf32, #tpu.memory_space<hbm>>
      %dma_start3A_188 = tpu.memref_slice %arg22[%mul3A_168] : memref<512xf32, #tpu.memory_space<vmem>> -> memref<32xf32, #tpu.memory_space<vmem>>
      tpu.enqueue_dma source(%dma_start3A_188 : memref<32xf32, #tpu.memory_space<vmem>>) target(%dma_start3A_187 : memref<32xf32, #tpu.memory_space<hbm>>) target_semaphore(%arg40 : memref<!tpu.dma_semaphore, #tpu.memory_space<semaphore_mem>>)
      %add3A_189 = arith.constant 8 : i32
      %add3A_190 = arith.addi %add3A_166, %add3A_189 : i32
      %lt3A_191 = arith.constant 16 : i32
      %lt3A_192 = arith.cmpi slt, %add3A_190, %lt3A_191 : i32
      %convert_element_type3A_193 = arith.extui %lt3A_192 : i1 to i32
      %cond3A_194 = arith.constant 0 : i32
      %cond3A_195 = arith.cmpi ne, %convert_element_type3A_193, %cond3A_194 : i32
      scf.if %cond3A_195 {
        %add3A_361 = arith.constant 8 : i32
        %add3A_362 = arith.addi %add3A_166, %add3A_361 : i32
        %mul3A_363 = arith.constant 32 : i32
        %mul3A_364 = arith.muli %add3A_362, %mul3A_363 : i32
        %add3A_365 = arith.addi %mul3A_2, %mul3A_364 : i32
        %dma_start3A_366 = arith.constant 0 : i32
        %dma_start3A_367 = tpu.memref_slice %arg2[%add3A_365, %dma_start3A_366] : memref<16384x128xf32, #tpu.memory_space<hbm>> -> memref<32x128xf32, #tpu.memory_space<hbm>>
        %dma_start3A_368 = arith.constant 0 : i32
        %dma_start3A_369 = tpu.memref_slice %arg2[%add3A_365, %dma_start3A_368] : memref<16384x128xf32, #tpu.memory_space<hbm>> -> memref<32x128xf32, #tpu.memory_space<hbm>>
        tpu.enqueue_dma source(%dma_start3A_369 : memref<32x128xf32, #tpu.memory_space<hbm>>) target(%arg8 : memref<32x128xf32, #tpu.memory_space<vmem>>) target_semaphore(%arg33 : memref<!tpu.dma_semaphore, #tpu.memory_space<semaphore_mem>>)
        %mul3A_370 = arith.constant 32 : i32
        %mul3A_371 = arith.muli %add3A_362, %mul3A_370 : i32
        %dma_start3A_372 = tpu.memref_slice %arg5[%mul3A_371] : memref<512xi32, #tpu.memory_space<vmem>> -> memref<32xi32, #tpu.memory_space<vmem>>
        %dma_start3A_373 = arith.constant 0 : i32
        %dma_start3A_374 = arith.constant 0 : i32
        %dma_start3A_375 = tpu.memref_slice %arg2[%dma_start3A_373, %dma_start3A_374] : memref<16384x128xf32, #tpu.memory_space<hbm>> -> memref<16384x128xf32, #tpu.memory_space<hbm>>
        tpu.enqueue_indirect_dma source(%dma_start3A_375 : memref<16384x128xf32, #tpu.memory_space<hbm>>) target(%arg16 : memref<32x128xf32, #tpu.memory_space<vmem>>) offsets(%dma_start3A_372 : memref<32xi32, #tpu.memory_space<vmem>>) semaphore(%arg25 : memref<!tpu.dma_semaphore, #tpu.memory_space<semaphore_mem>>)
      } else {
      }
      %mul3A_196 = arith.constant 8 : i32
      %mul3A_197 = arith.muli %scan3A_100, %mul3A_196 : i32
      %add3A_198 = arith.constant 3 : i32
      %add3A_199 = arith.addi %mul3A_197, %add3A_198 : i32
      %mul3A_200 = arith.constant 32 : i32
      %mul3A_201 = arith.muli %add3A_199, %mul3A_200 : i32
      %dma_wait3A_202 = arith.constant 0 : i32
      %dma_wait3A_203 = arith.constant 0 : i32
      %dma_wait3A_204 = tpu.memref_slice %arg2[%dma_wait3A_202, %dma_wait3A_203] : memref<16384x128xf32, #tpu.memory_space<hbm>> -> memref<32x128xf32, #tpu.memory_space<hbm>>
      %dma_wait3A_205 = arith.constant 0 : i32
      %dma_wait3A_206 = arith.constant 0 : i32
      %dma_wait3A_207 = tpu.memref_slice %arg2[%dma_wait3A_205, %dma_wait3A_206] : memref<16384x128xf32, #tpu.memory_space<hbm>> -> memref<32x128xf32, #tpu.memory_space<hbm>>
      tpu.wait_dma2 semaphore(%arg26 : memref<!tpu.dma_semaphore, #tpu.memory_space<semaphore_mem>>) src(%dma_wait3A_207 : memref<32x128xf32, #tpu.memory_space<hbm>>) dst(%arg17 : memref<32x128xf32, #tpu.memory_space<vmem>>)
      %dma_wait3A_208 = arith.constant 0 : i32
      %dma_wait3A_209 = arith.constant 0 : i32
      %dma_wait3A_210 = tpu.memref_slice %arg2[%dma_wait3A_208, %dma_wait3A_209] : memref<16384x128xf32, #tpu.memory_space<hbm>> -> memref<32x128xf32, #tpu.memory_space<hbm>>
      %dma_wait3A_211 = arith.constant 0 : i32
      %dma_wait3A_212 = arith.constant 0 : i32
      %dma_wait3A_213 = tpu.memref_slice %arg2[%dma_wait3A_211, %dma_wait3A_212] : memref<16384x128xf32, #tpu.memory_space<hbm>> -> memref<32x128xf32, #tpu.memory_space<hbm>>
      tpu.wait_dma2 semaphore(%arg34 : memref<!tpu.dma_semaphore, #tpu.memory_space<semaphore_mem>>) src(%dma_wait3A_213 : memref<32x128xf32, #tpu.memory_space<hbm>>) dst(%arg9 : memref<32x128xf32, #tpu.memory_space<vmem>>)
      %parallel_loop3A_214 = arith.constant 0 : i32
      %parallel_loop3A_215 = arith.constant 32 : i32
      %parallel_loop3A_216 = arith.constant 1 : i32
      scf.for %parallel_loop3A_361 = %parallel_loop3A_214 to %parallel_loop3A_215 step %parallel_loop3A_216  : i32 {
        %parallel_loop3A_362 = arith.addi %mul3A_201, %parallel_loop3A_361 : i32
        %parallel_loop3A_363 = arith.index_cast %parallel_loop3A_361 : i32 to index
        %parallel_loop3A_364 = arith.constant 0 : index
        %parallel_loop3A_365 = tpu.vector_load %arg9[%parallel_loop3A_363, %parallel_loop3A_364] {strides = array<i32>} : memref<32x128xf32, #tpu.memory_space<vmem>>, vector<16xf32>,
        %parallel_loop3A_366 = arith.index_cast %parallel_loop3A_361 : i32 to index
        %parallel_loop3A_367 = arith.constant 0 : index
        %parallel_loop3A_368 = tpu.vector_load %arg17[%parallel_loop3A_366, %parallel_loop3A_367] {strides = array<i32>} : memref<32x128xf32, #tpu.memory_space<vmem>>, vector<16xf32>,
        %parallel_loop3A_369 = arith.subf %parallel_loop3A_365, %parallel_loop3A_368 : vector<16xf32>
        %parallel_loop3A_370 = math.absf %parallel_loop3A_369 : vector<16xf32>
        %parallel_loop3A_371 = arith.index_cast %parallel_loop3A_361 : i32 to index
        %parallel_loop3A_372 = arith.constant 16 : index
        %parallel_loop3A_373 = tpu.vector_load %arg9[%parallel_loop3A_371, %parallel_loop3A_372] {strides = array<i32>} : memref<32x128xf32, #tpu.memory_space<vmem>>, vector<16xf32>,
        %parallel_loop3A_374 = arith.index_cast %parallel_loop3A_361 : i32 to index
        %parallel_loop3A_375 = arith.constant 16 : index
        %parallel_loop3A_376 = tpu.vector_load %arg17[%parallel_loop3A_374, %parallel_loop3A_375] {strides = array<i32>} : memref<32x128xf32, #tpu.memory_space<vmem>>, vector<16xf32>,
        %parallel_loop3A_377 = arith.subf %parallel_loop3A_373, %parallel_loop3A_376 : vector<16xf32>
        %parallel_loop3A_378 = math.absf %parallel_loop3A_377 : vector<16xf32>
        %parallel_loop3A_379 = arith.index_cast %parallel_loop3A_361 : i32 to index
        %parallel_loop3A_380 = arith.constant 32 : index
        %parallel_loop3A_381 = tpu.vector_load %arg9[%parallel_loop3A_379, %parallel_loop3A_380] {strides = array<i32>} : memref<32x128xf32, #tpu.memory_space<vmem>>, vector<16xf32>,
        %parallel_loop3A_382 = arith.index_cast %parallel_loop3A_361 : i32 to index
        %parallel_loop3A_383 = arith.constant 32 : index
        %parallel_loop3A_384 = tpu.vector_load %arg17[%parallel_loop3A_382, %parallel_loop3A_383] {strides = array<i32>} : memref<32x128xf32, #tpu.memory_space<vmem>>, vector<16xf32>,
        %parallel_loop3A_385 = arith.subf %parallel_loop3A_381, %parallel_loop3A_384 : vector<16xf32>
        %parallel_loop3A_386 = math.absf %parallel_loop3A_385 : vector<16xf32>
        %parallel_loop3A_387 = arith.addf %parallel_loop3A_370, %parallel_loop3A_386 : vector<16xf32>
        %parallel_loop3A_388 = arith.index_cast %parallel_loop3A_361 : i32 to index
        %parallel_loop3A_389 = arith.constant 48 : index
        %parallel_loop3A_390 = tpu.vector_load %arg9[%parallel_loop3A_388, %parallel_loop3A_389] {strides = array<i32>} : memref<32x128xf32, #tpu.memory_space<vmem>>, vector<16xf32>,
        %parallel_loop3A_391 = arith.index_cast %parallel_loop3A_361 : i32 to index
        %parallel_loop3A_392 = arith.constant 48 : index
        %parallel_loop3A_393 = tpu.vector_load %arg17[%parallel_loop3A_391, %parallel_loop3A_392] {strides = array<i32>} : memref<32x128xf32, #tpu.memory_space<vmem>>, vector<16xf32>,
        %parallel_loop3A_394 = arith.subf %parallel_loop3A_390, %parallel_loop3A_393 : vector<16xf32>
        %parallel_loop3A_395 = math.absf %parallel_loop3A_394 : vector<16xf32>
        %parallel_loop3A_396 = arith.addf %parallel_loop3A_378, %parallel_loop3A_395 : vector<16xf32>
        %parallel_loop3A_397 = arith.index_cast %parallel_loop3A_361 : i32 to index
        %parallel_loop3A_398 = arith.constant 64 : index
        %parallel_loop3A_399 = tpu.vector_load %arg9[%parallel_loop3A_397, %parallel_loop3A_398] {strides = array<i32>} : memref<32x128xf32, #tpu.memory_space<vmem>>, vector<16xf32>,
        %parallel_loop3A_400 = arith.index_cast %parallel_loop3A_361 : i32 to index
        %parallel_loop3A_401 = arith.constant 64 : index
        %parallel_loop3A_402 = tpu.vector_load %arg17[%parallel_loop3A_400, %parallel_loop3A_401] {strides = array<i32>} : memref<32x128xf32, #tpu.memory_space<vmem>>, vector<16xf32>,
        %parallel_loop3A_403 = arith.subf %parallel_loop3A_399, %parallel_loop3A_402 : vector<16xf32>
        %parallel_loop3A_404 = math.absf %parallel_loop3A_403 : vector<16xf32>
        %parallel_loop3A_405 = arith.addf %parallel_loop3A_387, %parallel_loop3A_404 : vector<16xf32>
        %parallel_loop3A_406 = arith.index_cast %parallel_loop3A_361 : i32 to index
        %parallel_loop3A_407 = arith.constant 80 : index
        %parallel_loop3A_408 = tpu.vector_load %arg9[%parallel_loop3A_406, %parallel_loop3A_407] {strides = array<i32>} : memref<32x128xf32, #tpu.memory_space<vmem>>, vector<16xf32>,
        %parallel_loop3A_409 = arith.index_cast %parallel_loop3A_361 : i32 to index
        %parallel_loop3A_410 = arith.constant 80 : index
        %parallel_loop3A_411 = tpu.vector_load %arg17[%parallel_loop3A_409, %parallel_loop3A_410] {strides = array<i32>} : memref<32x128xf32, #tpu.memory_space<vmem>>, vector<16xf32>,
        %parallel_loop3A_412 = arith.subf %parallel_loop3A_408, %parallel_loop3A_411 : vector<16xf32>
        %parallel_loop3A_413 = math.absf %parallel_loop3A_412 : vector<16xf32>
        %parallel_loop3A_414 = arith.addf %parallel_loop3A_396, %parallel_loop3A_413 : vector<16xf32>
        %parallel_loop3A_415 = arith.index_cast %parallel_loop3A_361 : i32 to index
        %parallel_loop3A_416 = arith.constant 96 : index
        %parallel_loop3A_417 = tpu.vector_load %arg9[%parallel_loop3A_415, %parallel_loop3A_416] {strides = array<i32>} : memref<32x128xf32, #tpu.memory_space<vmem>>, vector<16xf32>,
        %parallel_loop3A_418 = arith.index_cast %parallel_loop3A_361 : i32 to index
        %parallel_loop3A_419 = arith.constant 96 : index
        %parallel_loop3A_420 = tpu.vector_load %arg17[%parallel_loop3A_418, %parallel_loop3A_419] {strides = array<i32>} : memref<32x128xf32, #tpu.memory_space<vmem>>, vector<16xf32>,
        %parallel_loop3A_421 = arith.subf %parallel_loop3A_417, %parallel_loop3A_420 : vector<16xf32>
        %parallel_loop3A_422 = math.absf %parallel_loop3A_421 : vector<16xf32>
        %parallel_loop3A_423 = arith.addf %parallel_loop3A_405, %parallel_loop3A_422 : vector<16xf32>
        %parallel_loop3A_424 = arith.index_cast %parallel_loop3A_361 : i32 to index
        %parallel_loop3A_425 = arith.constant 112 : index
        %parallel_loop3A_426 = tpu.vector_load %arg9[%parallel_loop3A_424, %parallel_loop3A_425] {strides = array<i32>} : memref<32x128xf32, #tpu.memory_space<vmem>>, vector<16xf32>,
        %parallel_loop3A_427 = arith.index_cast %parallel_loop3A_361 : i32 to index
        %parallel_loop3A_428 = arith.constant 112 : index
        %parallel_loop3A_429 = tpu.vector_load %arg17[%parallel_loop3A_427, %parallel_loop3A_428] {strides = array<i32>} : memref<32x128xf32, #tpu.memory_space<vmem>>, vector<16xf32>,
        %parallel_loop3A_430 = arith.subf %parallel_loop3A_426, %parallel_loop3A_429 : vector<16xf32>
        %parallel_loop3A_431 = math.absf %parallel_loop3A_430 : vector<16xf32>
        %parallel_loop3A_432 = arith.addf %parallel_loop3A_414, %parallel_loop3A_431 : vector<16xf32>
        %parallel_loop3A_433 = arith.addf %parallel_loop3A_423, %parallel_loop3A_432 : vector<16xf32>
        %parallel_loop3A_434 = arith.constant true
        %parallel_loop3A_435 = vector.broadcast %parallel_loop3A_434 : i1 to vector<16xi1>
        %parallel_loop3A_436 = tpu.scan <sum>, %parallel_loop3A_433 masked %parallel_loop3A_435 : vector<16xf32>, vector<16xi1> -> vector<16xf32>
        %parallel_loop3A_437 = vector.broadcast %parallel_loop3A_362 : i32 to vector<16xi32>
        %parallel_loop3A_438 = arith.constant 0.000000e+00 : f32
        %parallel_loop3A_439 = vector.broadcast %parallel_loop3A_438 : f32 to vector<16xf32>
        %parallel_loop3A_440 = arith.subf %parallel_loop3A_439, %parallel_loop3A_436 : vector<16xf32>
        %parallel_loop3A_441 = math.exp %parallel_loop3A_440 : vector<16xf32>
        tpu.vector_store_idx %arg22[%parallel_loop3A_437], %parallel_loop3A_441 masked %eq3A_4 : memref<512xf32, #tpu.memory_space<vmem>>[vector<16xi32>], vector<16xf32>, vector<16xi1>
      } {sc.loop_unroll_factor = 4 : i64, sc.parallel_access}
      %add3A_217 = arith.addi %mul3A_2, %mul3A_201 : i32
      %dma_start3A_218 = tpu.memref_slice %arg22[%mul3A_201] : memref<512xf32, #tpu.memory_space<vmem>> -> memref<32xf32, #tpu.memory_space<vmem>>
      %dma_start3A_219 = tpu.memref_slice %arg4[%add3A_217] : memref<16384xf32, #tpu.memory_space<hbm>> -> memref<32xf32, #tpu.memory_space<hbm>>
      %dma_start3A_220 = tpu.memref_slice %arg4[%add3A_217] : memref<16384xf32, #tpu.memory_space<hbm>> -> memref<32xf32, #tpu.memory_space<hbm>>
      %dma_start3A_221 = tpu.memref_slice %arg22[%mul3A_201] : memref<512xf32, #tpu.memory_space<vmem>> -> memref<32xf32, #tpu.memory_space<vmem>>
      tpu.enqueue_dma source(%dma_start3A_221 : memref<32xf32, #tpu.memory_space<vmem>>) target(%dma_start3A_220 : memref<32xf32, #tpu.memory_space<hbm>>) target_semaphore(%arg40 : memref<!tpu.dma_semaphore, #tpu.memory_space<semaphore_mem>>)
      %add3A_222 = arith.constant 8 : i32
      %add3A_223 = arith.addi %add3A_199, %add3A_222 : i32
      %lt3A_224 = arith.constant 16 : i32
      %lt3A_225 = arith.cmpi slt, %add3A_223, %lt3A_224 : i32
      %convert_element_type3A_226 = arith.extui %lt3A_225 : i1 to i32
      %cond3A_227 = arith.constant 0 : i32
      %cond3A_228 = arith.cmpi ne, %convert_element_type3A_226, %cond3A_227 : i32
      scf.if %cond3A_228 {
        %add3A_361 = arith.constant 8 : i32
        %add3A_362 = arith.addi %add3A_199, %add3A_361 : i32
        %mul3A_363 = arith.constant 32 : i32
        %mul3A_364 = arith.muli %add3A_362, %mul3A_363 : i32
        %add3A_365 = arith.addi %mul3A_2, %mul3A_364 : i32
        %dma_start3A_366 = arith.constant 0 : i32
        %dma_start3A_367 = tpu.memref_slice %arg2[%add3A_365, %dma_start3A_366] : memref<16384x128xf32, #tpu.memory_space<hbm>> -> memref<32x128xf32, #tpu.memory_space<hbm>>
        %dma_start3A_368 = arith.constant 0 : i32
        %dma_start3A_369 = tpu.memref_slice %arg2[%add3A_365, %dma_start3A_368] : memref<16384x128xf32, #tpu.memory_space<hbm>> -> memref<32x128xf32, #tpu.memory_space<hbm>>
        tpu.enqueue_dma source(%dma_start3A_369 : memref<32x128xf32, #tpu.memory_space<hbm>>) target(%arg9 : memref<32x128xf32, #tpu.memory_space<vmem>>) target_semaphore(%arg34 : memref<!tpu.dma_semaphore, #tpu.memory_space<semaphore_mem>>)
        %mul3A_370 = arith.constant 32 : i32
        %mul3A_371 = arith.muli %add3A_362, %mul3A_370 : i32
        %dma_start3A_372 = tpu.memref_slice %arg5[%mul3A_371] : memref<512xi32, #tpu.memory_space<vmem>> -> memref<32xi32, #tpu.memory_space<vmem>>
        %dma_start3A_373 = arith.constant 0 : i32
        %dma_start3A_374 = arith.constant 0 : i32
        %dma_start3A_375 = tpu.memref_slice %arg2[%dma_start3A_373, %dma_start3A_374] : memref<16384x128xf32, #tpu.memory_space<hbm>> -> memref<16384x128xf32, #tpu.memory_space<hbm>>
        tpu.enqueue_indirect_dma source(%dma_start3A_375 : memref<16384x128xf32, #tpu.memory_space<hbm>>) target(%arg17 : memref<32x128xf32, #tpu.memory_space<vmem>>) offsets(%dma_start3A_372 : memref<32xi32, #tpu.memory_space<vmem>>) semaphore(%arg26 : memref<!tpu.dma_semaphore, #tpu.memory_space<semaphore_mem>>)
      } else {
      }
      %mul3A_229 = arith.constant 8 : i32
      %mul3A_230 = arith.muli %scan3A_100, %mul3A_229 : i32
      %add3A_231 = arith.constant 4 : i32
      %add3A_232 = arith.addi %mul3A_230, %add3A_231 : i32
      %mul3A_233 = arith.constant 32 : i32
      %mul3A_234 = arith.muli %add3A_232, %mul3A_233 : i32
      %dma_wait3A_235 = arith.constant 0 : i32
      %dma_wait3A_236 = arith.constant 0 : i32
      %dma_wait3A_237 = tpu.memref_slice %arg2[%dma_wait3A_235, %dma_wait3A_236] : memref<16384x128xf32, #tpu.memory_space<hbm>> -> memref<32x128xf32, #tpu.memory_space<hbm>>
      %dma_wait3A_238 = arith.constant 0 : i32
      %dma_wait3A_239 = arith.constant 0 : i32
      %dma_wait3A_240 = tpu.memref_slice %arg2[%dma_wait3A_238, %dma_wait3A_239] : memref<16384x128xf32, #tpu.memory_space<hbm>> -> memref<32x128xf32, #tpu.memory_space<hbm>>
      tpu.wait_dma2 semaphore(%arg27 : memref<!tpu.dma_semaphore, #tpu.memory_space<semaphore_mem>>) src(%dma_wait3A_240 : memref<32x128xf32, #tpu.memory_space<hbm>>) dst(%arg18 : memref<32x128xf32, #tpu.memory_space<vmem>>)
      %dma_wait3A_241 = arith.constant 0 : i32
      %dma_wait3A_242 = arith.constant 0 : i32
      %dma_wait3A_243 = tpu.memref_slice %arg2[%dma_wait3A_241, %dma_wait3A_242] : memref<16384x128xf32, #tpu.memory_space<hbm>> -> memref<32x128xf32, #tpu.memory_space<hbm>>
      %dma_wait3A_244 = arith.constant 0 : i32
      %dma_wait3A_245 = arith.constant 0 : i32
      %dma_wait3A_246 = tpu.memref_slice %arg2[%dma_wait3A_244, %dma_wait3A_245] : memref<16384x128xf32, #tpu.memory_space<hbm>> -> memref<32x128xf32, #tpu.memory_space<hbm>>
      tpu.wait_dma2 semaphore(%arg35 : memref<!tpu.dma_semaphore, #tpu.memory_space<semaphore_mem>>) src(%dma_wait3A_246 : memref<32x128xf32, #tpu.memory_space<hbm>>) dst(%arg10 : memref<32x128xf32, #tpu.memory_space<vmem>>)
      %parallel_loop3A_247 = arith.constant 0 : i32
      %parallel_loop3A_248 = arith.constant 32 : i32
      %parallel_loop3A_249 = arith.constant 1 : i32
      scf.for %parallel_loop3A_361 = %parallel_loop3A_247 to %parallel_loop3A_248 step %parallel_loop3A_249  : i32 {
        %parallel_loop3A_362 = arith.addi %mul3A_234, %parallel_loop3A_361 : i32
        %parallel_loop3A_363 = arith.index_cast %parallel_loop3A_361 : i32 to index
        %parallel_loop3A_364 = arith.constant 0 : index
        %parallel_loop3A_365 = tpu.vector_load %arg10[%parallel_loop3A_363, %parallel_loop3A_364] {strides = array<i32>} : memref<32x128xf32, #tpu.memory_space<vmem>>, vector<16xf32>,
        %parallel_loop3A_366 = arith.index_cast %parallel_loop3A_361 : i32 to index
        %parallel_loop3A_367 = arith.constant 0 : index
        %parallel_loop3A_368 = tpu.vector_load %arg18[%parallel_loop3A_366, %parallel_loop3A_367] {strides = array<i32>} : memref<32x128xf32, #tpu.memory_space<vmem>>, vector<16xf32>,
        %parallel_loop3A_369 = arith.subf %parallel_loop3A_365, %parallel_loop3A_368 : vector<16xf32>
        %parallel_loop3A_370 = math.absf %parallel_loop3A_369 : vector<16xf32>
        %parallel_loop3A_371 = arith.index_cast %parallel_loop3A_361 : i32 to index
        %parallel_loop3A_372 = arith.constant 16 : index
        %parallel_loop3A_373 = tpu.vector_load %arg10[%parallel_loop3A_371, %parallel_loop3A_372] {strides = array<i32>} : memref<32x128xf32, #tpu.memory_space<vmem>>, vector<16xf32>,
        %parallel_loop3A_374 = arith.index_cast %parallel_loop3A_361 : i32 to index
        %parallel_loop3A_375 = arith.constant 16 : index
        %parallel_loop3A_376 = tpu.vector_load %arg18[%parallel_loop3A_374, %parallel_loop3A_375] {strides = array<i32>} : memref<32x128xf32, #tpu.memory_space<vmem>>, vector<16xf32>,
        %parallel_loop3A_377 = arith.subf %parallel_loop3A_373, %parallel_loop3A_376 : vector<16xf32>
        %parallel_loop3A_378 = math.absf %parallel_loop3A_377 : vector<16xf32>
        %parallel_loop3A_379 = arith.index_cast %parallel_loop3A_361 : i32 to index
        %parallel_loop3A_380 = arith.constant 32 : index
        %parallel_loop3A_381 = tpu.vector_load %arg10[%parallel_loop3A_379, %parallel_loop3A_380] {strides = array<i32>} : memref<32x128xf32, #tpu.memory_space<vmem>>, vector<16xf32>,
        %parallel_loop3A_382 = arith.index_cast %parallel_loop3A_361 : i32 to index
        %parallel_loop3A_383 = arith.constant 32 : index
        %parallel_loop3A_384 = tpu.vector_load %arg18[%parallel_loop3A_382, %parallel_loop3A_383] {strides = array<i32>} : memref<32x128xf32, #tpu.memory_space<vmem>>, vector<16xf32>,
        %parallel_loop3A_385 = arith.subf %parallel_loop3A_381, %parallel_loop3A_384 : vector<16xf32>
        %parallel_loop3A_386 = math.absf %parallel_loop3A_385 : vector<16xf32>
        %parallel_loop3A_387 = arith.addf %parallel_loop3A_370, %parallel_loop3A_386 : vector<16xf32>
        %parallel_loop3A_388 = arith.index_cast %parallel_loop3A_361 : i32 to index
        %parallel_loop3A_389 = arith.constant 48 : index
        %parallel_loop3A_390 = tpu.vector_load %arg10[%parallel_loop3A_388, %parallel_loop3A_389] {strides = array<i32>} : memref<32x128xf32, #tpu.memory_space<vmem>>, vector<16xf32>,
        %parallel_loop3A_391 = arith.index_cast %parallel_loop3A_361 : i32 to index
        %parallel_loop3A_392 = arith.constant 48 : index
        %parallel_loop3A_393 = tpu.vector_load %arg18[%parallel_loop3A_391, %parallel_loop3A_392] {strides = array<i32>} : memref<32x128xf32, #tpu.memory_space<vmem>>, vector<16xf32>,
        %parallel_loop3A_394 = arith.subf %parallel_loop3A_390, %parallel_loop3A_393 : vector<16xf32>
        %parallel_loop3A_395 = math.absf %parallel_loop3A_394 : vector<16xf32>
        %parallel_loop3A_396 = arith.addf %parallel_loop3A_378, %parallel_loop3A_395 : vector<16xf32>
        %parallel_loop3A_397 = arith.index_cast %parallel_loop3A_361 : i32 to index
        %parallel_loop3A_398 = arith.constant 64 : index
        %parallel_loop3A_399 = tpu.vector_load %arg10[%parallel_loop3A_397, %parallel_loop3A_398] {strides = array<i32>} : memref<32x128xf32, #tpu.memory_space<vmem>>, vector<16xf32>,
        %parallel_loop3A_400 = arith.index_cast %parallel_loop3A_361 : i32 to index
        %parallel_loop3A_401 = arith.constant 64 : index
        %parallel_loop3A_402 = tpu.vector_load %arg18[%parallel_loop3A_400, %parallel_loop3A_401] {strides = array<i32>} : memref<32x128xf32, #tpu.memory_space<vmem>>, vector<16xf32>,
        %parallel_loop3A_403 = arith.subf %parallel_loop3A_399, %parallel_loop3A_402 : vector<16xf32>
        %parallel_loop3A_404 = math.absf %parallel_loop3A_403 : vector<16xf32>
        %parallel_loop3A_405 = arith.addf %parallel_loop3A_387, %parallel_loop3A_404 : vector<16xf32>
        %parallel_loop3A_406 = arith.index_cast %parallel_loop3A_361 : i32 to index
        %parallel_loop3A_407 = arith.constant 80 : index
        %parallel_loop3A_408 = tpu.vector_load %arg10[%parallel_loop3A_406, %parallel_loop3A_407] {strides = array<i32>} : memref<32x128xf32, #tpu.memory_space<vmem>>, vector<16xf32>,
        %parallel_loop3A_409 = arith.index_cast %parallel_loop3A_361 : i32 to index
        %parallel_loop3A_410 = arith.constant 80 : index
        %parallel_loop3A_411 = tpu.vector_load %arg18[%parallel_loop3A_409, %parallel_loop3A_410] {strides = array<i32>} : memref<32x128xf32, #tpu.memory_space<vmem>>, vector<16xf32>,
        %parallel_loop3A_412 = arith.subf %parallel_loop3A_408, %parallel_loop3A_411 : vector<16xf32>
        %parallel_loop3A_413 = math.absf %parallel_loop3A_412 : vector<16xf32>
        %parallel_loop3A_414 = arith.addf %parallel_loop3A_396, %parallel_loop3A_413 : vector<16xf32>
        %parallel_loop3A_415 = arith.index_cast %parallel_loop3A_361 : i32 to index
        %parallel_loop3A_416 = arith.constant 96 : index
        %parallel_loop3A_417 = tpu.vector_load %arg10[%parallel_loop3A_415, %parallel_loop3A_416] {strides = array<i32>} : memref<32x128xf32, #tpu.memory_space<vmem>>, vector<16xf32>,
        %parallel_loop3A_418 = arith.index_cast %parallel_loop3A_361 : i32 to index
        %parallel_loop3A_419 = arith.constant 96 : index
        %parallel_loop3A_420 = tpu.vector_load %arg18[%parallel_loop3A_418, %parallel_loop3A_419] {strides = array<i32>} : memref<32x128xf32, #tpu.memory_space<vmem>>, vector<16xf32>,
        %parallel_loop3A_421 = arith.subf %parallel_loop3A_417, %parallel_loop3A_420 : vector<16xf32>
        %parallel_loop3A_422 = math.absf %parallel_loop3A_421 : vector<16xf32>
        %parallel_loop3A_423 = arith.addf %parallel_loop3A_405, %parallel_loop3A_422 : vector<16xf32>
        %parallel_loop3A_424 = arith.index_cast %parallel_loop3A_361 : i32 to index
        %parallel_loop3A_425 = arith.constant 112 : index
        %parallel_loop3A_426 = tpu.vector_load %arg10[%parallel_loop3A_424, %parallel_loop3A_425] {strides = array<i32>} : memref<32x128xf32, #tpu.memory_space<vmem>>, vector<16xf32>,
        %parallel_loop3A_427 = arith.index_cast %parallel_loop3A_361 : i32 to index
        %parallel_loop3A_428 = arith.constant 112 : index
        %parallel_loop3A_429 = tpu.vector_load %arg18[%parallel_loop3A_427, %parallel_loop3A_428] {strides = array<i32>} : memref<32x128xf32, #tpu.memory_space<vmem>>, vector<16xf32>,
        %parallel_loop3A_430 = arith.subf %parallel_loop3A_426, %parallel_loop3A_429 : vector<16xf32>
        %parallel_loop3A_431 = math.absf %parallel_loop3A_430 : vector<16xf32>
        %parallel_loop3A_432 = arith.addf %parallel_loop3A_414, %parallel_loop3A_431 : vector<16xf32>
        %parallel_loop3A_433 = arith.addf %parallel_loop3A_423, %parallel_loop3A_432 : vector<16xf32>
        %parallel_loop3A_434 = arith.constant true
        %parallel_loop3A_435 = vector.broadcast %parallel_loop3A_434 : i1 to vector<16xi1>
        %parallel_loop3A_436 = tpu.scan <sum>, %parallel_loop3A_433 masked %parallel_loop3A_435 : vector<16xf32>, vector<16xi1> -> vector<16xf32>
        %parallel_loop3A_437 = vector.broadcast %parallel_loop3A_362 : i32 to vector<16xi32>
        %parallel_loop3A_438 = arith.constant 0.000000e+00 : f32
        %parallel_loop3A_439 = vector.broadcast %parallel_loop3A_438 : f32 to vector<16xf32>
        %parallel_loop3A_440 = arith.subf %parallel_loop3A_439, %parallel_loop3A_436 : vector<16xf32>
        %parallel_loop3A_441 = math.exp %parallel_loop3A_440 : vector<16xf32>
        tpu.vector_store_idx %arg22[%parallel_loop3A_437], %parallel_loop3A_441 masked %eq3A_4 : memref<512xf32, #tpu.memory_space<vmem>>[vector<16xi32>], vector<16xf32>, vector<16xi1>
      } {sc.loop_unroll_factor = 4 : i64, sc.parallel_access}
      %add3A_250 = arith.addi %mul3A_2, %mul3A_234 : i32
      %dma_start3A_251 = tpu.memref_slice %arg22[%mul3A_234] : memref<512xf32, #tpu.memory_space<vmem>> -> memref<32xf32, #tpu.memory_space<vmem>>
      %dma_start3A_252 = tpu.memref_slice %arg4[%add3A_250] : memref<16384xf32, #tpu.memory_space<hbm>> -> memref<32xf32, #tpu.memory_space<hbm>>
      %dma_start3A_253 = tpu.memref_slice %arg4[%add3A_250] : memref<16384xf32, #tpu.memory_space<hbm>> -> memref<32xf32, #tpu.memory_space<hbm>>
      %dma_start3A_254 = tpu.memref_slice %arg22[%mul3A_234] : memref<512xf32, #tpu.memory_space<vmem>> -> memref<32xf32, #tpu.memory_space<vmem>>
      tpu.enqueue_dma source(%dma_start3A_254 : memref<32xf32, #tpu.memory_space<vmem>>) target(%dma_start3A_253 : memref<32xf32, #tpu.memory_space<hbm>>) target_semaphore(%arg40 : memref<!tpu.dma_semaphore, #tpu.memory_space<semaphore_mem>>)
      %add3A_255 = arith.constant 8 : i32
      %add3A_256 = arith.addi %add3A_232, %add3A_255 : i32
      %lt3A_257 = arith.constant 16 : i32
      %lt3A_258 = arith.cmpi slt, %add3A_256, %lt3A_257 : i32
      %convert_element_type3A_259 = arith.extui %lt3A_258 : i1 to i32
      %cond3A_260 = arith.constant 0 : i32
      %cond3A_261 = arith.cmpi ne, %convert_element_type3A_259, %cond3A_260 : i32
      scf.if %cond3A_261 {
        %add3A_361 = arith.constant 8 : i32
        %add3A_362 = arith.addi %add3A_232, %add3A_361 : i32
        %mul3A_363 = arith.constant 32 : i32
        %mul3A_364 = arith.muli %add3A_362, %mul3A_363 : i32
        %add3A_365 = arith.addi %mul3A_2, %mul3A_364 : i32
        %dma_start3A_366 = arith.constant 0 : i32
        %dma_start3A_367 = tpu.memref_slice %arg2[%add3A_365, %dma_start3A_366] : memref<16384x128xf32, #tpu.memory_space<hbm>> -> memref<32x128xf32, #tpu.memory_space<hbm>>
        %dma_start3A_368 = arith.constant 0 : i32
        %dma_start3A_369 = tpu.memref_slice %arg2[%add3A_365, %dma_start3A_368] : memref<16384x128xf32, #tpu.memory_space<hbm>> -> memref<32x128xf32, #tpu.memory_space<hbm>>
        tpu.enqueue_dma source(%dma_start3A_369 : memref<32x128xf32, #tpu.memory_space<hbm>>) target(%arg10 : memref<32x128xf32, #tpu.memory_space<vmem>>) target_semaphore(%arg35 : memref<!tpu.dma_semaphore, #tpu.memory_space<semaphore_mem>>)
        %mul3A_370 = arith.constant 32 : i32
        %mul3A_371 = arith.muli %add3A_362, %mul3A_370 : i32
        %dma_start3A_372 = tpu.memref_slice %arg5[%mul3A_371] : memref<512xi32, #tpu.memory_space<vmem>> -> memref<32xi32, #tpu.memory_space<vmem>>
        %dma_start3A_373 = arith.constant 0 : i32
        %dma_start3A_374 = arith.constant 0 : i32
        %dma_start3A_375 = tpu.memref_slice %arg2[%dma_start3A_373, %dma_start3A_374] : memref<16384x128xf32, #tpu.memory_space<hbm>> -> memref<16384x128xf32, #tpu.memory_space<hbm>>
        tpu.enqueue_indirect_dma source(%dma_start3A_375 : memref<16384x128xf32, #tpu.memory_space<hbm>>) target(%arg18 : memref<32x128xf32, #tpu.memory_space<vmem>>) offsets(%dma_start3A_372 : memref<32xi32, #tpu.memory_space<vmem>>) semaphore(%arg27 : memref<!tpu.dma_semaphore, #tpu.memory_space<semaphore_mem>>)
      } else {
      }
      %mul3A_262 = arith.constant 8 : i32
      %mul3A_263 = arith.muli %scan3A_100, %mul3A_262 : i32
      %add3A_264 = arith.constant 5 : i32
      %add3A_265 = arith.addi %mul3A_263, %add3A_264 : i32
      %mul3A_266 = arith.constant 32 : i32
      %mul3A_267 = arith.muli %add3A_265, %mul3A_266 : i32
      %dma_wait3A_268 = arith.constant 0 : i32
      %dma_wait3A_269 = arith.constant 0 : i32
      %dma_wait3A_270 = tpu.memref_slice %arg2[%dma_wait3A_268, %dma_wait3A_269] : memref<16384x128xf32, #tpu.memory_space<hbm>> -> memref<32x128xf32, #tpu.memory_space<hbm>>
      %dma_wait3A_271 = arith.constant 0 : i32
      %dma_wait3A_272 = arith.constant 0 : i32
      %dma_wait3A_273 = tpu.memref_slice %arg2[%dma_wait3A_271, %dma_wait3A_272] : memref<16384x128xf32, #tpu.memory_space<hbm>> -> memref<32x128xf32, #tpu.memory_space<hbm>>
      tpu.wait_dma2 semaphore(%arg28 : memref<!tpu.dma_semaphore, #tpu.memory_space<semaphore_mem>>) src(%dma_wait3A_273 : memref<32x128xf32, #tpu.memory_space<hbm>>) dst(%arg19 : memref<32x128xf32, #tpu.memory_space<vmem>>)
      %dma_wait3A_274 = arith.constant 0 : i32
      %dma_wait3A_275 = arith.constant 0 : i32
      %dma_wait3A_276 = tpu.memref_slice %arg2[%dma_wait3A_274, %dma_wait3A_275] : memref<16384x128xf32, #tpu.memory_space<hbm>> -> memref<32x128xf32, #tpu.memory_space<hbm>>
      %dma_wait3A_277 = arith.constant 0 : i32
      %dma_wait3A_278 = arith.constant 0 : i32
      %dma_wait3A_279 = tpu.memref_slice %arg2[%dma_wait3A_277, %dma_wait3A_278] : memref<16384x128xf32, #tpu.memory_space<hbm>> -> memref<32x128xf32, #tpu.memory_space<hbm>>
      tpu.wait_dma2 semaphore(%arg36 : memref<!tpu.dma_semaphore, #tpu.memory_space<semaphore_mem>>) src(%dma_wait3A_279 : memref<32x128xf32, #tpu.memory_space<hbm>>) dst(%arg11 : memref<32x128xf32, #tpu.memory_space<vmem>>)
      %parallel_loop3A_280 = arith.constant 0 : i32
      %parallel_loop3A_281 = arith.constant 32 : i32
      %parallel_loop3A_282 = arith.constant 1 : i32
      scf.for %parallel_loop3A_361 = %parallel_loop3A_280 to %parallel_loop3A_281 step %parallel_loop3A_282  : i32 {
        %parallel_loop3A_362 = arith.addi %mul3A_267, %parallel_loop3A_361 : i32
        %parallel_loop3A_363 = arith.index_cast %parallel_loop3A_361 : i32 to index
        %parallel_loop3A_364 = arith.constant 0 : index
        %parallel_loop3A_365 = tpu.vector_load %arg11[%parallel_loop3A_363, %parallel_loop3A_364] {strides = array<i32>} : memref<32x128xf32, #tpu.memory_space<vmem>>, vector<16xf32>,
        %parallel_loop3A_366 = arith.index_cast %parallel_loop3A_361 : i32 to index
        %parallel_loop3A_367 = arith.constant 0 : index
        %parallel_loop3A_368 = tpu.vector_load %arg19[%parallel_loop3A_366, %parallel_loop3A_367] {strides = array<i32>} : memref<32x128xf32, #tpu.memory_space<vmem>>, vector<16xf32>,
        %parallel_loop3A_369 = arith.subf %parallel_loop3A_365, %parallel_loop3A_368 : vector<16xf32>
        %parallel_loop3A_370 = math.absf %parallel_loop3A_369 : vector<16xf32>
        %parallel_loop3A_371 = arith.index_cast %parallel_loop3A_361 : i32 to index
        %parallel_loop3A_372 = arith.constant 16 : index
        %parallel_loop3A_373 = tpu.vector_load %arg11[%parallel_loop3A_371, %parallel_loop3A_372] {strides = array<i32>} : memref<32x128xf32, #tpu.memory_space<vmem>>, vector<16xf32>,
        %parallel_loop3A_374 = arith.index_cast %parallel_loop3A_361 : i32 to index
        %parallel_loop3A_375 = arith.constant 16 : index
        %parallel_loop3A_376 = tpu.vector_load %arg19[%parallel_loop3A_374, %parallel_loop3A_375] {strides = array<i32>} : memref<32x128xf32, #tpu.memory_space<vmem>>, vector<16xf32>,
        %parallel_loop3A_377 = arith.subf %parallel_loop3A_373, %parallel_loop3A_376 : vector<16xf32>
        %parallel_loop3A_378 = math.absf %parallel_loop3A_377 : vector<16xf32>
        %parallel_loop3A_379 = arith.index_cast %parallel_loop3A_361 : i32 to index
        %parallel_loop3A_380 = arith.constant 32 : index
        %parallel_loop3A_381 = tpu.vector_load %arg11[%parallel_loop3A_379, %parallel_loop3A_380] {strides = array<i32>} : memref<32x128xf32, #tpu.memory_space<vmem>>, vector<16xf32>,
        %parallel_loop3A_382 = arith.index_cast %parallel_loop3A_361 : i32 to index
        %parallel_loop3A_383 = arith.constant 32 : index
        %parallel_loop3A_384 = tpu.vector_load %arg19[%parallel_loop3A_382, %parallel_loop3A_383] {strides = array<i32>} : memref<32x128xf32, #tpu.memory_space<vmem>>, vector<16xf32>,
        %parallel_loop3A_385 = arith.subf %parallel_loop3A_381, %parallel_loop3A_384 : vector<16xf32>
        %parallel_loop3A_386 = math.absf %parallel_loop3A_385 : vector<16xf32>
        %parallel_loop3A_387 = arith.addf %parallel_loop3A_370, %parallel_loop3A_386 : vector<16xf32>
        %parallel_loop3A_388 = arith.index_cast %parallel_loop3A_361 : i32 to index
        %parallel_loop3A_389 = arith.constant 48 : index
        %parallel_loop3A_390 = tpu.vector_load %arg11[%parallel_loop3A_388, %parallel_loop3A_389] {strides = array<i32>} : memref<32x128xf32, #tpu.memory_space<vmem>>, vector<16xf32>,
        %parallel_loop3A_391 = arith.index_cast %parallel_loop3A_361 : i32 to index
        %parallel_loop3A_392 = arith.constant 48 : index
        %parallel_loop3A_393 = tpu.vector_load %arg19[%parallel_loop3A_391, %parallel_loop3A_392] {strides = array<i32>} : memref<32x128xf32, #tpu.memory_space<vmem>>, vector<16xf32>,
        %parallel_loop3A_394 = arith.subf %parallel_loop3A_390, %parallel_loop3A_393 : vector<16xf32>
        %parallel_loop3A_395 = math.absf %parallel_loop3A_394 : vector<16xf32>
        %parallel_loop3A_396 = arith.addf %parallel_loop3A_378, %parallel_loop3A_395 : vector<16xf32>
        %parallel_loop3A_397 = arith.index_cast %parallel_loop3A_361 : i32 to index
        %parallel_loop3A_398 = arith.constant 64 : index
        %parallel_loop3A_399 = tpu.vector_load %arg11[%parallel_loop3A_397, %parallel_loop3A_398] {strides = array<i32>} : memref<32x128xf32, #tpu.memory_space<vmem>>, vector<16xf32>,
        %parallel_loop3A_400 = arith.index_cast %parallel_loop3A_361 : i32 to index
        %parallel_loop3A_401 = arith.constant 64 : index
        %parallel_loop3A_402 = tpu.vector_load %arg19[%parallel_loop3A_400, %parallel_loop3A_401] {strides = array<i32>} : memref<32x128xf32, #tpu.memory_space<vmem>>, vector<16xf32>,
        %parallel_loop3A_403 = arith.subf %parallel_loop3A_399, %parallel_loop3A_402 : vector<16xf32>
        %parallel_loop3A_404 = math.absf %parallel_loop3A_403 : vector<16xf32>
        %parallel_loop3A_405 = arith.addf %parallel_loop3A_387, %parallel_loop3A_404 : vector<16xf32>
        %parallel_loop3A_406 = arith.index_cast %parallel_loop3A_361 : i32 to index
        %parallel_loop3A_407 = arith.constant 80 : index
        %parallel_loop3A_408 = tpu.vector_load %arg11[%parallel_loop3A_406, %parallel_loop3A_407] {strides = array<i32>} : memref<32x128xf32, #tpu.memory_space<vmem>>, vector<16xf32>,
        %parallel_loop3A_409 = arith.index_cast %parallel_loop3A_361 : i32 to index
        %parallel_loop3A_410 = arith.constant 80 : index
        %parallel_loop3A_411 = tpu.vector_load %arg19[%parallel_loop3A_409, %parallel_loop3A_410] {strides = array<i32>} : memref<32x128xf32, #tpu.memory_space<vmem>>, vector<16xf32>,
        %parallel_loop3A_412 = arith.subf %parallel_loop3A_408, %parallel_loop3A_411 : vector<16xf32>
        %parallel_loop3A_413 = math.absf %parallel_loop3A_412 : vector<16xf32>
        %parallel_loop3A_414 = arith.addf %parallel_loop3A_396, %parallel_loop3A_413 : vector<16xf32>
        %parallel_loop3A_415 = arith.index_cast %parallel_loop3A_361 : i32 to index
        %parallel_loop3A_416 = arith.constant 96 : index
        %parallel_loop3A_417 = tpu.vector_load %arg11[%parallel_loop3A_415, %parallel_loop3A_416] {strides = array<i32>} : memref<32x128xf32, #tpu.memory_space<vmem>>, vector<16xf32>,
        %parallel_loop3A_418 = arith.index_cast %parallel_loop3A_361 : i32 to index
        %parallel_loop3A_419 = arith.constant 96 : index
        %parallel_loop3A_420 = tpu.vector_load %arg19[%parallel_loop3A_418, %parallel_loop3A_419] {strides = array<i32>} : memref<32x128xf32, #tpu.memory_space<vmem>>, vector<16xf32>,
        %parallel_loop3A_421 = arith.subf %parallel_loop3A_417, %parallel_loop3A_420 : vector<16xf32>
        %parallel_loop3A_422 = math.absf %parallel_loop3A_421 : vector<16xf32>
        %parallel_loop3A_423 = arith.addf %parallel_loop3A_405, %parallel_loop3A_422 : vector<16xf32>
        %parallel_loop3A_424 = arith.index_cast %parallel_loop3A_361 : i32 to index
        %parallel_loop3A_425 = arith.constant 112 : index
        %parallel_loop3A_426 = tpu.vector_load %arg11[%parallel_loop3A_424, %parallel_loop3A_425] {strides = array<i32>} : memref<32x128xf32, #tpu.memory_space<vmem>>, vector<16xf32>,
        %parallel_loop3A_427 = arith.index_cast %parallel_loop3A_361 : i32 to index
        %parallel_loop3A_428 = arith.constant 112 : index
        %parallel_loop3A_429 = tpu.vector_load %arg19[%parallel_loop3A_427, %parallel_loop3A_428] {strides = array<i32>} : memref<32x128xf32, #tpu.memory_space<vmem>>, vector<16xf32>,
        %parallel_loop3A_430 = arith.subf %parallel_loop3A_426, %parallel_loop3A_429 : vector<16xf32>
        %parallel_loop3A_431 = math.absf %parallel_loop3A_430 : vector<16xf32>
        %parallel_loop3A_432 = arith.addf %parallel_loop3A_414, %parallel_loop3A_431 : vector<16xf32>
        %parallel_loop3A_433 = arith.addf %parallel_loop3A_423, %parallel_loop3A_432 : vector<16xf32>
        %parallel_loop3A_434 = arith.constant true
        %parallel_loop3A_435 = vector.broadcast %parallel_loop3A_434 : i1 to vector<16xi1>
        %parallel_loop3A_436 = tpu.scan <sum>, %parallel_loop3A_433 masked %parallel_loop3A_435 : vector<16xf32>, vector<16xi1> -> vector<16xf32>
        %parallel_loop3A_437 = vector.broadcast %parallel_loop3A_362 : i32 to vector<16xi32>
        %parallel_loop3A_438 = arith.constant 0.000000e+00 : f32
        %parallel_loop3A_439 = vector.broadcast %parallel_loop3A_438 : f32 to vector<16xf32>
        %parallel_loop3A_440 = arith.subf %parallel_loop3A_439, %parallel_loop3A_436 : vector<16xf32>
        %parallel_loop3A_441 = math.exp %parallel_loop3A_440 : vector<16xf32>
        tpu.vector_store_idx %arg22[%parallel_loop3A_437], %parallel_loop3A_441 masked %eq3A_4 : memref<512xf32, #tpu.memory_space<vmem>>[vector<16xi32>], vector<16xf32>, vector<16xi1>
      } {sc.loop_unroll_factor = 4 : i64, sc.parallel_access}
      %add3A_283 = arith.addi %mul3A_2, %mul3A_267 : i32
      %dma_start3A_284 = tpu.memref_slice %arg22[%mul3A_267] : memref<512xf32, #tpu.memory_space<vmem>> -> memref<32xf32, #tpu.memory_space<vmem>>
      %dma_start3A_285 = tpu.memref_slice %arg4[%add3A_283] : memref<16384xf32, #tpu.memory_space<hbm>> -> memref<32xf32, #tpu.memory_space<hbm>>
      %dma_start3A_286 = tpu.memref_slice %arg4[%add3A_283] : memref<16384xf32, #tpu.memory_space<hbm>> -> memref<32xf32, #tpu.memory_space<hbm>>
      %dma_start3A_287 = tpu.memref_slice %arg22[%mul3A_267] : memref<512xf32, #tpu.memory_space<vmem>> -> memref<32xf32, #tpu.memory_space<vmem>>
      tpu.enqueue_dma source(%dma_start3A_287 : memref<32xf32, #tpu.memory_space<vmem>>) target(%dma_start3A_286 : memref<32xf32, #tpu.memory_space<hbm>>) target_semaphore(%arg40 : memref<!tpu.dma_semaphore, #tpu.memory_space<semaphore_mem>>)
      %add3A_288 = arith.constant 8 : i32
      %add3A_289 = arith.addi %add3A_265, %add3A_288 : i32
      %lt3A_290 = arith.constant 16 : i32
      %lt3A_291 = arith.cmpi slt, %add3A_289, %lt3A_290 : i32
      %convert_element_type3A_292 = arith.extui %lt3A_291 : i1 to i32
      %cond3A_293 = arith.constant 0 : i32
      %cond3A_294 = arith.cmpi ne, %convert_element_type3A_292, %cond3A_293 : i32
      scf.if %cond3A_294 {
        %add3A_361 = arith.constant 8 : i32
        %add3A_362 = arith.addi %add3A_265, %add3A_361 : i32
        %mul3A_363 = arith.constant 32 : i32
        %mul3A_364 = arith.muli %add3A_362, %mul3A_363 : i32
        %add3A_365 = arith.addi %mul3A_2, %mul3A_364 : i32
        %dma_start3A_366 = arith.constant 0 : i32
        %dma_start3A_367 = tpu.memref_slice %arg2[%add3A_365, %dma_start3A_366] : memref<16384x128xf32, #tpu.memory_space<hbm>> -> memref<32x128xf32, #tpu.memory_space<hbm>>
        %dma_start3A_368 = arith.constant 0 : i32
        %dma_start3A_369 = tpu.memref_slice %arg2[%add3A_365, %dma_start3A_368] : memref<16384x128xf32, #tpu.memory_space<hbm>> -> memref<32x128xf32, #tpu.memory_space<hbm>>
        tpu.enqueue_dma source(%dma_start3A_369 : memref<32x128xf32, #tpu.memory_space<hbm>>) target(%arg11 : memref<32x128xf32, #tpu.memory_space<vmem>>) target_semaphore(%arg36 : memref<!tpu.dma_semaphore, #tpu.memory_space<semaphore_mem>>)
        %mul3A_370 = arith.constant 32 : i32
        %mul3A_371 = arith.muli %add3A_362, %mul3A_370 : i32
        %dma_start3A_372 = tpu.memref_slice %arg5[%mul3A_371] : memref<512xi32, #tpu.memory_space<vmem>> -> memref<32xi32, #tpu.memory_space<vmem>>
        %dma_start3A_373 = arith.constant 0 : i32
        %dma_start3A_374 = arith.constant 0 : i32
        %dma_start3A_375 = tpu.memref_slice %arg2[%dma_start3A_373, %dma_start3A_374] : memref<16384x128xf32, #tpu.memory_space<hbm>> -> memref<16384x128xf32, #tpu.memory_space<hbm>>
        tpu.enqueue_indirect_dma source(%dma_start3A_375 : memref<16384x128xf32, #tpu.memory_space<hbm>>) target(%arg19 : memref<32x128xf32, #tpu.memory_space<vmem>>) offsets(%dma_start3A_372 : memref<32xi32, #tpu.memory_space<vmem>>) semaphore(%arg28 : memref<!tpu.dma_semaphore, #tpu.memory_space<semaphore_mem>>)
      } else {
      }
      %mul3A_295 = arith.constant 8 : i32
      %mul3A_296 = arith.muli %scan3A_100, %mul3A_295 : i32
      %add3A_297 = arith.constant 6 : i32
      %add3A_298 = arith.addi %mul3A_296, %add3A_297 : i32
      %mul3A_299 = arith.constant 32 : i32
      %mul3A_300 = arith.muli %add3A_298, %mul3A_299 : i32
      %dma_wait3A_301 = arith.constant 0 : i32
      %dma_wait3A_302 = arith.constant 0 : i32
      %dma_wait3A_303 = tpu.memref_slice %arg2[%dma_wait3A_301, %dma_wait3A_302] : memref<16384x128xf32, #tpu.memory_space<hbm>> -> memref<32x128xf32, #tpu.memory_space<hbm>>
      %dma_wait3A_304 = arith.constant 0 : i32
      %dma_wait3A_305 = arith.constant 0 : i32
      %dma_wait3A_306 = tpu.memref_slice %arg2[%dma_wait3A_304, %dma_wait3A_305] : memref<16384x128xf32, #tpu.memory_space<hbm>> -> memref<32x128xf32, #tpu.memory_space<hbm>>
      tpu.wait_dma2 semaphore(%arg29 : memref<!tpu.dma_semaphore, #tpu.memory_space<semaphore_mem>>) src(%dma_wait3A_306 : memref<32x128xf32, #tpu.memory_space<hbm>>) dst(%arg20 : memref<32x128xf32, #tpu.memory_space<vmem>>)
      %dma_wait3A_307 = arith.constant 0 : i32
      %dma_wait3A_308 = arith.constant 0 : i32
      %dma_wait3A_309 = tpu.memref_slice %arg2[%dma_wait3A_307, %dma_wait3A_308] : memref<16384x128xf32, #tpu.memory_space<hbm>> -> memref<32x128xf32, #tpu.memory_space<hbm>>
      %dma_wait3A_310 = arith.constant 0 : i32
      %dma_wait3A_311 = arith.constant 0 : i32
      %dma_wait3A_312 = tpu.memref_slice %arg2[%dma_wait3A_310, %dma_wait3A_311] : memref<16384x128xf32, #tpu.memory_space<hbm>> -> memref<32x128xf32, #tpu.memory_space<hbm>>
      tpu.wait_dma2 semaphore(%arg37 : memref<!tpu.dma_semaphore, #tpu.memory_space<semaphore_mem>>) src(%dma_wait3A_312 : memref<32x128xf32, #tpu.memory_space<hbm>>) dst(%arg12 : memref<32x128xf32, #tpu.memory_space<vmem>>)
      %parallel_loop3A_313 = arith.constant 0 : i32
      %parallel_loop3A_314 = arith.constant 32 : i32
      %parallel_loop3A_315 = arith.constant 1 : i32
      scf.for %parallel_loop3A_361 = %parallel_loop3A_313 to %parallel_loop3A_314 step %parallel_loop3A_315  : i32 {
        %parallel_loop3A_362 = arith.addi %mul3A_300, %parallel_loop3A_361 : i32
        %parallel_loop3A_363 = arith.index_cast %parallel_loop3A_361 : i32 to index
        %parallel_loop3A_364 = arith.constant 0 : index
        %parallel_loop3A_365 = tpu.vector_load %arg12[%parallel_loop3A_363, %parallel_loop3A_364] {strides = array<i32>} : memref<32x128xf32, #tpu.memory_space<vmem>>, vector<16xf32>,
        %parallel_loop3A_366 = arith.index_cast %parallel_loop3A_361 : i32 to index
        %parallel_loop3A_367 = arith.constant 0 : index
        %parallel_loop3A_368 = tpu.vector_load %arg20[%parallel_loop3A_366, %parallel_loop3A_367] {strides = array<i32>} : memref<32x128xf32, #tpu.memory_space<vmem>>, vector<16xf32>,
        %parallel_loop3A_369 = arith.subf %parallel_loop3A_365, %parallel_loop3A_368 : vector<16xf32>
        %parallel_loop3A_370 = math.absf %parallel_loop3A_369 : vector<16xf32>
        %parallel_loop3A_371 = arith.index_cast %parallel_loop3A_361 : i32 to index
        %parallel_loop3A_372 = arith.constant 16 : index
        %parallel_loop3A_373 = tpu.vector_load %arg12[%parallel_loop3A_371, %parallel_loop3A_372] {strides = array<i32>} : memref<32x128xf32, #tpu.memory_space<vmem>>, vector<16xf32>,
        %parallel_loop3A_374 = arith.index_cast %parallel_loop3A_361 : i32 to index
        %parallel_loop3A_375 = arith.constant 16 : index
        %parallel_loop3A_376 = tpu.vector_load %arg20[%parallel_loop3A_374, %parallel_loop3A_375] {strides = array<i32>} : memref<32x128xf32, #tpu.memory_space<vmem>>, vector<16xf32>,
        %parallel_loop3A_377 = arith.subf %parallel_loop3A_373, %parallel_loop3A_376 : vector<16xf32>
        %parallel_loop3A_378 = math.absf %parallel_loop3A_377 : vector<16xf32>
        %parallel_loop3A_379 = arith.index_cast %parallel_loop3A_361 : i32 to index
        %parallel_loop3A_380 = arith.constant 32 : index
        %parallel_loop3A_381 = tpu.vector_load %arg12[%parallel_loop3A_379, %parallel_loop3A_380] {strides = array<i32>} : memref<32x128xf32, #tpu.memory_space<vmem>>, vector<16xf32>,
        %parallel_loop3A_382 = arith.index_cast %parallel_loop3A_361 : i32 to index
        %parallel_loop3A_383 = arith.constant 32 : index
        %parallel_loop3A_384 = tpu.vector_load %arg20[%parallel_loop3A_382, %parallel_loop3A_383] {strides = array<i32>} : memref<32x128xf32, #tpu.memory_space<vmem>>, vector<16xf32>,
        %parallel_loop3A_385 = arith.subf %parallel_loop3A_381, %parallel_loop3A_384 : vector<16xf32>
        %parallel_loop3A_386 = math.absf %parallel_loop3A_385 : vector<16xf32>
        %parallel_loop3A_387 = arith.addf %parallel_loop3A_370, %parallel_loop3A_386 : vector<16xf32>
        %parallel_loop3A_388 = arith.index_cast %parallel_loop3A_361 : i32 to index
        %parallel_loop3A_389 = arith.constant 48 : index
        %parallel_loop3A_390 = tpu.vector_load %arg12[%parallel_loop3A_388, %parallel_loop3A_389] {strides = array<i32>} : memref<32x128xf32, #tpu.memory_space<vmem>>, vector<16xf32>,
        %parallel_loop3A_391 = arith.index_cast %parallel_loop3A_361 : i32 to index
        %parallel_loop3A_392 = arith.constant 48 : index
        %parallel_loop3A_393 = tpu.vector_load %arg20[%parallel_loop3A_391, %parallel_loop3A_392] {strides = array<i32>} : memref<32x128xf32, #tpu.memory_space<vmem>>, vector<16xf32>,
        %parallel_loop3A_394 = arith.subf %parallel_loop3A_390, %parallel_loop3A_393 : vector<16xf32>
        %parallel_loop3A_395 = math.absf %parallel_loop3A_394 : vector<16xf32>
        %parallel_loop3A_396 = arith.addf %parallel_loop3A_378, %parallel_loop3A_395 : vector<16xf32>
        %parallel_loop3A_397 = arith.index_cast %parallel_loop3A_361 : i32 to index
        %parallel_loop3A_398 = arith.constant 64 : index
        %parallel_loop3A_399 = tpu.vector_load %arg12[%parallel_loop3A_397, %parallel_loop3A_398] {strides = array<i32>} : memref<32x128xf32, #tpu.memory_space<vmem>>, vector<16xf32>,
        %parallel_loop3A_400 = arith.index_cast %parallel_loop3A_361 : i32 to index
        %parallel_loop3A_401 = arith.constant 64 : index
        %parallel_loop3A_402 = tpu.vector_load %arg20[%parallel_loop3A_400, %parallel_loop3A_401] {strides = array<i32>} : memref<32x128xf32, #tpu.memory_space<vmem>>, vector<16xf32>,
        %parallel_loop3A_403 = arith.subf %parallel_loop3A_399, %parallel_loop3A_402 : vector<16xf32>
        %parallel_loop3A_404 = math.absf %parallel_loop3A_403 : vector<16xf32>
        %parallel_loop3A_405 = arith.addf %parallel_loop3A_387, %parallel_loop3A_404 : vector<16xf32>
        %parallel_loop3A_406 = arith.index_cast %parallel_loop3A_361 : i32 to index
        %parallel_loop3A_407 = arith.constant 80 : index
        %parallel_loop3A_408 = tpu.vector_load %arg12[%parallel_loop3A_406, %parallel_loop3A_407] {strides = array<i32>} : memref<32x128xf32, #tpu.memory_space<vmem>>, vector<16xf32>,
        %parallel_loop3A_409 = arith.index_cast %parallel_loop3A_361 : i32 to index
        %parallel_loop3A_410 = arith.constant 80 : index
        %parallel_loop3A_411 = tpu.vector_load %arg20[%parallel_loop3A_409, %parallel_loop3A_410] {strides = array<i32>} : memref<32x128xf32, #tpu.memory_space<vmem>>, vector<16xf32>,
        %parallel_loop3A_412 = arith.subf %parallel_loop3A_408, %parallel_loop3A_411 : vector<16xf32>
        %parallel_loop3A_413 = math.absf %parallel_loop3A_412 : vector<16xf32>
        %parallel_loop3A_414 = arith.addf %parallel_loop3A_396, %parallel_loop3A_413 : vector<16xf32>
        %parallel_loop3A_415 = arith.index_cast %parallel_loop3A_361 : i32 to index
        %parallel_loop3A_416 = arith.constant 96 : index
        %parallel_loop3A_417 = tpu.vector_load %arg12[%parallel_loop3A_415, %parallel_loop3A_416] {strides = array<i32>} : memref<32x128xf32, #tpu.memory_space<vmem>>, vector<16xf32>,
        %parallel_loop3A_418 = arith.index_cast %parallel_loop3A_361 : i32 to index
        %parallel_loop3A_419 = arith.constant 96 : index
        %parallel_loop3A_420 = tpu.vector_load %arg20[%parallel_loop3A_418, %parallel_loop3A_419] {strides = array<i32>} : memref<32x128xf32, #tpu.memory_space<vmem>>, vector<16xf32>,
        %parallel_loop3A_421 = arith.subf %parallel_loop3A_417, %parallel_loop3A_420 : vector<16xf32>
        %parallel_loop3A_422 = math.absf %parallel_loop3A_421 : vector<16xf32>
        %parallel_loop3A_423 = arith.addf %parallel_loop3A_405, %parallel_loop3A_422 : vector<16xf32>
        %parallel_loop3A_424 = arith.index_cast %parallel_loop3A_361 : i32 to index
        %parallel_loop3A_425 = arith.constant 112 : index
        %parallel_loop3A_426 = tpu.vector_load %arg12[%parallel_loop3A_424, %parallel_loop3A_425] {strides = array<i32>} : memref<32x128xf32, #tpu.memory_space<vmem>>, vector<16xf32>,
        %parallel_loop3A_427 = arith.index_cast %parallel_loop3A_361 : i32 to index
        %parallel_loop3A_428 = arith.constant 112 : index
        %parallel_loop3A_429 = tpu.vector_load %arg20[%parallel_loop3A_427, %parallel_loop3A_428] {strides = array<i32>} : memref<32x128xf32, #tpu.memory_space<vmem>>, vector<16xf32>,
        %parallel_loop3A_430 = arith.subf %parallel_loop3A_426, %parallel_loop3A_429 : vector<16xf32>
        %parallel_loop3A_431 = math.absf %parallel_loop3A_430 : vector<16xf32>
        %parallel_loop3A_432 = arith.addf %parallel_loop3A_414, %parallel_loop3A_431 : vector<16xf32>
        %parallel_loop3A_433 = arith.addf %parallel_loop3A_423, %parallel_loop3A_432 : vector<16xf32>
        %parallel_loop3A_434 = arith.constant true
        %parallel_loop3A_435 = vector.broadcast %parallel_loop3A_434 : i1 to vector<16xi1>
        %parallel_loop3A_436 = tpu.scan <sum>, %parallel_loop3A_433 masked %parallel_loop3A_435 : vector<16xf32>, vector<16xi1> -> vector<16xf32>
        %parallel_loop3A_437 = vector.broadcast %parallel_loop3A_362 : i32 to vector<16xi32>
        %parallel_loop3A_438 = arith.constant 0.000000e+00 : f32
        %parallel_loop3A_439 = vector.broadcast %parallel_loop3A_438 : f32 to vector<16xf32>
        %parallel_loop3A_440 = arith.subf %parallel_loop3A_439, %parallel_loop3A_436 : vector<16xf32>
        %parallel_loop3A_441 = math.exp %parallel_loop3A_440 : vector<16xf32>
        tpu.vector_store_idx %arg22[%parallel_loop3A_437], %parallel_loop3A_441 masked %eq3A_4 : memref<512xf32, #tpu.memory_space<vmem>>[vector<16xi32>], vector<16xf32>, vector<16xi1>
      } {sc.loop_unroll_factor = 4 : i64, sc.parallel_access}
      %add3A_316 = arith.addi %mul3A_2, %mul3A_300 : i32
      %dma_start3A_317 = tpu.memref_slice %arg22[%mul3A_300] : memref<512xf32, #tpu.memory_space<vmem>> -> memref<32xf32, #tpu.memory_space<vmem>>
      %dma_start3A_318 = tpu.memref_slice %arg4[%add3A_316] : memref<16384xf32, #tpu.memory_space<hbm>> -> memref<32xf32, #tpu.memory_space<hbm>>
      %dma_start3A_319 = tpu.memref_slice %arg4[%add3A_316] : memref<16384xf32, #tpu.memory_space<hbm>> -> memref<32xf32, #tpu.memory_space<hbm>>
      %dma_start3A_320 = tpu.memref_slice %arg22[%mul3A_300] : memref<512xf32, #tpu.memory_space<vmem>> -> memref<32xf32, #tpu.memory_space<vmem>>
      tpu.enqueue_dma source(%dma_start3A_320 : memref<32xf32, #tpu.memory_space<vmem>>) target(%dma_start3A_319 : memref<32xf32, #tpu.memory_space<hbm>>) target_semaphore(%arg40 : memref<!tpu.dma_semaphore, #tpu.memory_space<semaphore_mem>>)
      %add3A_321 = arith.constant 8 : i32
      %add3A_322 = arith.addi %add3A_298, %add3A_321 : i32
      %lt3A_323 = arith.constant 16 : i32
      %lt3A_324 = arith.cmpi slt, %add3A_322, %lt3A_323 : i32
      %convert_element_type3A_325 = arith.extui %lt3A_324 : i1 to i32
      %cond3A_326 = arith.constant 0 : i32
      %cond3A_327 = arith.cmpi ne, %convert_element_type3A_325, %cond3A_326 : i32
      scf.if %cond3A_327 {
        %add3A_361 = arith.constant 8 : i32
        %add3A_362 = arith.addi %add3A_298, %add3A_361 : i32
        %mul3A_363 = arith.constant 32 : i32
        %mul3A_364 = arith.muli %add3A_362, %mul3A_363 : i32
        %add3A_365 = arith.addi %mul3A_2, %mul3A_364 : i32
        %dma_start3A_366 = arith.constant 0 : i32
        %dma_start3A_367 = tpu.memref_slice %arg2[%add3A_365, %dma_start3A_366] : memref<16384x128xf32, #tpu.memory_space<hbm>> -> memref<32x128xf32, #tpu.memory_space<hbm>>
        %dma_start3A_368 = arith.constant 0 : i32
        %dma_start3A_369 = tpu.memref_slice %arg2[%add3A_365, %dma_start3A_368] : memref<16384x128xf32, #tpu.memory_space<hbm>> -> memref<32x128xf32, #tpu.memory_space<hbm>>
        tpu.enqueue_dma source(%dma_start3A_369 : memref<32x128xf32, #tpu.memory_space<hbm>>) target(%arg12 : memref<32x128xf32, #tpu.memory_space<vmem>>) target_semaphore(%arg37 : memref<!tpu.dma_semaphore, #tpu.memory_space<semaphore_mem>>)
        %mul3A_370 = arith.constant 32 : i32
        %mul3A_371 = arith.muli %add3A_362, %mul3A_370 : i32
        %dma_start3A_372 = tpu.memref_slice %arg5[%mul3A_371] : memref<512xi32, #tpu.memory_space<vmem>> -> memref<32xi32, #tpu.memory_space<vmem>>
        %dma_start3A_373 = arith.constant 0 : i32
        %dma_start3A_374 = arith.constant 0 : i32
        %dma_start3A_375 = tpu.memref_slice %arg2[%dma_start3A_373, %dma_start3A_374] : memref<16384x128xf32, #tpu.memory_space<hbm>> -> memref<16384x128xf32, #tpu.memory_space<hbm>>
        tpu.enqueue_indirect_dma source(%dma_start3A_375 : memref<16384x128xf32, #tpu.memory_space<hbm>>) target(%arg20 : memref<32x128xf32, #tpu.memory_space<vmem>>) offsets(%dma_start3A_372 : memref<32xi32, #tpu.memory_space<vmem>>) semaphore(%arg29 : memref<!tpu.dma_semaphore, #tpu.memory_space<semaphore_mem>>)
      } else {
      }
      %mul3A_328 = arith.constant 8 : i32
      %mul3A_329 = arith.muli %scan3A_100, %mul3A_328 : i32
      %add3A_330 = arith.constant 7 : i32
      %add3A_331 = arith.addi %mul3A_329, %add3A_330 : i32
      %mul3A_332 = arith.constant 32 : i32
      %mul3A_333 = arith.muli %add3A_331, %mul3A_332 : i32
      %dma_wait3A_334 = arith.constant 0 : i32
      %dma_wait3A_335 = arith.constant 0 : i32
      %dma_wait3A_336 = tpu.memref_slice %arg2[%dma_wait3A_334, %dma_wait3A_335] : memref<16384x128xf32, #tpu.memory_space<hbm>> -> memref<32x128xf32, #tpu.memory_space<hbm>>
      %dma_wait3A_337 = arith.constant 0 : i32
      %dma_wait3A_338 = arith.constant 0 : i32
      %dma_wait3A_339 = tpu.memref_slice %arg2[%dma_wait3A_337, %dma_wait3A_338] : memref<16384x128xf32, #tpu.memory_space<hbm>> -> memref<32x128xf32, #tpu.memory_space<hbm>>
      tpu.wait_dma2 semaphore(%arg30 : memref<!tpu.dma_semaphore, #tpu.memory_space<semaphore_mem>>) src(%dma_wait3A_339 : memref<32x128xf32, #tpu.memory_space<hbm>>) dst(%arg21 : memref<32x128xf32, #tpu.memory_space<vmem>>)
      %dma_wait3A_340 = arith.constant 0 : i32
      %dma_wait3A_341 = arith.constant 0 : i32
      %dma_wait3A_342 = tpu.memref_slice %arg2[%dma_wait3A_340, %dma_wait3A_341] : memref<16384x128xf32, #tpu.memory_space<hbm>> -> memref<32x128xf32, #tpu.memory_space<hbm>>
      %dma_wait3A_343 = arith.constant 0 : i32
      %dma_wait3A_344 = arith.constant 0 : i32
      %dma_wait3A_345 = tpu.memref_slice %arg2[%dma_wait3A_343, %dma_wait3A_344] : memref<16384x128xf32, #tpu.memory_space<hbm>> -> memref<32x128xf32, #tpu.memory_space<hbm>>
      tpu.wait_dma2 semaphore(%arg38 : memref<!tpu.dma_semaphore, #tpu.memory_space<semaphore_mem>>) src(%dma_wait3A_345 : memref<32x128xf32, #tpu.memory_space<hbm>>) dst(%arg13 : memref<32x128xf32, #tpu.memory_space<vmem>>)
      %parallel_loop3A_346 = arith.constant 0 : i32
      %parallel_loop3A_347 = arith.constant 32 : i32
      %parallel_loop3A_348 = arith.constant 1 : i32
      scf.for %parallel_loop3A_361 = %parallel_loop3A_346 to %parallel_loop3A_347 step %parallel_loop3A_348  : i32 {
        %parallel_loop3A_362 = arith.addi %mul3A_333, %parallel_loop3A_361 : i32
        %parallel_loop3A_363 = arith.index_cast %parallel_loop3A_361 : i32 to index
        %parallel_loop3A_364 = arith.constant 0 : index
        %parallel_loop3A_365 = tpu.vector_load %arg13[%parallel_loop3A_363, %parallel_loop3A_364] {strides = array<i32>} : memref<32x128xf32, #tpu.memory_space<vmem>>, vector<16xf32>,
        %parallel_loop3A_366 = arith.index_cast %parallel_loop3A_361 : i32 to index
        %parallel_loop3A_367 = arith.constant 0 : index
        %parallel_loop3A_368 = tpu.vector_load %arg21[%parallel_loop3A_366, %parallel_loop3A_367] {strides = array<i32>} : memref<32x128xf32, #tpu.memory_space<vmem>>, vector<16xf32>,
        %parallel_loop3A_369 = arith.subf %parallel_loop3A_365, %parallel_loop3A_368 : vector<16xf32>
        %parallel_loop3A_370 = math.absf %parallel_loop3A_369 : vector<16xf32>
        %parallel_loop3A_371 = arith.index_cast %parallel_loop3A_361 : i32 to index
        %parallel_loop3A_372 = arith.constant 16 : index
        %parallel_loop3A_373 = tpu.vector_load %arg13[%parallel_loop3A_371, %parallel_loop3A_372] {strides = array<i32>} : memref<32x128xf32, #tpu.memory_space<vmem>>, vector<16xf32>,
        %parallel_loop3A_374 = arith.index_cast %parallel_loop3A_361 : i32 to index
        %parallel_loop3A_375 = arith.constant 16 : index
        %parallel_loop3A_376 = tpu.vector_load %arg21[%parallel_loop3A_374, %parallel_loop3A_375] {strides = array<i32>} : memref<32x128xf32, #tpu.memory_space<vmem>>, vector<16xf32>,
        %parallel_loop3A_377 = arith.subf %parallel_loop3A_373, %parallel_loop3A_376 : vector<16xf32>
        %parallel_loop3A_378 = math.absf %parallel_loop3A_377 : vector<16xf32>
        %parallel_loop3A_379 = arith.index_cast %parallel_loop3A_361 : i32 to index
        %parallel_loop3A_380 = arith.constant 32 : index
        %parallel_loop3A_381 = tpu.vector_load %arg13[%parallel_loop3A_379, %parallel_loop3A_380] {strides = array<i32>} : memref<32x128xf32, #tpu.memory_space<vmem>>, vector<16xf32>,
        %parallel_loop3A_382 = arith.index_cast %parallel_loop3A_361 : i32 to index
        %parallel_loop3A_383 = arith.constant 32 : index
        %parallel_loop3A_384 = tpu.vector_load %arg21[%parallel_loop3A_382, %parallel_loop3A_383] {strides = array<i32>} : memref<32x128xf32, #tpu.memory_space<vmem>>, vector<16xf32>,
        %parallel_loop3A_385 = arith.subf %parallel_loop3A_381, %parallel_loop3A_384 : vector<16xf32>
        %parallel_loop3A_386 = math.absf %parallel_loop3A_385 : vector<16xf32>
        %parallel_loop3A_387 = arith.addf %parallel_loop3A_370, %parallel_loop3A_386 : vector<16xf32>
        %parallel_loop3A_388 = arith.index_cast %parallel_loop3A_361 : i32 to index
        %parallel_loop3A_389 = arith.constant 48 : index
        %parallel_loop3A_390 = tpu.vector_load %arg13[%parallel_loop3A_388, %parallel_loop3A_389] {strides = array<i32>} : memref<32x128xf32, #tpu.memory_space<vmem>>, vector<16xf32>,
        %parallel_loop3A_391 = arith.index_cast %parallel_loop3A_361 : i32 to index
        %parallel_loop3A_392 = arith.constant 48 : index
        %parallel_loop3A_393 = tpu.vector_load %arg21[%parallel_loop3A_391, %parallel_loop3A_392] {strides = array<i32>} : memref<32x128xf32, #tpu.memory_space<vmem>>, vector<16xf32>,
        %parallel_loop3A_394 = arith.subf %parallel_loop3A_390, %parallel_loop3A_393 : vector<16xf32>
        %parallel_loop3A_395 = math.absf %parallel_loop3A_394 : vector<16xf32>
        %parallel_loop3A_396 = arith.addf %parallel_loop3A_378, %parallel_loop3A_395 : vector<16xf32>
        %parallel_loop3A_397 = arith.index_cast %parallel_loop3A_361 : i32 to index
        %parallel_loop3A_398 = arith.constant 64 : index
        %parallel_loop3A_399 = tpu.vector_load %arg13[%parallel_loop3A_397, %parallel_loop3A_398] {strides = array<i32>} : memref<32x128xf32, #tpu.memory_space<vmem>>, vector<16xf32>,
        %parallel_loop3A_400 = arith.index_cast %parallel_loop3A_361 : i32 to index
        %parallel_loop3A_401 = arith.constant 64 : index
        %parallel_loop3A_402 = tpu.vector_load %arg21[%parallel_loop3A_400, %parallel_loop3A_401] {strides = array<i32>} : memref<32x128xf32, #tpu.memory_space<vmem>>, vector<16xf32>,
        %parallel_loop3A_403 = arith.subf %parallel_loop3A_399, %parallel_loop3A_402 : vector<16xf32>
        %parallel_loop3A_404 = math.absf %parallel_loop3A_403 : vector<16xf32>
        %parallel_loop3A_405 = arith.addf %parallel_loop3A_387, %parallel_loop3A_404 : vector<16xf32>
        %parallel_loop3A_406 = arith.index_cast %parallel_loop3A_361 : i32 to index
        %parallel_loop3A_407 = arith.constant 80 : index
        %parallel_loop3A_408 = tpu.vector_load %arg13[%parallel_loop3A_406, %parallel_loop3A_407] {strides = array<i32>} : memref<32x128xf32, #tpu.memory_space<vmem>>, vector<16xf32>,
        %parallel_loop3A_409 = arith.index_cast %parallel_loop3A_361 : i32 to index
        %parallel_loop3A_410 = arith.constant 80 : index
        %parallel_loop3A_411 = tpu.vector_load %arg21[%parallel_loop3A_409, %parallel_loop3A_410] {strides = array<i32>} : memref<32x128xf32, #tpu.memory_space<vmem>>, vector<16xf32>,
        %parallel_loop3A_412 = arith.subf %parallel_loop3A_408, %parallel_loop3A_411 : vector<16xf32>
        %parallel_loop3A_413 = math.absf %parallel_loop3A_412 : vector<16xf32>
        %parallel_loop3A_414 = arith.addf %parallel_loop3A_396, %parallel_loop3A_413 : vector<16xf32>
        %parallel_loop3A_415 = arith.index_cast %parallel_loop3A_361 : i32 to index
        %parallel_loop3A_416 = arith.constant 96 : index
        %parallel_loop3A_417 = tpu.vector_load %arg13[%parallel_loop3A_415, %parallel_loop3A_416] {strides = array<i32>} : memref<32x128xf32, #tpu.memory_space<vmem>>, vector<16xf32>,
        %parallel_loop3A_418 = arith.index_cast %parallel_loop3A_361 : i32 to index
        %parallel_loop3A_419 = arith.constant 96 : index
        %parallel_loop3A_420 = tpu.vector_load %arg21[%parallel_loop3A_418, %parallel_loop3A_419] {strides = array<i32>} : memref<32x128xf32, #tpu.memory_space<vmem>>, vector<16xf32>,
        %parallel_loop3A_421 = arith.subf %parallel_loop3A_417, %parallel_loop3A_420 : vector<16xf32>
        %parallel_loop3A_422 = math.absf %parallel_loop3A_421 : vector<16xf32>
        %parallel_loop3A_423 = arith.addf %parallel_loop3A_405, %parallel_loop3A_422 : vector<16xf32>
        %parallel_loop3A_424 = arith.index_cast %parallel_loop3A_361 : i32 to index
        %parallel_loop3A_425 = arith.constant 112 : index
        %parallel_loop3A_426 = tpu.vector_load %arg13[%parallel_loop3A_424, %parallel_loop3A_425] {strides = array<i32>} : memref<32x128xf32, #tpu.memory_space<vmem>>, vector<16xf32>,
        %parallel_loop3A_427 = arith.index_cast %parallel_loop3A_361 : i32 to index
        %parallel_loop3A_428 = arith.constant 112 : index
        %parallel_loop3A_429 = tpu.vector_load %arg21[%parallel_loop3A_427, %parallel_loop3A_428] {strides = array<i32>} : memref<32x128xf32, #tpu.memory_space<vmem>>, vector<16xf32>,
        %parallel_loop3A_430 = arith.subf %parallel_loop3A_426, %parallel_loop3A_429 : vector<16xf32>
        %parallel_loop3A_431 = math.absf %parallel_loop3A_430 : vector<16xf32>
        %parallel_loop3A_432 = arith.addf %parallel_loop3A_414, %parallel_loop3A_431 : vector<16xf32>
        %parallel_loop3A_433 = arith.addf %parallel_loop3A_423, %parallel_loop3A_432 : vector<16xf32>
        %parallel_loop3A_434 = arith.constant true
        %parallel_loop3A_435 = vector.broadcast %parallel_loop3A_434 : i1 to vector<16xi1>
        %parallel_loop3A_436 = tpu.scan <sum>, %parallel_loop3A_433 masked %parallel_loop3A_435 : vector<16xf32>, vector<16xi1> -> vector<16xf32>
        %parallel_loop3A_437 = vector.broadcast %parallel_loop3A_362 : i32 to vector<16xi32>
        %parallel_loop3A_438 = arith.constant 0.000000e+00 : f32
        %parallel_loop3A_439 = vector.broadcast %parallel_loop3A_438 : f32 to vector<16xf32>
        %parallel_loop3A_440 = arith.subf %parallel_loop3A_439, %parallel_loop3A_436 : vector<16xf32>
        %parallel_loop3A_441 = math.exp %parallel_loop3A_440 : vector<16xf32>
        tpu.vector_store_idx %arg22[%parallel_loop3A_437], %parallel_loop3A_441 masked %eq3A_4 : memref<512xf32, #tpu.memory_space<vmem>>[vector<16xi32>], vector<16xf32>, vector<16xi1>
      } {sc.loop_unroll_factor = 4 : i64, sc.parallel_access}
      %add3A_349 = arith.addi %mul3A_2, %mul3A_333 : i32
      %dma_start3A_350 = tpu.memref_slice %arg22[%mul3A_333] : memref<512xf32, #tpu.memory_space<vmem>> -> memref<32xf32, #tpu.memory_space<vmem>>
      %dma_start3A_351 = tpu.memref_slice %arg4[%add3A_349] : memref<16384xf32, #tpu.memory_space<hbm>> -> memref<32xf32, #tpu.memory_space<hbm>>
      %dma_start3A_352 = tpu.memref_slice %arg4[%add3A_349] : memref<16384xf32, #tpu.memory_space<hbm>> -> memref<32xf32, #tpu.memory_space<hbm>>
      %dma_start3A_353 = tpu.memref_slice %arg22[%mul3A_333] : memref<512xf32, #tpu.memory_space<vmem>> -> memref<32xf32, #tpu.memory_space<vmem>>
      tpu.enqueue_dma source(%dma_start3A_353 : memref<32xf32, #tpu.memory_space<vmem>>) target(%dma_start3A_352 : memref<32xf32, #tpu.memory_space<hbm>>) target_semaphore(%arg40 : memref<!tpu.dma_semaphore, #tpu.memory_space<semaphore_mem>>)
      %add3A_354 = arith.constant 8 : i32
      %add3A_355 = arith.addi %add3A_331, %add3A_354 : i32
      %lt3A_356 = arith.constant 16 : i32
      %lt3A_357 = arith.cmpi slt, %add3A_355, %lt3A_356 : i32
      %convert_element_type3A_358 = arith.extui %lt3A_357 : i1 to i32
      %cond3A_359 = arith.constant 0 : i32
      %cond3A_360 = arith.cmpi ne, %convert_element_type3A_358, %cond3A_359 : i32
      scf.if %cond3A_360 {
        %add3A_361 = arith.constant 8 : i32
        %add3A_362 = arith.addi %add3A_331, %add3A_361 : i32
        %mul3A_363 = arith.constant 32 : i32
        %mul3A_364 = arith.muli %add3A_362, %mul3A_363 : i32
        %add3A_365 = arith.addi %mul3A_2, %mul3A_364 : i32
        %dma_start3A_366 = arith.constant 0 : i32
        %dma_start3A_367 = tpu.memref_slice %arg2[%add3A_365, %dma_start3A_366] : memref<16384x128xf32, #tpu.memory_space<hbm>> -> memref<32x128xf32, #tpu.memory_space<hbm>>
        %dma_start3A_368 = arith.constant 0 : i32
        %dma_start3A_369 = tpu.memref_slice %arg2[%add3A_365, %dma_start3A_368] : memref<16384x128xf32, #tpu.memory_space<hbm>> -> memref<32x128xf32, #tpu.memory_space<hbm>>
        tpu.enqueue_dma source(%dma_start3A_369 : memref<32x128xf32, #tpu.memory_space<hbm>>) target(%arg13 : memref<32x128xf32, #tpu.memory_space<vmem>>) target_semaphore(%arg38 : memref<!tpu.dma_semaphore, #tpu.memory_space<semaphore_mem>>)
        %mul3A_370 = arith.constant 32 : i32
        %mul3A_371 = arith.muli %add3A_362, %mul3A_370 : i32
        %dma_start3A_372 = tpu.memref_slice %arg5[%mul3A_371] : memref<512xi32, #tpu.memory_space<vmem>> -> memref<32xi32, #tpu.memory_space<vmem>>
        %dma_start3A_373 = arith.constant 0 : i32
        %dma_start3A_374 = arith.constant 0 : i32
        %dma_start3A_375 = tpu.memref_slice %arg2[%dma_start3A_373, %dma_start3A_374] : memref<16384x128xf32, #tpu.memory_space<hbm>> -> memref<16384x128xf32, #tpu.memory_space<hbm>>
        tpu.enqueue_indirect_dma source(%dma_start3A_375 : memref<16384x128xf32, #tpu.memory_space<hbm>>) target(%arg21 : memref<32x128xf32, #tpu.memory_space<vmem>>) offsets(%dma_start3A_372 : memref<32xi32, #tpu.memory_space<vmem>>) semaphore(%arg30 : memref<!tpu.dma_semaphore, #tpu.memory_space<semaphore_mem>>)
      } else {
      }
    }
    %scan3A_97 = arith.constant 2 : i32
    %dma_wait3A_98 = tpu.memref_slice %arg4[%mul3A_2] : memref<16384xf32, #tpu.memory_space<hbm>> -> memref<512xf32, #tpu.memory_space<hbm>>
    %dma_wait3A_99 = tpu.memref_slice %arg4[%mul3A_2] : memref<16384xf32, #tpu.memory_space<hbm>> -> memref<512xf32, #tpu.memory_space<hbm>>
    tpu.wait_dma2 semaphore(%arg40 : memref<!tpu.dma_semaphore, #tpu.memory_space<semaphore_mem>>) src(%arg22 : memref<512xf32, #tpu.memory_space<vmem>>) dst(%dma_wait3A_99 : memref<512xf32, #tpu.memory_space<hbm>>)
    return
  }
}

</mosaic_0001>

<sc_bundles>
// kernel: kernel.3.cloned.1.call-start
scs
__scs_entry_jumppad:
0x0: {  	(pc) =	sbr.rel $0x88, $3  }
0x1: {  	(tag) =	ssettag $0x0;
	lr =	simm.s32 $0x1  }
0x2: {  	[smem:$0x3F9F] =	sst lr;
	_ =	strace $0xD0000000  }
0x3: {  	_ = 	snop  }
0x4: {  	_ = 	snop  }
0x5: {  	_ = 	snop  }
0x6: {  	_ = 	snop  }
0x7: {  	_ = 	snop  }
__scs_overlays_trampoline_lowered:
0x8: {  	[smem:$0x3FAE] =	sst s0  }
0x9: {  	[smem:$0x3FAF] =	sst s1  }
0xa: {  	[smem:$0x3FB0] =	sst s2  }
0xb: {  	[smem:$0x3FB1] =	sst s3  }
0xc: {  	[smem:$0x3FB2] =	sst s4  }
0xd: {  	[smem:$0x3FB3] =	sst s5  }
0xe: {  	[smem:$0x3FB4] =	sst s6  }
0xf: {  	[smem:$0x3FB5] =	sst s7  }
0x10: {  	[smem:$0x3FB6] =	sst s8  }
0x11: {  	[smem:$0x3FB7] =	sst s9;
	s0 =	simm.s32 @!p0 $0x0  }
0x12: {  	s1 =	sld [smem:$0x3F9D];
	s0 =	simm.s32 @p0 $0x1  }
0x13: {  	[smem:$0x3FB8] =	sst s0;
	s0 =	simm.s32 @!p1 $0x0  }
0x14: {  	s2 =	sld [smem:$0x3F9C];
	s0 =	simm.s32 @p1 $0x1  }
0x15: {  	[smem:$0x3FB9] =	sst s0;
	s0 =	simm.s32 @!p2 $0x0  }
0x16: {  	s3 =	sld [smem:$0x3FDB];
	s0 =	simm.s32 @p2 $0x1  }
0x17: {  	s4 =	simm.s32 $0x1BF5;
	[smem:$0x3FBB] =	sst s0  }
0x18: {  	s0 =	sld [smem:$0x3F9E];
	_ =	swait.ge [sflag:s4], $0x0  }
0x19: {  	s7 =	sld [smem:$0x3F9F]  }
0x1a: {  	s8 =	sadd.s32 $0xFFFFE003, lr  }
0x1b: {  	s9 =	sadd.s32 $0xFFFFFEF7, lr;
	s5 =	simm.s32 $0xFFFFFFFF;
	p2 =	slt.u32 s8, $0xFFFFF086  }
0x1c: {  	p1 =	slt.u32 s9, $0xF7A;
	s5 =	simm.s32 @!p2 $0x0  }
0x1d: {  	s5 =	simm.s32 @p1 $0x1;
	p0 =	seq.s32 s7, s2  }
0x1e: {  	s7 =	smul.u32 @!p0 $0xF7A, s2;
	p2 =	seq.s32 @!p0 s5, $0x0  }
0x1f: {  	s9 =	smul.u32 $0xF7A, s1;
	s8 =	simm.s32 @!p0 $0x1BF5;
	p2 =	por !p2, p0  }
0x20: {  	[sflag:s8] =	ssyncset.s32 @!p0 $0xFFFFF086;
	s6 =	sadd.s32 @!p0 s3, s7;
	s7 =	simm.s32 @!p0 $0x108  }
0x21: {  	s3 =	sadd.s32 s3, s9;
	s6 =	sadd.s32 @!p0 $0x88, s6;
	s7 =	simm.s32 @p2 $0x1082  }
0x22: {  	[simem:s7], [sflag:s8] =	dma.local @!p0 [hbm:s6], $0xF7A  }
0x23: {  	s9 =	sor.u32 $0xD0000000, s2;
	s6 =	simm.s32 $0x108;
	_ =	swait.ge @!p0 [sflag:s8], $0x0  }
0x24: {  	s3 =	sadd.s32 $0x88, s3;
	s6 =	simm.s32 @!p1 $0x1082;
	[sflag:s4] =	ssyncset.s32 $0xFFFFF086  }
0x25: {  	[simem:s6], [sflag:s4] =	dma.local [hbm:s3], $0xF7A  }
0x26: {  	[smem:$0x3F9F] =	sst s1;
	(tag) =	ssettag s2;
	_ =	strace s9  }
0x27: {  	s1 =	sld [smem:$0x3FAF]  }
0x28: {  	s2 =	sld [smem:$0x3FB0]  }
0x29: {  	s4 =	sld [smem:$0x3FB2]  }
0x2a: {  	p0 =	seq.s32 s5, $0x0;
	s5 =	sld [smem:$0x3FB3]  }
0x2b: {  	s6 =	sld [smem:$0x3FB4]  }
0x2c: {  	s7 =	sld [smem:$0x3FB5]  }
0x2d: {  	s3 =	simm.s32 $0x108;
	s8 =	sld [smem:$0x3FB6]  }
0x2e: {  	s3 =	simm.s32 @!p0 $0x1082;
	s9 =	sld [smem:$0x3FB7]  }
0x2f: {  	lr =	sadd.s32 s0, s3;
	s0 =	sld [smem:$0x3FAE]  }
0x30: {  	s3 =	sld [smem:$0x3FB1]  }
0x31: {  	[smem:$0x3FBA] =	sst s10  }
0x32: {  	s10 =	sld [smem:$0x3FB8];
	_ =	sdelay $0x3  }
0x33: {  	p0 =	seq.s32 s10, $0x1;
	s10 =	sld [smem:$0x3FBA];
	_ =	sdelay $0x3  }
0x34: {  	[smem:$0x3FBA] =	sst s10  }
0x35: {  	s10 =	sld [smem:$0x3FB9];
	_ =	sdelay $0x3  }
0x36: {  	p1 =	seq.s32 s10, $0x1;
	s10 =	sld [smem:$0x3FBA];
	_ =	sdelay $0x3  }
0x37: {  	[smem:$0x3FBA] =	sst s10  }
0x38: {  	s10 =	sld [smem:$0x3FBB]  }
0x39: {  	_ = 	snop;
	(pc) =	sbr.ind lr, $3  }
0x3a: {  	_ = 	snop  }
0x3b: {  	_ = 	snop  }
0x3c: {  	p2 =	seq.s32 s10, $0x1;
	s10 =	sld [smem:$0x3FBA]  }
0x3d: {  	_ =	shalt  }
0x3e: {  	_ =	shalt  }
0x3f: {  	_ =	shalt  }
0x40: {  	_ =	shalt  }
0x41: {  	_ =	shalt  }
0x42: {  	_ =	shalt  }
0x43: {  	_ =	shalt  }
0x44: {  	_ =	shalt  }
0x45: {  	_ =	shalt  }
0x46: {  	_ =	shalt  }
0x47: {  	_ =	shalt  }
0x48: {  	_ =	shalt  }
0x49: {  	_ =	shalt  }
0x4a: {  	_ =	shalt  }
0x4b: {  	_ =	shalt  }
0x4c: {  	_ =	shalt  }
0x4d: {  	_ =	shalt  }
0x4e: {  	_ =	shalt  }
0x4f: {  	_ =	shalt  }
0x50: {  	_ =	shalt  }
0x51: {  	_ =	shalt  }
0x52: {  	_ =	shalt  }
0x53: {  	_ =	shalt  }
0x54: {  	_ =	shalt  }
0x55: {  	_ =	shalt  }
0x56: {  	_ =	shalt  }
0x57: {  	_ =	shalt  }
0x58: {  	_ =	shalt  }
0x59: {  	_ =	shalt  }
0x5a: {  	_ =	shalt  }
0x5b: {  	_ =	shalt  }
0x5c: {  	_ =	shalt  }
0x5d: {  	_ =	shalt  }
0x5e: {  	_ =	shalt  }
0x5f: {  	_ =	shalt  }
0x60: {  	_ =	shalt  }
0x61: {  	_ =	shalt  }
0x62: {  	_ =	shalt  }
0x63: {  	_ =	shalt  }
0x64: {  	_ =	shalt  }
0x65: {  	_ =	shalt  }
0x66: {  	_ =	shalt  }
0x67: {  	_ =	shalt  }
0x68: {  	_ =	shalt  }
0x69: {  	_ =	shalt  }
0x6a: {  	_ =	shalt  }
0x6b: {  	_ =	shalt  }
0x6c: {  	_ =	shalt  }
0x6d: {  	_ =	shalt  }
0x6e: {  	_ =	shalt  }
0x6f: {  	_ =	shalt  }
0x70: {  	_ =	shalt  }
0x71: {  	_ =	shalt  }
0x72: {  	_ =	shalt  }
0x73: {  	_ =	shalt  }
0x74: {  	_ =	shalt  }
0x75: {  	_ =	shalt  }
0x76: {  	_ =	shalt  }
0x77: {  	_ =	shalt  }
0x78: {  	_ =	shalt  }
0x79: {  	_ =	shalt  }
0x7a: {  	_ =	shalt  }
0x7b: {  	_ =	shalt  }
0x7c: {  	_ =	shalt  }
0x7d: {  	_ =	shalt  }
0x7e: {  	_ =	shalt  }
0x7f: {  	_ =	shalt  }
0x80: {  	_ =	shalt  }
0x81: {  	_ =	shalt  }
0x82: {  	_ =	shalt  }
0x83: {  	_ =	shalt  }
0x84: {  	_ =	shalt  }
0x85: {  	_ =	shalt  }
0x86: {  	_ =	shalt  }
0x87: {  	_ =	shalt  }
.Lfunc_end0:
.L_simem_size_0:
called_computation_lowered:
.L_overlay_start_0:
0x88: {  	s2 =	sld [smem:$0x3FD9]  }
0x89: {  	s3 =	sld [smem:$0x3FFE];
	_ =	sdelay $0x1  }
0x8a: {  	s1 =	srdreg.scid  }
0x8b: {  	s0 =	sand.u32 $0x1, s1  }
0x8c: {  	s18 =	sshll.u32 s0, $0xA;
	s2 =	sadd.s32 s3, s2  }
0x8d: {  	s2 =	sadd.s32 s2, s18  }
0x8e: {  	[smem:$0x3FC6] =	sst s2  }
0x8f: {  	_ = 	snop  }
0x90: {  	s2 =	sld [smem:$0x3FC9]  }
0x91: {  	s19 =	sld [smem:$0x3FC8]  }
0x92: {  	s4 =	sld [smem:$0x3FD0];
	(tm) =	ssettm $0x1  }
0x93: {  	s5 =	sld [smem:$0x3FFB];
	_ =	sdelay $0x3  }
0x94: {  	_ =	strace s5  }
0x95: {  	s5 =	sld [smem:$0x3FFC];
	_ =	sdelay $0x3  }
0x96: {  	_ =	strace s5  }
0x97: {  	s5 =	sld [smem:$0x3FFD];
	_ =	sdelay $0x3  }
0x98: {  	_ =	strace s5  }
0x99: {  	_ =	strace $0x8FFFFFFF  }
0x9a: {  	s20 =	sld [smem:$0x3FDB];
	_ =	sdelay $0x1  }
0x9b: {  	s6 =	simm.s32 $_scs_section_size  }
0x9c: {  	s7 =	simm.s32 $_size__tile_overlayer_lowered;
	s8 =	simm.s32 $_tile_overlayer_lowered  }
0x9d: {  	s23 =	simm.s32 $0x1BFF;
	s22 =	sshll.u32 s8, $0x1;
	s5 =	sadd.s32 s6, s20  }
0x9e: {  	s9 =	simm.s32 $0x0;
	s21 =	sshll.u32 s7, $0x1;
	s7 =	sadd.s32 s22, s5  }
0x9f: {  	[timem:s9], [sflag:s23] =	dma.local [hbm:s7], s21  }
0xa0: {  	_ =	swait.ge [sflag:s23], s21  }
0xa1: {  	s6 =	ssub.s32 $0x0, s21;
	[sflag:s23] =	ssyncset.done $0x0  }
0xa2: {  	[sflag:s23] =	ssyncadd.s32 s6;
	_ =	sdelay $0x1  }
0xa3: {  	s24 =	simm.s32 $0x1B8B  }
0xa4: {  	_ =	swait.ge [sflag:s24], $0x1  }
0xa5: {  	[sflag:s24] =	ssyncset.done $0x0  }
0xa6: {  	s25 =	simm.s32 $0x1B8E;
	[sflag:s24] =	ssyncadd.s32 $0xFFFFFFFF  }
0xa7: {  	s26 =	simm.s32 $execute0_lowered;
	[smem:$0x3FD2] =	sst s25  }
0xa8: {  	s6 =	sshll.u32 s26, $0x1;
	_ =	strace $0x80000046;
	[dreg:$0x1] =	wrdreg $0xFFFFFFFF  }
0xa9: {  	s28 =	simm.s32 $_size_execute0_lowered;
	s5 =	sadd.s32 s5, s6;
	[dreg:$0x0] =	wrdreg $0x0  }
0xaa: {  	s6 =	sshll.u32 s28, $0x1;
	[dreg:$0x2] =	wrdreg s5  }
0xab: {  	[dreg:$0x3] =	wrdreg s6  }
0xac: {  	[dreg:$0x4] =	wrdreg $0xC0  }
0xad: {  	_ =	task [dreg:s9], $0x5FFFF  }
0xae: {  	[dreg:$0x1] =	wrdreg $0xFFFFFFFF  }
0xaf: {  	[dreg:$0x0] =	wrdreg $0x60  }
0xb0: {  	[dreg:$0x2] =	wrdreg s2  }
0xb1: {  	[dreg:$0x3] =	wrdreg s19  }
0xb2: {  	[dreg:$0x4] =	wrdreg s4  }
0xb3: {  	[dreg:$0x5] =	wrdreg $0x9  }
0xb4: {  	_ =	task.clear_ibuf [dreg:s9], $0x6FFFF;
	_ =	strace $0x90000046  }
0xb5: {  	s29 =	simm.s32 $0x9;
	_ =	strace $0x80000048  }
0xb6: {  	_ =	swait.ge [sflag:s29], $0x1  }
0xb7: {  	[sflag:s29] =	ssyncadd.s32 $0xFFFFFFFF  }
0xb8: {  	_ =	strace $0x90000048  }
0xb9: {  	_ =	sfence  }
0xba: {  	s30 =	sld [smem:$0x0];
	_ =	sdelay $0x2  }
0xbb: {  	s31 =	sshll.u32 s1, $0xD;
	s1 =	sshrl.u32 s1, $0x2  }
0xbc: {  	s3 =	sand.u32 $0x4000, s31;
	s1 =	sadd.s32 s1, s30  }
0xbd: {  	s0 =	sor.u32 s3, s0;
	s1 =	sshll.u32 s1, $0x11  }
0xbe: {  	s0 =	sor.u32 s1, s0  }
0xbf: {  	s0 =	sadd.s32 $0x8F2B, s0  }
0xc0: {  	[sflag:s0] =	ssyncadd.remote.s32 $0x1  }
0xc1: {  	_ =	sfence.sel $0xFFFF  }
0xc2: {  	[dreg:$0x0] =	wrdreg $0xFFFFFFFF;
	(pc) =	sbr.abs _section_cstart, $3  }
0xc3: {  	[dreg:$0x1] =	wrdreg $0xFFFFFFFF  }
0xc4: {  	_ =	task.clear_ibuf [dreg:s9], $0x2FFFF;
	_ =	strace $0x9FFFFFFF  }
0xc5: {  	(tm) =	ssettm $0x7FFFFFFF  }
tec
execute0_lowered:
.L_overlay_start_1:
0x0: {  	(tag) =	ssettag $0x1  }
0x1: {  	s1 =	rddreg [dreg:$0x0]  }
0x2: {  	s0 =	rddreg [dreg:$0x1]  }
0x3: {  	s3 =	rddreg [dreg:$0x2]  }
0x4: {  	s2 =	srdreg.scid;
	s5 =	stileid.u32  }
0x5: {  	s4 =	simm.s32 $0x0;
	s2 =	sand.u32 $0x1, s2;
	s5 =	sshll.u32 s5, $0xA  }
0x6: {  	[smem:$0x7FF] =	sst s4;
	s19 =	sadd.s32 $0xE00, s1;
	s6 =	sshll.u32 s2, $0x9  }
0x7: {  	_ =	strace $0x80000047;
	s2 =	ssub.s32 $0x2, s2;
	s5 =	sor.u32 s6, s5  }
0x8: {  	[dreg:$0xd] =	wrdreg s19;
	s8 =	sshll.u32 s5, $0x4;
	s7 =	sshrl.u32 s5, $0x3  }
0x9: {  	s12 =	sshrl.u32 s2, $0x1;
	[dreg:$0x4] =	wrdreg s8;
	s0 =	sadd.s32 s0, s7  }
0xa: {  	s2 =	ssub.s32 s2, s12;
	s8 =	sadd.s32 s1, s8;
	[dreg:$0x6] =	wrdreg s0  }
0xb: {  	s28 =	smax.u32 s2, $0x1;
	[dreg:$0x5] =	wrdreg s8  }
0xc: {  	s13 =	sadd.s32 $0x200, s8;
	[dreg:$0x15] =	wrdreg s28  }
0xd: {  	s14 =	sadd.s32 $0x400, s8;
	[dreg:$0x7] =	wrdreg s13  }
0xe: {  	s31 =	simm.s32 $0x1;
	s15 =	sadd.s32 $0x600, s8;
	[dreg:$0x8] =	wrdreg s14  }
0xf: {  	s9 =	simm.s32 $0x3;
	s16 =	sadd.s32 $0x800, s8;
	[dreg:$0x9] =	wrdreg s15  }
0x10: {  	s10 =	simm.s32 $0xB;
	s17 =	sadd.s32 $0xA00, s8;
	[dreg:$0xa] =	wrdreg s16  }
0x11: {  	s11 =	simm.s32 $0x4;
	s18 =	sadd.s32 $0xC00, s8;
	[dreg:$0xb] =	wrdreg s17  }
0x12: {  	s29 =	simm.s32 $0x8;
	s20 =	sadd.s32 $0x1000, s8;
	[dreg:$0xc] =	wrdreg s18  }
0x13: {  	s30 =	simm.s32 $0x10;
	s21 =	sadd.s32 $0x1200, s8;
	[dreg:$0xe] =	wrdreg s20  }
0x14: {  	s12 =	simm.s32 $0xC;
	s22 =	sadd.s32 $0x1400, s8;
	[dreg:$0xf] =	wrdreg s21  }
0x15: {  	s2 =	simm.s32 $0x10200;
	s23 =	sadd.s32 $0x1600, s8;
	[dreg:$0x10] =	wrdreg s22  }
0x16: {  	s7 =	simm.s32 $0x7;
	s24 =	sadd.s32 $0x1800, s8;
	[dreg:$0x11] =	wrdreg s23  }
0x17: {  	s25 =	sadd.s32 $0x1A00, s8;
	s26 =	sadd.s32 $0x1C00, s8;
	[dreg:$0x12] =	wrdreg s24  }
0x18: {  	s0 =	simm.s32 $0x9;
	s8 =	simm.s32 $0xA;
	[dreg:$0x13] =	wrdreg s25  }
0x19: {  	[dreg:$0x14] =	wrdreg s26;
	s23 =	sadd.s32 $0x1E00, s1;
	s25 =	simm.s32 $0x2  }
0x1a: {  	s13 =	simm.s32 $0x5;
	s14 =	simm.s32 $0xD;
	s24 =	simm.s32 $0x6  }
0x1b: {  	vm0 =	vcmask $0x3F3C;
	s15 =	simm.s32 $0xE;
	s26 =	simm.s32 $0xF;
	s17 =	simm.s32 $0x0  }
.LBB2_1:
0x1c: {  	s6 =	rddreg [dreg:$0x6]  }
0x1d: {  	[tilespmem:s4], [sflag:$0x11] =	stream.linear.gather [hbm4b:s6+s4], $0x200, $0x38;
	[tilespmem:$0x10400] =	vst v63  }
0x1e: {  	s22 =	rddreg [dreg:$0x5];
	s16 =	simm.s32 $0x200  }
0x1f: {  	[tilespmem:s16], [sflag:$0x9] =	stream.linear.gather [hbm4b:s22+s4], $0x1000, $0x38;
	[tilespmem:$0x10400] =	vst v63  }
0x20: {  	[dreg:$0x16] =	wrdreg s17;
	s16 =	simm.s32 $0x11  }
0x21: {  	_ =	swait.ge [sflag:s16], $0x200  }
0x22: {  	[sflag:s16] =	ssyncset.done $0x0  }
0x23: {  	s17 =	simm.s32 $0x8200;
	[sflag:s16] =	ssyncadd.s32 $0xFFFFFE00;
	s16 =	simm.s32 $0x20  }
0x24: {  	[tilespmem:s17], [sflag:$0x1] =	stream.indirect.gather [hbm4b:s1+s16], $0x80, s4, s16, $0xb8;
	[tilespmem:$0x10400] =	vst v63  }
0x25: {  	s19 =	simm.s32 $0x1200;
	s18 =	rddreg [dreg:$0x7]  }
0x26: {  	[tilespmem:s19], [sflag:$0xA] =	stream.linear.gather [hbm4b:s18+s4], $0x1000, $0x38;
	[tilespmem:$0x10400] =	vst v63  }
0x27: {  	s20 =	simm.s32 $0x9200  }
0x28: {  	[tilespmem:s20], [sflag:$0x2] =	stream.indirect.gather [hbm4b:s1+s16], $0x80, s16, s16, $0xb8;
	[tilespmem:$0x10400] =	vst v63  }
0x29: {  	s22 =	simm.s32 $0x2200;
	s21 =	rddreg [dreg:$0x8]  }
0x2a: {  	[tilespmem:s22], [sflag:$0xB] =	stream.linear.gather [hbm4b:s21+s4], $0x1000, $0x38;
	[tilespmem:$0x10400] =	vst v63  }
0x2b: {  	s17 =	simm.s32 $0x40;
	s18 =	simm.s32 $0xA200  }
0x2c: {  	[tilespmem:s18], [sflag:$0x3] =	stream.indirect.gather [hbm4b:s1+s16], $0x80, s17, s16, $0xb8;
	[tilespmem:$0x10400] =	vst v63  }
0x2d: {  	s19 =	rddreg [dreg:$0x9];
	s20 =	simm.s32 $0x3200  }
0x2e: {  	[tilespmem:s20], [sflag:$0xC] =	stream.linear.gather [hbm4b:s19+s4], $0x1000, $0x38;
	[tilespmem:$0x10400] =	vst v63  }
0x2f: {  	s21 =	simm.s32 $0x60;
	s22 =	simm.s32 $0xB200  }
0x30: {  	[tilespmem:s22], [sflag:$0x4] =	stream.indirect.gather [hbm4b:s1+s16], $0x80, s21, s16, $0xb8;
	[tilespmem:$0x10400] =	vst v63  }
0x31: {  	s17 =	rddreg [dreg:$0xa];
	s18 =	simm.s32 $0x4200  }
0x32: {  	[tilespmem:s18], [sflag:$0xD] =	stream.linear.gather [hbm4b:s17+s4], $0x1000, $0x38;
	[tilespmem:$0x10400] =	vst v63  }
0x33: {  	s19 =	simm.s32 $0x80;
	s20 =	simm.s32 $0xC200  }
0x34: {  	[tilespmem:s20], [sflag:$0x5] =	stream.indirect.gather [hbm4b:s1+s16], $0x80, s19, s16, $0xb8;
	[tilespmem:$0x10400] =	vst v63  }
0x35: {  	s21 =	rddreg [dreg:$0xb];
	s22 =	simm.s32 $0x5200  }
0x36: {  	[tilespmem:s22], [sflag:$0xE] =	stream.linear.gather [hbm4b:s21+s4], $0x1000, $0x38;
	[tilespmem:$0x10400] =	vst v63  }
0x37: {  	s17 =	simm.s32 $0xA0;
	s18 =	simm.s32 $0xD200  }
0x38: {  	[tilespmem:s18], [sflag:$0x6] =	stream.indirect.gather [hbm4b:s1+s16], $0x80, s17, s16, $0xb8;
	[tilespmem:$0x10400] =	vst v63  }
0x39: {  	s19 =	rddreg [dreg:$0xc];
	s20 =	simm.s32 $0x6200  }
0x3a: {  	[tilespmem:s20], [sflag:$0xF] =	stream.linear.gather [hbm4b:s19+s4], $0x1000, $0x38;
	[tilespmem:$0x10400] =	vst v63  }
0x3b: {  	p1 =	por $0x1, $0x1;
	s21 =	simm.s32 $0xC0;
	s22 =	simm.s32 $0xE200  }
0x3c: {  	[tilespmem:s22], [sflag:$0x7] =	stream.indirect.gather [hbm4b:s1+s16], $0x80, s21, s16, $0xb8;
	[tilespmem:$0x10400] =	vst v63  }
0x3d: {  	s28 =	simm.s32 $0x0;
	s6 =	simm.s32 $0xE0;
	s16 =	rddreg [dreg:$0xd]  }
.LBB2_2:
0x3e: {  	s17 =	rddreg [dreg:$0x4]  }
0x3f: {  	s22 =	simm.s32 $0x7200;
	s16 =	sadd.s32 s17, s16  }
0x40: {  	[tilespmem:s22], [sflag:$0x10] =	stream.linear.gather [hbm4b:s16+s4], $0x1000, $0x38;
	[tilespmem:$0x10400] =	vst v63  }
0x41: {  	s18 =	simm.s32 $0x20;
	s19 =	simm.s32 $0xF200  }
0x42: {  	[tilespmem:s19], [sflag:$0x8] =	stream.indirect.gather [hbm4b:s1+s18], $0x80, s6, s18, $0xb8;
	[tilespmem:$0x10400] =	vst v63  }
0x43: {  	_ =	swait.ge [sflag:s31], $0x1000  }
0x44: {  	[sflag:s31] =	ssyncset.done $0x0  }
0x45: {  	[sflag:s31] =	ssyncadd.s32 $0xFFFFF000  }
0x46: {  	_ =	swait.ge [sflag:s0], $0x1000  }
0x47: {  	[sflag:s0] =	ssyncset.done $0x0  }
0x48: {  	s20 =	simm.s32 $0x300;
	[sflag:s0] =	ssyncadd.s32 $0xFFFFF000  }
0x49: {  	s6 =	simm.s32 $0x8300;
	v0 =	vld [tilespmem:s20+$0xE0]  }
0x4a: {  	v1 =	vld [tilespmem:s6+$0xE0]  }
0x4b: {  	v2 =	vld [tilespmem:s20+$0xC0]  }
0x4c: {  	v3 =	vld [tilespmem:s6+$0xC0]  }
0x4d: {  	v4 =	vld [tilespmem:s20+$0xD0]  }
0x4e: {  	v5 =	vld [tilespmem:s20+$0x80]  }
0x4f: {  	v6 =	vld [tilespmem:s6+$0x80]  }
0x50: {  	v7 =	vld [tilespmem:s20+$0x90]  }
0x51: {  	v8 =	vld [tilespmem:s6+$0x90]  }
0x52: {  	v9 =	vld [tilespmem:s20+$0xA0]  }
0x53: {  	v10 =	vld [tilespmem:s6+$0xA0]  }
0x54: {  	v11 =	vld [tilespmem:s20+$0xB0]  }
0x55: {  	v12 =	vld [tilespmem:s6+$0xB0]  }
0x56: {  	v13 =	vld [tilespmem:s6+$0xD0]  }
0x57: {  	v14 =	vld [tilespmem:s20+$0xFFFFFF00]  }
0x58: {  	v15 =	vld [tilespmem:s20+$0xF0]  }
0x59: {  	v16 =	vld [tilespmem:s6+$0xF0]  }
0x5a: {  	v17 =	vld [tilespmem:s6+$0xFFFFFF00]  }
0x5b: {  	v18 =	vld [tilespmem:s20+$0xFFFFFF10]  }
0x5c: {  	v19 =	vld [tilespmem:s6+$0xFFFFFF10]  }
0x5d: {  	v20 =	vld [tilespmem:s20+$0xFFFFFF20]  }
0x5e: {  	v21 =	vld [tilespmem:s6+$0xFFFFFF20]  }
0x5f: {  	v22 =	vld [tilespmem:s20+$0xFFFFFF30]  }
0x60: {  	v23 =	vld [tilespmem:s6+$0xFFFFFF30]  }
0x61: {  	v56 =	vld [tilespmem:s20+$0xFFFFFF40]  }
0x62: {  	v59 =	vld [tilespmem:s6+$0xFFFFFF40]  }
0x63: {  	v60 =	vld [tilespmem:s20+$0xFFFFFFC0]  }
0x64: {  	v62 =	vld [tilespmem:s6+$0xFFFFFF70];
	v0 =	vsub.f32 v0, v1  }
0x65: {  	v1 =	vld [tilespmem:s20+$0xFFFFFF80];
	v5 =	vsub.f32 v5, v6;
	v6 =	vsub.f32 v7, v8  }
0x66: {  	v7 =	vld [tilespmem:s6+$0xFFFFFF80];
	v8 =	vsub.f32 v9, v10;
	v9 =	vsub.f32 v11, v12  }
0x67: {  	v10 =	vld [tilespmem:s20+$0xFFFFFF90];
	v2 =	vsub.f32 v2, v3;
	v3 =	vsub.f32 v4, v13;
	v5 =	vand.u32 $0x7FFFFFFF, v5  }
0x68: {  	v4 =	vld [tilespmem:s6+$0xFFFFFF90];
	v6 =	vand.u32 $0x7FFFFFFF, v6;
	v8 =	vand.u32 $0x7FFFFFFF, v8;
	v9 =	vand.u32 $0x7FFFFFFF, v9  }
0x69: {  	v11 =	vld [tilespmem:s20+$0xFFFFFFA0];
	v5 =	vadd.f32 v8, v5;
	v6 =	vadd.f32 v9, v6  }
0x6a: {  	v12 =	vld [tilespmem:s20+$0xFFFFFFB0];
	v2 =	vand.u32 $0x7FFFFFFF, v2;
	v3 =	vand.u32 $0x7FFFFFFF, v3;
	v9 =	vsub.f32 v15, v16  }
0x6b: {  	v13 =	vld [tilespmem:s20+$0x20];
	v2 =	vadd.f32 v2, v5;
	v3 =	vadd.f32 v3, v6  }
0x6c: {  	v0 =	vand.u32 $0x7FFFFFFF, v0;
	v8 =	vld [tilespmem:s6+$0xFFFFFFA0];
	v6 =	vand.u32 $0x7FFFFFFF, v9  }
0x6d: {  	v15 =	vld [tilespmem:s20+$0x30];
	v0 =	vadd.f32 v0, v2;
	v2 =	vadd.f32 v6, v3  }
0x6e: {  	v16 =	vld [tilespmem:s6+$0x30]  }
0x6f: {  	v5 =	vld [tilespmem:s6+$0xFFFFFFB0];
	v0 =	vadd.f32 v2, v0  }
0x70: {  	v9 =	vld [tilespmem:s20+$0x0]  }
0x71: {  	v1 =	vsub.f32 v1, v7;
	v7 =	vld [tilespmem:s20+$0xFFFFFF50];
	(xrf2) =	vadd.scan.msk.f32 $0xffff, v0  }
0x72: {  	v3 =	vld [tilespmem:s6+$0x0]  }
0x73: {  	v14 =	vsub.f32 v14, v17;
	v6 =	vld [tilespmem:s20+$0x10]  }
0x74: {  	v17 =	vsub.f32 v18, v19;
	v8 =	vsub.f32 v11, v8;
	v2 =	vld [tilespmem:s6+$0x10]  }
0x75: {  	s21 =	sadd.s32 $0xFFFFFFFC, s28;
	v57 =	vsub.f32 v20, v21;
	v58 =	vsub.f32 v22, v23;
	v0 =	vld [tilespmem:s6+$0x20]  }
0x76: {  	s18 =	sadd.s32 $0x7, s21;
	v1 =	vand.u32 $0x7FFFFFFF, v1;
	v8 =	vand.u32 $0x7FFFFFFF, v8;
	v5 =	vsub.f32 v12, v5;
	v12 =	vld [tilespmem:s6+$0xFFFFFFD0]  }
0x77: {  	v61 =	vmov s18;
	v4 =	vsub.f32 v10, v4;
	v1 =	vadd.f32 v8, v1;
	v8 =	vld [tilespmem:s20+$0xFFFFFFD0]  }
0x78: {  	v14 =	vand.u32 $0x7FFFFFFF, v14;
	v17 =	vand.u32 $0x7FFFFFFF, v17;
	v19 =	vand.u32 $0x7FFFFFFF, v57;
	v10 =	vld [tilespmem:s6+$0xFFFFFFC0]  }
0x79: {  	v14 =	vadd.f32 v19, v14;
	v4 =	vand.u32 $0x7FFFFFFF, v4;
	v11 =	vld [tilespmem:s6+$0xFFFFFF50];
	v3 =	vsub.f32 v9, v3  }
0x7a: {  	v5 =	vand.u32 $0x7FFFFFFF, v5;
	v2 =	vsub.f32 v6, v2;
	v6 =	vld [tilespmem:s20+$0x40];
	v0 =	vsub.f32 v13, v0  }
0x7b: {  	v4 =	vadd.f32 v5, v4;
	v3 =	vand.u32 $0x7FFFFFFF, v3;
	v13 =	vsub.f32 v15, v16;
	v15 =	vld [tilespmem:s6+$0x40];
	v9, _, _ =	vpop (xrf2)  }
0x7c: {  	v8 =	vsub.f32 v8, v12;
	v12 =	vld [tilespmem:s20+$0xFFFFFF70];
	v0 =	vand.u32 $0x7FFFFFFF, v0;
	v9 =	vsub.f32 $0.0e+00, v9  }
0x7d: {  	v63 =	vld [tilespmem:s20+$0xFFFFFFE0];
	v2 =	vand.u32 $0x7FFFFFFF, v2;
	v13 =	vand.u32 $0x7FFFFFFF, v13;
	v0 =	vadd.f32 v0, v3  }
0x7e: {  	v16 =	vld [tilespmem:s6+$0x50];
	v3 =	vsub.f32 v56, v59;
	v13 =	vadd.f32 v13, v2;
	v5 =	vmul.f32 $1.442695020e+00, v9  }
0x7f: {  	v20 =	vand.u32 $0x7FFFFFFF, v58;
	v2 =	vsub.f32 v7, v11;
	v7 =	vsub.f32 v60, v10;
	v10 =	vld [tilespmem:s6+$0xFFFFFF60]  }
0x80: {  	v17 =	vadd.f32 v20, v17;
	v3 =	vand.u32 $0x7FFFFFFF, v3;
	v9 =	vld [tilespmem:s20+$0x50];
	(erf) = vpow2.f32 v5  }
0x81: {  	v2 =	vand.u32 $0x7FFFFFFF, v2;
	v6 =	vsub.f32 v6, v15;
	v19 =	vsub.f32 v12, v62;
	v5 =	vld [tilespmem:s20+$0xFFFFFF60]  }
0x82: {  	s22 =	sadd.s32 $0x4, s21;
	v15 =	vld [tilespmem:s6+$0xFFFFFFE0];
	v11 =	vadd.f32 v3, v14;
	v17 =	vadd.f32 v2, v17;
	v2 =	vand.u32 $0x7FFFFFFF, v7  }
0x83: {  	s17 =	sadd.s32 $0x6, s21;
	s19 =	sadd.s32 $0x5, s21;
	v14 =	vmov s22;
	v3 =	vadd.f32 v2, v1;
	v1 =	vand.u32 $0x7FFFFFFF, v8  }
0x84: {  	v7 =	vmov s19;
	v2 =	vmov s17;
	v4 =	vadd.f32 v1, v4  }
0x85: {  	v1 =	vand.u32 $0xFFFFFFFC, v14;
	v14 =	vand.u32 $0xFFFFFFFD, v7;
	v7 =	vld [tilespmem:s20+$0xFFFFFFF0];
	v8 =	vsub.f32 v9, v16  }
0x86: {  	v16 =	vand.u32 $0xFFFFFFFE, v2;
	v2 =	vbroadcast v1, $0x0;
	v9 =	vld [tilespmem:s6+$0xFFFFFFF0];
	v1 =	vsub.f32 v5, v10  }
0x87: {  	v15 =	vsub.f32 v63, v15;
	v5 =	vand.u32 $0x7FFFFFFF, v6;
	v6 =	vand.u32 $0x7FFFFFFF, v8;
	v8 =	vld [tilespmem:s20+$0x60]  }
0x88: {  	v10 =	vld [tilespmem:s6+$0x60];
	v5 =	vadd.f32 v5, v0;
	v6 =	vadd.f32 v6, v13;
	v1 =	vand.u32 $0x7FFFFFFF, v1  }
0x89: {  	v0 =	vbroadcast v14, $0x0;
	v14 =	vand.u32 $0x7FFFFFFF, v19;
	v12 =	vadd.f32 v1, v11;
	v11 =	vld [tilespmem:s20+$0x70];
	v13 =	vpop (erf)  }
0x8a: {  	p0 =	por p1, p1;
	s16 =	simm.s32 $0x0;
	s17 =	simm.s32 $0x500;
	v14 =	vadd.f32 v14, v17;
	v1 =	vbroadcast v16, $0x0;
	[tilespmem:v61+s2+$0x0] =	vst.idx.msk vm0, v13;
	v13 =	vld [tilespmem:s6+$0x70]  }
.LBB2_3:
0x8b: {  	v16 =	vld [tilespmem:s17+$0xE0];
	v15 =	vand.u32 $0x7FFFFFFF, v15;
	v7 =	vsub.f32 v7, v9;
	s6 =	sadd.s32 $0x200, s6;
	s18 =	smov.u32 s16  }
0x8c: {  	v9 =	vld [tilespmem:s6+$0xE0];
	v12 =	vadd.f32 v14, v12;
	v3 =	vadd.f32 v15, v3  }
0x8d: {  	v14 =	vld [tilespmem:s17+$0xC0];
	v7 =	vand.u32 $0x7FFFFFFF, v7;
	v8 =	vsub.f32 v8, v10  }
0x8e: {  	v10 =	vld [tilespmem:s6+$0xC0];
	v4 =	vadd.f32 v7, v4;
	(xrf2) =	vadd.scan.msk.f32 $0xffff, v12  }
0x8f: {  	v7 =	vld [tilespmem:s17+$0xD0];
	v8 =	vand.u32 $0x7FFFFFFF, v8;
	v11 =	vsub.f32 v11, v13  }
0x90: {  	v12 =	vld [tilespmem:s17+$0x80];
	v3 =	vadd.f32 v4, v3;
	v4 =	vadd.f32 v8, v5  }
0x91: {  	v5 =	vld [tilespmem:s6+$0x80];
	v8 =	vand.u32 $0x7FFFFFFF, v11  }
0x92: {  	v11 =	vld [tilespmem:s17+$0x90];
	v6 =	vadd.f32 v8, v6;
	(xrf2) =	vadd.scan.msk.f32 $0xffff, v3  }
0x93: {  	v3 =	vld [tilespmem:s6+$0x90]  }
0x94: {  	v8 =	vld [tilespmem:s17+$0xA0];
	v4 =	vadd.f32 v6, v4  }
0x95: {  	v6 =	vld [tilespmem:s6+$0xA0]  }
0x96: {  	v13 =	vld [tilespmem:s17+$0xB0];
	(xrf2) =	vadd.scan.msk.f32 $0xffff, v4  }
0x97: {  	s16 =	sadd.s32 $0x4, s16;
	v4 =	vld [tilespmem:s6+$0xB0]  }
0x98: {  	p1 =	slt.u32 s16, $0x1C;
	v15 =	vld [tilespmem:s6+$0xD0];
	v17, _, _ =	vpop (xrf2)  }
0x99: {  	v18 =	vld [tilespmem:s17+$0xFFFFFF00];
	v17 =	vsub.f32 $0.0e+00, v17  }
0x9a: {  	v9 =	vsub.f32 v16, v9;
	v16 =	vld [tilespmem:s17+$0xF0]  }
0x9b: {  	v5 =	vsub.f32 v12, v5;
	v3 =	vsub.f32 v11, v3;
	v11 =	vld [tilespmem:s6+$0xF0];
	v12 =	vmul.f32 $1.442695020e+00, v17  }
0x9c: {  	v6 =	vsub.f32 v8, v6;
	v17 =	vld [tilespmem:s6+$0xFFFFFF00];
	v4 =	vsub.f32 v13, v4;
	v8, _, _ =	vpop (xrf2)  }
0x9d: {  	v10 =	vsub.f32 v14, v10;
	v5 =	vand.u32 $0x7FFFFFFF, v5;
	v13 =	vld [tilespmem:s17+$0xFFFFFF10];
	v7 =	vsub.f32 v7, v15  }
0x9e: {  	v3 =	vand.u32 $0x7FFFFFFF, v3;
	v6 =	vand.u32 $0x7FFFFFFF, v6;
	v14 =	vld [tilespmem:s6+$0xFFFFFF10];
	v4 =	vand.u32 $0x7FFFFFFF, v4  }
0x9f: {  	v5 =	vadd.f32 v6, v5;
	v15 =	vld [tilespmem:s17+$0xFFFFFF20];
	v3 =	vadd.f32 v4, v3;
	(erf) = vpow2.f32 v12  }
0xa0: {  	v6 =	vand.u32 $0x7FFFFFFF, v10;
	v7 =	vand.u32 $0x7FFFFFFF, v7;
	v4 =	vld [tilespmem:s6+$0xFFFFFF20];
	v10 =	vsub.f32 v16, v11;
	v11, _, _ =	vpop (xrf2)  }
0xa1: {  	v5 =	vadd.f32 v6, v5;
	v12 =	vld [tilespmem:s17+$0xFFFFFF30];
	v3 =	vadd.f32 v7, v3  }
0xa2: {  	v9 =	vand.u32 $0x7FFFFFFF, v9;
	v6 =	vsub.f32 v18, v17;
	v7 =	vld [tilespmem:s6+$0xFFFFFF30];
	v10 =	vand.u32 $0x7FFFFFFF, v10  }
0xa3: {  	v5 =	vadd.f32 v9, v5;
	v16 =	vld [tilespmem:s17+$0xFFFFFF80];
	v3 =	vadd.f32 v10, v3  }
0xa4: {  	v8 =	vsub.f32 $0.0e+00, v8;
	v6 =	vand.u32 $0x7FFFFFFF, v6;
	v9 =	vsub.f32 v13, v14;
	v10 =	vld [tilespmem:s6+$0xFFFFFF80]  }
0xa5: {  	v4 =	vsub.f32 v15, v4;
	v13 =	vld [tilespmem:s17+$0xFFFFFF90];
	v3 =	vadd.f32 v3, v5  }
0xa6: {  	v8 =	vmul.f32 $1.442695020e+00, v8;
	v14 =	vsub.f32 $0.0e+00, v11;
	v5 =	vand.u32 $0x7FFFFFFF, v9;
	v9 =	vld [tilespmem:s6+$0xFFFFFF90]  }
0xa7: {  	v4 =	vand.u32 $0x7FFFFFFF, v4;
	v7 =	vsub.f32 v12, v7;
	v12 =	vld [tilespmem:s17+$0xFFFFFFA0];
	(xrf2) =	vadd.scan.msk.f32 $0xffff, v3  }
0xa8: {  	v3 =	vadd.f32 v4, v6;
	v4 =	vld [tilespmem:s6+$0xFFFFFFA0];
	v6 =	vmul.f32 $1.442695020e+00, v14;
	v11 =	vpop (erf)  }
0xa9: {  	v7 =	vand.u32 $0x7FFFFFFF, v7;
	v10 =	vsub.f32 v16, v10;
	v14 =	vld [tilespmem:s17+$0xFFFFFFB0];
	[tilespmem:v2+s2+$0x0] =	vst.idx.msk vm0, v11;
	(erf) = vpow2.f32 v8  }
0xaa: {  	v2 =	vadd.f32 v7, v5;
	v5 =	vld [tilespmem:s6+$0xFFFFFFB0];
	(erf) = vpow2.f32 v6  }
0xab: {  	v6 =	vand.u32 $0x7FFFFFFF, v10;
	v7 =	vsub.f32 v13, v9;
	v8 =	vld [tilespmem:s17+$0x0]  }
0xac: {  	v9 =	vld [tilespmem:s6+$0x0]  }
0xad: {  	v7 =	vand.u32 $0x7FFFFFFF, v7;
	v4 =	vsub.f32 v12, v4;
	v10 =	vld [tilespmem:s17+$0x10]  }
0xae: {  	v11 =	vld [tilespmem:s6+$0x10]  }
0xaf: {  	v4 =	vand.u32 $0x7FFFFFFF, v4;
	v5 =	vsub.f32 v14, v5;
	v12 =	vld [tilespmem:s17+$0x20]  }
0xb0: {  	v4 =	vadd.f32 v4, v6;
	v6 =	vld [tilespmem:s6+$0x20]  }
0xb1: {  	v5 =	vand.u32 $0x7FFFFFFF, v5;
	v8 =	vsub.f32 v8, v9;
	v9 =	vld [tilespmem:s17+$0x30];
	v13, _, _ =	vpop (xrf2)  }
0xb2: {  	v5 =	vadd.f32 v5, v7;
	v7 =	vld [tilespmem:s6+$0x30];
	v13 =	vsub.f32 $0.0e+00, v13;
	v14 =	vpop (erf)  }
0xb3: {  	v15 =	vld [tilespmem:s17+$0xFFFFFF40];
	v8 =	vand.u32 $0x7FFFFFFF, v8;
	v10 =	vsub.f32 v10, v11;
	[tilespmem:v0+s2+$0x0] =	vst.idx.msk vm0, v14;
	v0 =	vpop (erf)  }
0xb4: {  	v11 =	vld [tilespmem:s6+$0xFFFFFF40];
	v13 =	vmul.f32 $1.442695020e+00, v13;
	[tilespmem:v1+s2+$0x0] =	vst.idx.msk vm0, v0  }
0xb5: {  	v0 =	vld [tilespmem:s17+$0xFFFFFF50];
	v1 =	vand.u32 $0x7FFFFFFF, v10;
	v6 =	vsub.f32 v12, v6  }
0xb6: {  	v10 =	vld [tilespmem:s6+$0xFFFFFF50];
	(erf) = vpow2.f32 v13  }
0xb7: {  	v12 =	vld [tilespmem:s17+$0xFFFFFFC0];
	v6 =	vand.u32 $0x7FFFFFFF, v6;
	v7 =	vsub.f32 v9, v7  }
0xb8: {  	v9 =	vld [tilespmem:s6+$0xFFFFFFC0];
	v6 =	vadd.f32 v6, v8  }
0xb9: {  	s18 =	sadd.s32 s18, s28;
	v8 =	vsub.f32 v15, v11;
	v11 =	vld [tilespmem:s17+$0xFFFFFFD0];
	v7 =	vand.u32 $0x7FFFFFFF, v7  }
0xba: {  	s19 =	sadd.s32 $0x4, s18;
	s20 =	sadd.s32 $0x5, s18;
	s21 =	sadd.s32 $0x7, s18;
	v13 =	vld [tilespmem:s6+$0xFFFFFFD0];
	v14 =	vadd.f32 v7, v1  }
0xbb: {  	s18 =	sadd.s32 $0x6, s18;
	v1 =	vand.u32 $0x7FFFFFFF, v8;
	v0 =	vsub.f32 v0, v10;
	v7 =	vld [tilespmem:s17+$0x40];
	v8 =	vmov s21  }
0xbc: {  	v10 =	vadd.f32 v1, v3;
	v1 =	vmov s19;
	v3 =	vmov s20;
	v15 =	vld [tilespmem:s6+$0x40]  }
0xbd: {  	v16 =	vmov s18;
	v0 =	vand.u32 $0x7FFFFFFF, v0;
	v9 =	vsub.f32 v12, v9;
	v12 =	vld [tilespmem:s17+$0x50]  }
0xbe: {  	v17 =	vadd.f32 v0, v2;
	v0 =	vand.u32 $0xFFFFFFFC, v1;
	v1 =	vand.u32 $0xFFFFFFFD, v3;
	v18 =	vld [tilespmem:s6+$0x50]  }
0xbf: {  	v19 =	vld [tilespmem:s17+$0xFFFFFF60];
	v3 =	vand.u32 $0x7FFFFFFF, v9;
	v9 =	vsub.f32 v11, v13;
	v11 =	vand.u32 $0xFFFFFFFE, v16;
	v13 =	vpop (erf)  }
0xc0: {  	v2 =	vbroadcast v0, $0x0;
	v0 =	vbroadcast v1, $0x0;
	v16 =	vld [tilespmem:s6+$0xFFFFFF60];
	v3 =	vadd.f32 v3, v4;
	[tilespmem:v8+s2+$0x0] =	vst.idx.msk vm0, v13  }
0xc1: {  	v1 =	vbroadcast v11, $0x0;
	v8 =	vld [tilespmem:s17+$0xFFFFFF70];
	v4 =	vand.u32 $0x7FFFFFFF, v9;
	v7 =	vsub.f32 v7, v15  }
0xc2: {  	v11 =	vld [tilespmem:s6+$0xFFFFFF70];
	v4 =	vadd.f32 v4, v5  }
0xc3: {  	v13 =	vld [tilespmem:s17+$0xFFFFFFE0];
	v5 =	vand.u32 $0x7FFFFFFF, v7;
	v9 =	vsub.f32 v12, v18  }
0xc4: {  	v15 =	vld [tilespmem:s6+$0xFFFFFFE0];
	v5 =	vadd.f32 v5, v6  }
0xc5: {  	v12 =	vsub.f32 v19, v16;
	v7 =	vld [tilespmem:s17+$0xFFFFFFF0];
	v6 =	vand.u32 $0x7FFFFFFF, v9  }
.Ltmp0:
0xc6: {  	v9 =	vld [tilespmem:s6+$0xFFFFFFF0];
	v6 =	vadd.f32 v6, v14;
	(pc) =	sbr.rel @p1 .LBB2_3-.Ltmp0, $4  }
0xc7: {  	v12 =	vand.u32 $0x7FFFFFFF, v12;
	v11 =	vsub.f32 v8, v11;
	v8 =	vld [tilespmem:s17+$0x60]  }
0xc8: {  	v12 =	vadd.f32 v12, v10;
	v10 =	vld [tilespmem:s6+$0x60]  }
0xc9: {  	v14 =	vand.u32 $0x7FFFFFFF, v11;
	v15 =	vsub.f32 v13, v15;
	v11 =	vld [tilespmem:s17+$0x70]  }
0xca: {  	s17 =	sadd.s32 $0x200, s17;
	v14 =	vadd.f32 v14, v17;
	v13 =	vld [tilespmem:s6+$0x70]  }
0xcb: {  	_ =	sdelay $0x1  }
0xcc: {  	v7 =	vsub.f32 v7, v9  }
0xcd: {  	v9 =	vand.u32 $0x7FFFFFFF, v15  }
0xce: {  	v8 =	vsub.f32 v8, v10;
	v7 =	vand.u32 $0x7FFFFFFF, v7;
	v10 =	vsub.f32 v11, v13  }
0xcf: {  	v3 =	vadd.f32 v9, v3;
	v4 =	vadd.f32 v7, v4  }
0xd0: {  	v11 =	vadd.f32 v14, v12;
	v7 =	vand.u32 $0x7FFFFFFF, v8;
	v8 =	vand.u32 $0x7FFFFFFF, v10  }
0xd1: {  	v5 =	vadd.f32 v7, v5;
	v6 =	vadd.f32 v8, v6  }
0xd2: {  	v3 =	vadd.f32 v4, v3  }
0xd3: {  	(xrf2) =	vadd.scan.msk.f32 $0xffff, v11;
	v4 =	vadd.f32 v6, v5  }
0xd4: {  	(xrf2) =	vadd.scan.msk.f32 $0xffff, v3  }
0xd5: {  	(xrf2) =	vadd.scan.msk.f32 $0xffff, v4;
	_ =	sdelay $0x7  }
0xd6: {  	v3, _, _ =	vpop (xrf2)  }
0xd7: {  	v3 =	vsub.f32 $0.0e+00, v3;
	v4, _, _ =	vpop (xrf2)  }
0xd8: {  	v4 =	vsub.f32 $0.0e+00, v4;
	v5, _, _ =	vpop (xrf2)  }
0xd9: {  	v3 =	vmul.f32 $1.442695020e+00, v3;
	v5 =	vsub.f32 $0.0e+00, v5  }
0xda: {  	v4 =	vmul.f32 $1.442695020e+00, v4  }
0xdb: {  	(erf) = vpow2.f32 v3;
	v3 =	vmul.f32 $1.442695020e+00, v5  }
0xdc: {  	(erf) = vpow2.f32 v4  }
0xdd: {  	(erf) = vpow2.f32 v3;
	_ =	sdelay $0x6  }
0xde: {  	v3 =	vpop (erf)  }
0xdf: {  	s6 =	sor.u32 s5, s28;
	[tilespmem:v2+s2+$0x0] =	vst.idx.msk vm0, v3;
	v2 =	vpop (erf)  }
0xe0: {  	s6 =	sshrl.u32 s6, $0x3;
	[tilespmem:v0+s2+$0x0] =	vst.idx.msk vm0, v2;
	v0 =	vpop (erf)  }
0xe1: {  	s16 =	sadd.s32 $0x10200, s28;
	s6 =	sadd.s32 s3, s6;
	[tilespmem:v1+s2+$0x0] =	vst.idx.msk vm0, v0  }
0xe2: {  	[hbm4b:s6+s4] =	stream.linear.scatter [tilespmem:s16], [sflag:$0x12], $0x20, $0x38;
	[tilespmem:$0x10400] =	vst v63  }
0xe3: {  	s6 =	simm.s32 @p0 $0x0;
	s16 =	simm.s32 @p0 $0x200;
	s17 =	rddreg [dreg:$0xe]  }
0xe4: {  	[tilespmem:s16], [sflag:$0x9] =	stream.linear.gather @p0 [hbm4b:s17+s6], $0x1000, $0x38;
	[tilespmem:$0x10400] =	vst v63  }
0xe5: {  	s6 =	simm.s32 @p0 $0x20;
	s16 =	simm.s32 @p0 $0x100;
	s17 =	simm.s32 @p0 $0x8200  }
0xe6: {  	[tilespmem:s17], [sflag:$0x1] =	stream.indirect.gather @p0 [hbm4b:s1+s6], $0x80, s16, s6, $0xb8;
	[tilespmem:$0x10400] =	vst v63  }
0xe7: {  	_ =	swait.ge [sflag:s25], $0x1000  }
0xe8: {  	[sflag:s25] =	ssyncset.done $0x0  }
0xe9: {  	[sflag:s25] =	ssyncadd.s32 $0xFFFFF000  }
0xea: {  	_ =	swait.ge [sflag:s8], $0x1000  }
0xeb: {  	[sflag:s8] =	ssyncset.done $0x0  }
0xec: {  	s20 =	simm.s32 $0x1300;
	[sflag:s8] =	ssyncadd.s32 $0xFFFFF000  }
0xed: {  	s6 =	simm.s32 $0x9300;
	v0 =	vld [tilespmem:s20+$0xE0]  }
0xee: {  	v1 =	vld [tilespmem:s6+$0xE0]  }
0xef: {  	v2 =	vld [tilespmem:s20+$0xC0]  }
0xf0: {  	v3 =	vld [tilespmem:s6+$0xC0]  }
0xf1: {  	v4 =	vld [tilespmem:s20+$0xD0]  }
0xf2: {  	v5 =	vld [tilespmem:s20+$0x80]  }
0xf3: {  	v6 =	vld [tilespmem:s6+$0x80]  }
0xf4: {  	v7 =	vld [tilespmem:s20+$0x90]  }
0xf5: {  	v8 =	vld [tilespmem:s6+$0x90]  }
0xf6: {  	v9 =	vld [tilespmem:s20+$0xA0]  }
0xf7: {  	v10 =	vld [tilespmem:s6+$0xA0]  }
0xf8: {  	v11 =	vld [tilespmem:s20+$0xB0]  }
0xf9: {  	v12 =	vld [tilespmem:s6+$0xB0]  }
0xfa: {  	v13 =	vld [tilespmem:s6+$0xD0]  }
0xfb: {  	v14 =	vld [tilespmem:s20+$0xFFFFFF00]  }
0xfc: {  	v15 =	vld [tilespmem:s20+$0xF0]  }
0xfd: {  	v16 =	vld [tilespmem:s6+$0xF0]  }
0xfe: {  	v17 =	vld [tilespmem:s6+$0xFFFFFF00]  }
0xff: {  	v18 =	vld [tilespmem:s20+$0xFFFFFF10]  }
0x100: {  	v19 =	vld [tilespmem:s6+$0xFFFFFF10]  }
0x101: {  	v20 =	vld [tilespmem:s20+$0xFFFFFF20]  }
0x102: {  	v21 =	vld [tilespmem:s6+$0xFFFFFF20]  }
0x103: {  	v22 =	vld [tilespmem:s20+$0xFFFFFF30]  }
0x104: {  	v23 =	vld [tilespmem:s6+$0xFFFFFF30]  }
0x105: {  	v56 =	vld [tilespmem:s20+$0xFFFFFF40]  }
0x106: {  	v59 =	vld [tilespmem:s6+$0xFFFFFF40]  }
0x107: {  	v60 =	vld [tilespmem:s20+$0xFFFFFFC0]  }
0x108: {  	v62 =	vld [tilespmem:s6+$0xFFFFFF70];
	v0 =	vsub.f32 v0, v1  }
0x109: {  	v1 =	vld [tilespmem:s20+$0xFFFFFF80];
	v5 =	vsub.f32 v5, v6;
	v6 =	vsub.f32 v7, v8  }
0x10a: {  	v7 =	vld [tilespmem:s6+$0xFFFFFF80];
	v8 =	vsub.f32 v9, v10;
	v9 =	vsub.f32 v11, v12  }
0x10b: {  	v10 =	vld [tilespmem:s20+$0xFFFFFF90];
	v2 =	vsub.f32 v2, v3;
	v3 =	vsub.f32 v4, v13;
	v5 =	vand.u32 $0x7FFFFFFF, v5  }
0x10c: {  	v4 =	vld [tilespmem:s6+$0xFFFFFF90];
	v6 =	vand.u32 $0x7FFFFFFF, v6;
	v8 =	vand.u32 $0x7FFFFFFF, v8;
	v9 =	vand.u32 $0x7FFFFFFF, v9  }
0x10d: {  	v11 =	vld [tilespmem:s20+$0xFFFFFFA0];
	v5 =	vadd.f32 v8, v5;
	v6 =	vadd.f32 v9, v6  }
0x10e: {  	v12 =	vld [tilespmem:s20+$0xFFFFFFB0];
	v2 =	vand.u32 $0x7FFFFFFF, v2;
	v3 =	vand.u32 $0x7FFFFFFF, v3;
	v9 =	vsub.f32 v15, v16  }
0x10f: {  	v13 =	vld [tilespmem:s20+$0x20];
	v2 =	vadd.f32 v2, v5;
	v3 =	vadd.f32 v3, v6  }
0x110: {  	v0 =	vand.u32 $0x7FFFFFFF, v0;
	v8 =	vld [tilespmem:s6+$0xFFFFFFA0];
	v6 =	vand.u32 $0x7FFFFFFF, v9  }
0x111: {  	v15 =	vld [tilespmem:s20+$0x30];
	v0 =	vadd.f32 v0, v2;
	v2 =	vadd.f32 v6, v3  }
0x112: {  	v16 =	vld [tilespmem:s6+$0x30]  }
0x113: {  	v5 =	vld [tilespmem:s6+$0xFFFFFFB0];
	v0 =	vadd.f32 v2, v0  }
0x114: {  	v9 =	vld [tilespmem:s20+$0x0]  }
0x115: {  	v1 =	vsub.f32 v1, v7;
	v7 =	vld [tilespmem:s20+$0xFFFFFF50];
	(xrf2) =	vadd.scan.msk.f32 $0xffff, v0  }
0x116: {  	v3 =	vld [tilespmem:s6+$0x0]  }
0x117: {  	v14 =	vsub.f32 v14, v17;
	v6 =	vld [tilespmem:s20+$0x10]  }
0x118: {  	v17 =	vsub.f32 v18, v19;
	v8 =	vsub.f32 v11, v8;
	v2 =	vld [tilespmem:s6+$0x10]  }
0x119: {  	s21 =	sadd.s32 $0xFFFFFFFC, s28;
	v57 =	vsub.f32 v20, v21;
	v58 =	vsub.f32 v22, v23;
	v0 =	vld [tilespmem:s6+$0x20]  }
0x11a: {  	s18 =	sadd.s32 $0x27, s21;
	v1 =	vand.u32 $0x7FFFFFFF, v1;
	v8 =	vand.u32 $0x7FFFFFFF, v8;
	v5 =	vsub.f32 v12, v5;
	v12 =	vld [tilespmem:s6+$0xFFFFFFD0]  }
0x11b: {  	v61 =	vmov s18;
	v4 =	vsub.f32 v10, v4;
	v1 =	vadd.f32 v8, v1;
	v8 =	vld [tilespmem:s20+$0xFFFFFFD0]  }
0x11c: {  	v14 =	vand.u32 $0x7FFFFFFF, v14;
	v17 =	vand.u32 $0x7FFFFFFF, v17;
	v19 =	vand.u32 $0x7FFFFFFF, v57;
	v10 =	vld [tilespmem:s6+$0xFFFFFFC0]  }
0x11d: {  	v14 =	vadd.f32 v19, v14;
	v4 =	vand.u32 $0x7FFFFFFF, v4;
	v11 =	vld [tilespmem:s6+$0xFFFFFF50];
	v3 =	vsub.f32 v9, v3  }
0x11e: {  	v5 =	vand.u32 $0x7FFFFFFF, v5;
	v2 =	vsub.f32 v6, v2;
	v6 =	vld [tilespmem:s20+$0x40];
	v0 =	vsub.f32 v13, v0  }
0x11f: {  	v4 =	vadd.f32 v5, v4;
	v3 =	vand.u32 $0x7FFFFFFF, v3;
	v13 =	vsub.f32 v15, v16;
	v15 =	vld [tilespmem:s6+$0x40];
	v9, _, _ =	vpop (xrf2)  }
0x120: {  	v8 =	vsub.f32 v8, v12;
	v12 =	vld [tilespmem:s20+$0xFFFFFF70];
	v0 =	vand.u32 $0x7FFFFFFF, v0;
	v9 =	vsub.f32 $0.0e+00, v9  }
0x121: {  	v63 =	vld [tilespmem:s20+$0xFFFFFFE0];
	v2 =	vand.u32 $0x7FFFFFFF, v2;
	v13 =	vand.u32 $0x7FFFFFFF, v13;
	v0 =	vadd.f32 v0, v3  }
0x122: {  	v16 =	vld [tilespmem:s6+$0x50];
	v3 =	vsub.f32 v56, v59;
	v13 =	vadd.f32 v13, v2;
	v5 =	vmul.f32 $1.442695020e+00, v9  }
0x123: {  	v20 =	vand.u32 $0x7FFFFFFF, v58;
	v2 =	vsub.f32 v7, v11;
	v7 =	vsub.f32 v60, v10;
	v10 =	vld [tilespmem:s6+$0xFFFFFF60]  }
0x124: {  	v17 =	vadd.f32 v20, v17;
	v3 =	vand.u32 $0x7FFFFFFF, v3;
	v9 =	vld [tilespmem:s20+$0x50];
	(erf) = vpow2.f32 v5  }
0x125: {  	v2 =	vand.u32 $0x7FFFFFFF, v2;
	v6 =	vsub.f32 v6, v15;
	v19 =	vsub.f32 v12, v62;
	v5 =	vld [tilespmem:s20+$0xFFFFFF60]  }
0x126: {  	s22 =	sadd.s32 $0x24, s21;
	v15 =	vld [tilespmem:s6+$0xFFFFFFE0];
	v11 =	vadd.f32 v3, v14;
	v17 =	vadd.f32 v2, v17;
	v2 =	vand.u32 $0x7FFFFFFF, v7  }
0x127: {  	s19 =	sadd.s32 $0x25, s21;
	s17 =	sadd.s32 $0x26, s21;
	v14 =	vmov s22;
	v3 =	vadd.f32 v2, v1;
	v1 =	vand.u32 $0x7FFFFFFF, v8  }
0x128: {  	v7 =	vmov s19;
	v2 =	vmov s17;
	v4 =	vadd.f32 v1, v4  }
0x129: {  	v1 =	vand.u32 $0xFFFFFFFC, v14;
	v14 =	vand.u32 $0xFFFFFFFD, v7;
	v7 =	vld [tilespmem:s20+$0xFFFFFFF0];
	v8 =	vsub.f32 v9, v16  }
0x12a: {  	v16 =	vand.u32 $0xFFFFFFFE, v2;
	v2 =	vbroadcast v1, $0x0;
	v9 =	vld [tilespmem:s6+$0xFFFFFFF0];
	v1 =	vsub.f32 v5, v10  }
0x12b: {  	v15 =	vsub.f32 v63, v15;
	v5 =	vand.u32 $0x7FFFFFFF, v6;
	v6 =	vand.u32 $0x7FFFFFFF, v8;
	v8 =	vld [tilespmem:s20+$0x60]  }
0x12c: {  	v10 =	vld [tilespmem:s6+$0x60];
	v5 =	vadd.f32 v5, v0;
	v6 =	vadd.f32 v6, v13;
	v1 =	vand.u32 $0x7FFFFFFF, v1  }
0x12d: {  	v0 =	vbroadcast v14, $0x0;
	v14 =	vand.u32 $0x7FFFFFFF, v19;
	v12 =	vadd.f32 v1, v11;
	v11 =	vld [tilespmem:s20+$0x70];
	v13 =	vpop (erf)  }
0x12e: {  	s18 =	simm.s32 $0x1500;
	s16 =	sor.u32 $0x20, s28;
	s17 =	simm.s32 $0x0;
	v14 =	vadd.f32 v14, v17;
	v1 =	vbroadcast v16, $0x0;
	[tilespmem:v61+s2+$0x0] =	vst.idx.msk vm0, v13;
	v13 =	vld [tilespmem:s6+$0x70]  }
.LBB2_5:
0x12f: {  	v16 =	vld [tilespmem:s18+$0xE0];
	v15 =	vand.u32 $0x7FFFFFFF, v15;
	v7 =	vsub.f32 v7, v9;
	s6 =	sadd.s32 $0x200, s6;
	s19 =	smov.u32 s17  }
0x130: {  	v9 =	vld [tilespmem:s6+$0xE0];
	v12 =	vadd.f32 v14, v12;
	v3 =	vadd.f32 v15, v3  }
0x131: {  	v14 =	vld [tilespmem:s18+$0xC0];
	v7 =	vand.u32 $0x7FFFFFFF, v7;
	v8 =	vsub.f32 v8, v10  }
0x132: {  	v10 =	vld [tilespmem:s6+$0xC0];
	v4 =	vadd.f32 v7, v4;
	(xrf2) =	vadd.scan.msk.f32 $0xffff, v12  }
0x133: {  	v7 =	vld [tilespmem:s18+$0xD0];
	v8 =	vand.u32 $0x7FFFFFFF, v8;
	v11 =	vsub.f32 v11, v13  }
0x134: {  	v12 =	vld [tilespmem:s18+$0x80];
	v3 =	vadd.f32 v4, v3;
	v4 =	vadd.f32 v8, v5  }
0x135: {  	v5 =	vld [tilespmem:s6+$0x80];
	v8 =	vand.u32 $0x7FFFFFFF, v11  }
0x136: {  	v11 =	vld [tilespmem:s18+$0x90];
	v6 =	vadd.f32 v8, v6;
	(xrf2) =	vadd.scan.msk.f32 $0xffff, v3  }
0x137: {  	v3 =	vld [tilespmem:s6+$0x90]  }
0x138: {  	v8 =	vld [tilespmem:s18+$0xA0];
	v4 =	vadd.f32 v6, v4  }
0x139: {  	v6 =	vld [tilespmem:s6+$0xA0]  }
0x13a: {  	v13 =	vld [tilespmem:s18+$0xB0];
	(xrf2) =	vadd.scan.msk.f32 $0xffff, v4  }
0x13b: {  	s17 =	sadd.s32 $0x4, s17;
	v4 =	vld [tilespmem:s6+$0xB0]  }
0x13c: {  	p1 =	slt.u32 s17, $0x1C;
	v15 =	vld [tilespmem:s6+$0xD0];
	v17, _, _ =	vpop (xrf2)  }
0x13d: {  	v18 =	vld [tilespmem:s18+$0xFFFFFF00];
	v17 =	vsub.f32 $0.0e+00, v17  }
0x13e: {  	v9 =	vsub.f32 v16, v9;
	v16 =	vld [tilespmem:s18+$0xF0]  }
0x13f: {  	v5 =	vsub.f32 v12, v5;
	v3 =	vsub.f32 v11, v3;
	v11 =	vld [tilespmem:s6+$0xF0];
	v12 =	vmul.f32 $1.442695020e+00, v17  }
0x140: {  	v6 =	vsub.f32 v8, v6;
	v17 =	vld [tilespmem:s6+$0xFFFFFF00];
	v4 =	vsub.f32 v13, v4;
	v8, _, _ =	vpop (xrf2)  }
0x141: {  	v10 =	vsub.f32 v14, v10;
	v5 =	vand.u32 $0x7FFFFFFF, v5;
	v13 =	vld [tilespmem:s18+$0xFFFFFF10];
	v7 =	vsub.f32 v7, v15  }
0x142: {  	v3 =	vand.u32 $0x7FFFFFFF, v3;
	v6 =	vand.u32 $0x7FFFFFFF, v6;
	v14 =	vld [tilespmem:s6+$0xFFFFFF10];
	v4 =	vand.u32 $0x7FFFFFFF, v4  }
0x143: {  	v5 =	vadd.f32 v6, v5;
	v15 =	vld [tilespmem:s18+$0xFFFFFF20];
	v3 =	vadd.f32 v4, v3;
	(erf) = vpow2.f32 v12  }
0x144: {  	v6 =	vand.u32 $0x7FFFFFFF, v10;
	v7 =	vand.u32 $0x7FFFFFFF, v7;
	v4 =	vld [tilespmem:s6+$0xFFFFFF20];
	v10 =	vsub.f32 v16, v11;
	v11, _, _ =	vpop (xrf2)  }
0x145: {  	v5 =	vadd.f32 v6, v5;
	v12 =	vld [tilespmem:s18+$0xFFFFFF30];
	v3 =	vadd.f32 v7, v3  }
0x146: {  	v9 =	vand.u32 $0x7FFFFFFF, v9;
	v6 =	vsub.f32 v18, v17;
	v7 =	vld [tilespmem:s6+$0xFFFFFF30];
	v10 =	vand.u32 $0x7FFFFFFF, v10  }
0x147: {  	v5 =	vadd.f32 v9, v5;
	v16 =	vld [tilespmem:s18+$0xFFFFFF80];
	v3 =	vadd.f32 v10, v3  }
0x148: {  	v8 =	vsub.f32 $0.0e+00, v8;
	v6 =	vand.u32 $0x7FFFFFFF, v6;
	v9 =	vsub.f32 v13, v14;
	v10 =	vld [tilespmem:s6+$0xFFFFFF80]  }
0x149: {  	v4 =	vsub.f32 v15, v4;
	v13 =	vld [tilespmem:s18+$0xFFFFFF90];
	v3 =	vadd.f32 v3, v5  }
0x14a: {  	v8 =	vmul.f32 $1.442695020e+00, v8;
	v14 =	vsub.f32 $0.0e+00, v11;
	v5 =	vand.u32 $0x7FFFFFFF, v9;
	v9 =	vld [tilespmem:s6+$0xFFFFFF90]  }
0x14b: {  	v4 =	vand.u32 $0x7FFFFFFF, v4;
	v7 =	vsub.f32 v12, v7;
	v12 =	vld [tilespmem:s18+$0xFFFFFFA0];
	(xrf2) =	vadd.scan.msk.f32 $0xffff, v3  }
0x14c: {  	v3 =	vadd.f32 v4, v6;
	v4 =	vld [tilespmem:s6+$0xFFFFFFA0];
	v6 =	vmul.f32 $1.442695020e+00, v14;
	v11 =	vpop (erf)  }
0x14d: {  	v7 =	vand.u32 $0x7FFFFFFF, v7;
	v10 =	vsub.f32 v16, v10;
	v14 =	vld [tilespmem:s18+$0xFFFFFFB0];
	[tilespmem:v2+s2+$0x0] =	vst.idx.msk vm0, v11;
	(erf) = vpow2.f32 v8  }
0x14e: {  	v2 =	vadd.f32 v7, v5;
	v5 =	vld [tilespmem:s6+$0xFFFFFFB0];
	(erf) = vpow2.f32 v6  }
0x14f: {  	v6 =	vand.u32 $0x7FFFFFFF, v10;
	v7 =	vsub.f32 v13, v9;
	v8 =	vld [tilespmem:s18+$0x0]  }
0x150: {  	v9 =	vld [tilespmem:s6+$0x0]  }
0x151: {  	v7 =	vand.u32 $0x7FFFFFFF, v7;
	v4 =	vsub.f32 v12, v4;
	v10 =	vld [tilespmem:s18+$0x10]  }
0x152: {  	v11 =	vld [tilespmem:s6+$0x10]  }
0x153: {  	v4 =	vand.u32 $0x7FFFFFFF, v4;
	v5 =	vsub.f32 v14, v5;
	v12 =	vld [tilespmem:s18+$0x20]  }
0x154: {  	v4 =	vadd.f32 v4, v6;
	v6 =	vld [tilespmem:s6+$0x20]  }
0x155: {  	v5 =	vand.u32 $0x7FFFFFFF, v5;
	v8 =	vsub.f32 v8, v9;
	v9 =	vld [tilespmem:s18+$0x30];
	v13, _, _ =	vpop (xrf2)  }
0x156: {  	v5 =	vadd.f32 v5, v7;
	v7 =	vld [tilespmem:s6+$0x30];
	v13 =	vsub.f32 $0.0e+00, v13;
	v14 =	vpop (erf)  }
0x157: {  	v15 =	vld [tilespmem:s18+$0xFFFFFF40];
	v8 =	vand.u32 $0x7FFFFFFF, v8;
	v10 =	vsub.f32 v10, v11;
	[tilespmem:v0+s2+$0x0] =	vst.idx.msk vm0, v14;
	v0 =	vpop (erf)  }
0x158: {  	v11 =	vld [tilespmem:s6+$0xFFFFFF40];
	v13 =	vmul.f32 $1.442695020e+00, v13;
	[tilespmem:v1+s2+$0x0] =	vst.idx.msk vm0, v0  }
0x159: {  	v0 =	vld [tilespmem:s18+$0xFFFFFF50];
	v1 =	vand.u32 $0x7FFFFFFF, v10;
	v6 =	vsub.f32 v12, v6  }
0x15a: {  	v10 =	vld [tilespmem:s6+$0xFFFFFF50];
	(erf) = vpow2.f32 v13  }
0x15b: {  	v12 =	vld [tilespmem:s18+$0xFFFFFFC0];
	v6 =	vand.u32 $0x7FFFFFFF, v6;
	v7 =	vsub.f32 v9, v7  }
0x15c: {  	v9 =	vld [tilespmem:s6+$0xFFFFFFC0];
	v6 =	vadd.f32 v6, v8  }
0x15d: {  	s19 =	sadd.s32 s19, s28;
	v8 =	vsub.f32 v15, v11;
	v11 =	vld [tilespmem:s18+$0xFFFFFFD0];
	v7 =	vand.u32 $0x7FFFFFFF, v7  }
0x15e: {  	s20 =	sadd.s32 $0x24, s19;
	s21 =	sadd.s32 $0x25, s19;
	s22 =	sadd.s32 $0x27, s19;
	v13 =	vld [tilespmem:s6+$0xFFFFFFD0];
	v14 =	vadd.f32 v7, v1  }
0x15f: {  	s19 =	sadd.s32 $0x26, s19;
	v1 =	vand.u32 $0x7FFFFFFF, v8;
	v0 =	vsub.f32 v0, v10;
	v7 =	vld [tilespmem:s18+$0x40];
	v8 =	vmov s22  }
0x160: {  	v10 =	vadd.f32 v1, v3;
	v1 =	vmov s20;
	v3 =	vmov s21;
	v15 =	vld [tilespmem:s6+$0x40]  }
0x161: {  	v16 =	vmov s19;
	v0 =	vand.u32 $0x7FFFFFFF, v0;
	v9 =	vsub.f32 v12, v9;
	v12 =	vld [tilespmem:s18+$0x50]  }
0x162: {  	v17 =	vadd.f32 v0, v2;
	v0 =	vand.u32 $0xFFFFFFFC, v1;
	v1 =	vand.u32 $0xFFFFFFFD, v3;
	v18 =	vld [tilespmem:s6+$0x50]  }
0x163: {  	v19 =	vld [tilespmem:s18+$0xFFFFFF60];
	v3 =	vand.u32 $0x7FFFFFFF, v9;
	v9 =	vsub.f32 v11, v13;
	v11 =	vand.u32 $0xFFFFFFFE, v16;
	v13 =	vpop (erf)  }
0x164: {  	v2 =	vbroadcast v0, $0x0;
	v0 =	vbroadcast v1, $0x0;
	v16 =	vld [tilespmem:s6+$0xFFFFFF60];
	v3 =	vadd.f32 v3, v4;
	[tilespmem:v8+s2+$0x0] =	vst.idx.msk vm0, v13  }
0x165: {  	v1 =	vbroadcast v11, $0x0;
	v8 =	vld [tilespmem:s18+$0xFFFFFF70];
	v4 =	vand.u32 $0x7FFFFFFF, v9;
	v7 =	vsub.f32 v7, v15  }
0x166: {  	v11 =	vld [tilespmem:s6+$0xFFFFFF70];
	v4 =	vadd.f32 v4, v5  }
0x167: {  	v13 =	vld [tilespmem:s18+$0xFFFFFFE0];
	v5 =	vand.u32 $0x7FFFFFFF, v7;
	v9 =	vsub.f32 v12, v18  }
0x168: {  	v15 =	vld [tilespmem:s6+$0xFFFFFFE0];
	v5 =	vadd.f32 v5, v6  }
0x169: {  	v12 =	vsub.f32 v19, v16;
	v7 =	vld [tilespmem:s18+$0xFFFFFFF0];
	v6 =	vand.u32 $0x7FFFFFFF, v9  }
.Ltmp1:
0x16a: {  	v9 =	vld [tilespmem:s6+$0xFFFFFFF0];
	v6 =	vadd.f32 v6, v14;
	(pc) =	sbr.rel @p1 .LBB2_5-.Ltmp1, $4  }
0x16b: {  	v12 =	vand.u32 $0x7FFFFFFF, v12;
	v11 =	vsub.f32 v8, v11;
	v8 =	vld [tilespmem:s18+$0x60]  }
0x16c: {  	v12 =	vadd.f32 v12, v10;
	v10 =	vld [tilespmem:s6+$0x60]  }
0x16d: {  	v14 =	vand.u32 $0x7FFFFFFF, v11;
	v15 =	vsub.f32 v13, v15;
	v11 =	vld [tilespmem:s18+$0x70]  }
0x16e: {  	s18 =	sadd.s32 $0x200, s18;
	v14 =	vadd.f32 v14, v17;
	v13 =	vld [tilespmem:s6+$0x70]  }
0x16f: {  	_ =	sdelay $0x1  }
0x170: {  	v7 =	vsub.f32 v7, v9  }
0x171: {  	v9 =	vand.u32 $0x7FFFFFFF, v15  }
0x172: {  	v8 =	vsub.f32 v8, v10;
	v7 =	vand.u32 $0x7FFFFFFF, v7;
	v10 =	vsub.f32 v11, v13  }
0x173: {  	v3 =	vadd.f32 v9, v3;
	v4 =	vadd.f32 v7, v4  }
0x174: {  	v11 =	vadd.f32 v14, v12;
	v7 =	vand.u32 $0x7FFFFFFF, v8;
	v8 =	vand.u32 $0x7FFFFFFF, v10  }
0x175: {  	v5 =	vadd.f32 v7, v5;
	v6 =	vadd.f32 v8, v6  }
0x176: {  	v3 =	vadd.f32 v4, v3  }
0x177: {  	(xrf2) =	vadd.scan.msk.f32 $0xffff, v11;
	v4 =	vadd.f32 v6, v5  }
0x178: {  	(xrf2) =	vadd.scan.msk.f32 $0xffff, v3  }
0x179: {  	(xrf2) =	vadd.scan.msk.f32 $0xffff, v4;
	_ =	sdelay $0x7  }
0x17a: {  	v3, _, _ =	vpop (xrf2)  }
0x17b: {  	v3 =	vsub.f32 $0.0e+00, v3;
	v4, _, _ =	vpop (xrf2)  }
0x17c: {  	v4 =	vsub.f32 $0.0e+00, v4;
	v5, _, _ =	vpop (xrf2)  }
0x17d: {  	v3 =	vmul.f32 $1.442695020e+00, v3;
	v5 =	vsub.f32 $0.0e+00, v5  }
0x17e: {  	v4 =	vmul.f32 $1.442695020e+00, v4  }
0x17f: {  	(erf) = vpow2.f32 v3;
	v3 =	vmul.f32 $1.442695020e+00, v5  }
0x180: {  	(erf) = vpow2.f32 v4  }
0x181: {  	(erf) = vpow2.f32 v3;
	_ =	sdelay $0x6  }
0x182: {  	v3 =	vpop (erf)  }
0x183: {  	s6 =	sor.u32 s5, s16;
	[tilespmem:v2+s2+$0x0] =	vst.idx.msk vm0, v3;
	v2 =	vpop (erf)  }
0x184: {  	s6 =	sshrl.u32 s6, $0x3;
	[tilespmem:v0+s2+$0x0] =	vst.idx.msk vm0, v2;
	v0 =	vpop (erf)  }
0x185: {  	s19 =	sadd.s32 $0x10200, s16;
	s6 =	sadd.s32 s3, s6;
	[tilespmem:v1+s2+$0x0] =	vst.idx.msk vm0, v0  }
0x186: {  	[hbm4b:s6+s4] =	stream.linear.scatter [tilespmem:s19], [sflag:$0x12], $0x20, $0x38;
	[tilespmem:$0x10400] =	vst v63  }
0x187: {  	s16 =	simm.s32 @p0 $0x1200;
	s6 =	simm.s32 @p0 $0x0;
	s17 =	rddreg [dreg:$0xf]  }
0x188: {  	[tilespmem:s16], [sflag:$0xA] =	stream.linear.gather @p0 [hbm4b:s17+s6], $0x1000, $0x38;
	[tilespmem:$0x10400] =	vst v63  }
0x189: {  	s6 =	simm.s32 @p0 $0x20;
	s16 =	simm.s32 @p0 $0x120;
	s17 =	simm.s32 @p0 $0x9200  }
0x18a: {  	[tilespmem:s17], [sflag:$0x2] =	stream.indirect.gather @p0 [hbm4b:s1+s6], $0x80, s16, s6, $0xb8;
	[tilespmem:$0x10400] =	vst v63  }
0x18b: {  	_ =	swait.ge [sflag:s9], $0x1000  }
0x18c: {  	[sflag:s9] =	ssyncset.done $0x0  }
0x18d: {  	[sflag:s9] =	ssyncadd.s32 $0xFFFFF000  }
0x18e: {  	_ =	swait.ge [sflag:s10], $0x1000  }
0x18f: {  	[sflag:s10] =	ssyncset.done $0x0  }
0x190: {  	s20 =	simm.s32 $0x2300;
	[sflag:s10] =	ssyncadd.s32 $0xFFFFF000  }
0x191: {  	s6 =	simm.s32 $0xA300;
	v0 =	vld [tilespmem:s20+$0xE0]  }
0x192: {  	v1 =	vld [tilespmem:s6+$0xE0]  }
0x193: {  	v2 =	vld [tilespmem:s20+$0xC0]  }
0x194: {  	v3 =	vld [tilespmem:s6+$0xC0]  }
0x195: {  	v4 =	vld [tilespmem:s20+$0xD0]  }
0x196: {  	v5 =	vld [tilespmem:s20+$0x80]  }
0x197: {  	v6 =	vld [tilespmem:s6+$0x80]  }
0x198: {  	v7 =	vld [tilespmem:s20+$0x90]  }
0x199: {  	v8 =	vld [tilespmem:s6+$0x90]  }
0x19a: {  	v9 =	vld [tilespmem:s20+$0xA0]  }
0x19b: {  	v10 =	vld [tilespmem:s6+$0xA0]  }
0x19c: {  	v11 =	vld [tilespmem:s20+$0xB0]  }
0x19d: {  	v12 =	vld [tilespmem:s6+$0xB0]  }
0x19e: {  	v13 =	vld [tilespmem:s6+$0xD0]  }
0x19f: {  	v14 =	vld [tilespmem:s20+$0xFFFFFF00]  }
0x1a0: {  	v15 =	vld [tilespmem:s20+$0xF0]  }
0x1a1: {  	v16 =	vld [tilespmem:s6+$0xF0]  }
0x1a2: {  	v17 =	vld [tilespmem:s6+$0xFFFFFF00]  }
0x1a3: {  	v18 =	vld [tilespmem:s20+$0xFFFFFF10]  }
0x1a4: {  	v19 =	vld [tilespmem:s6+$0xFFFFFF10]  }
0x1a5: {  	v20 =	vld [tilespmem:s20+$0xFFFFFF20]  }
0x1a6: {  	v21 =	vld [tilespmem:s6+$0xFFFFFF20]  }
0x1a7: {  	v22 =	vld [tilespmem:s20+$0xFFFFFF30]  }
0x1a8: {  	v23 =	vld [tilespmem:s6+$0xFFFFFF30]  }
0x1a9: {  	v56 =	vld [tilespmem:s20+$0xFFFFFF40]  }
0x1aa: {  	v59 =	vld [tilespmem:s6+$0xFFFFFF40]  }
0x1ab: {  	v60 =	vld [tilespmem:s20+$0xFFFFFFC0]  }
0x1ac: {  	v62 =	vld [tilespmem:s6+$0xFFFFFF70];
	v0 =	vsub.f32 v0, v1  }
0x1ad: {  	v1 =	vld [tilespmem:s20+$0xFFFFFF80];
	v5 =	vsub.f32 v5, v6;
	v6 =	vsub.f32 v7, v8  }
0x1ae: {  	v7 =	vld [tilespmem:s6+$0xFFFFFF80];
	v8 =	vsub.f32 v9, v10;
	v9 =	vsub.f32 v11, v12  }
0x1af: {  	v10 =	vld [tilespmem:s20+$0xFFFFFF90];
	v2 =	vsub.f32 v2, v3;
	v3 =	vsub.f32 v4, v13;
	v5 =	vand.u32 $0x7FFFFFFF, v5  }
0x1b0: {  	v4 =	vld [tilespmem:s6+$0xFFFFFF90];
	v6 =	vand.u32 $0x7FFFFFFF, v6;
	v8 =	vand.u32 $0x7FFFFFFF, v8;
	v9 =	vand.u32 $0x7FFFFFFF, v9  }
0x1b1: {  	v11 =	vld [tilespmem:s20+$0xFFFFFFA0];
	v5 =	vadd.f32 v8, v5;
	v6 =	vadd.f32 v9, v6  }
0x1b2: {  	v12 =	vld [tilespmem:s20+$0xFFFFFFB0];
	v2 =	vand.u32 $0x7FFFFFFF, v2;
	v3 =	vand.u32 $0x7FFFFFFF, v3;
	v9 =	vsub.f32 v15, v16  }
0x1b3: {  	v13 =	vld [tilespmem:s20+$0x20];
	v2 =	vadd.f32 v2, v5;
	v3 =	vadd.f32 v3, v6  }
0x1b4: {  	v0 =	vand.u32 $0x7FFFFFFF, v0;
	v8 =	vld [tilespmem:s6+$0xFFFFFFA0];
	v6 =	vand.u32 $0x7FFFFFFF, v9  }
0x1b5: {  	v15 =	vld [tilespmem:s20+$0x30];
	v0 =	vadd.f32 v0, v2;
	v2 =	vadd.f32 v6, v3  }
0x1b6: {  	v16 =	vld [tilespmem:s6+$0x30]  }
0x1b7: {  	v5 =	vld [tilespmem:s6+$0xFFFFFFB0];
	v0 =	vadd.f32 v2, v0  }
0x1b8: {  	v9 =	vld [tilespmem:s20+$0x0]  }
0x1b9: {  	v1 =	vsub.f32 v1, v7;
	v7 =	vld [tilespmem:s20+$0xFFFFFF50];
	(xrf2) =	vadd.scan.msk.f32 $0xffff, v0  }
0x1ba: {  	v3 =	vld [tilespmem:s6+$0x0]  }
0x1bb: {  	v14 =	vsub.f32 v14, v17;
	v6 =	vld [tilespmem:s20+$0x10]  }
0x1bc: {  	v17 =	vsub.f32 v18, v19;
	v8 =	vsub.f32 v11, v8;
	v2 =	vld [tilespmem:s6+$0x10]  }
0x1bd: {  	s21 =	sadd.s32 $0xFFFFFFFC, s28;
	v57 =	vsub.f32 v20, v21;
	v58 =	vsub.f32 v22, v23;
	v0 =	vld [tilespmem:s6+$0x20]  }
0x1be: {  	s18 =	sadd.s32 $0x47, s21;
	v1 =	vand.u32 $0x7FFFFFFF, v1;
	v8 =	vand.u32 $0x7FFFFFFF, v8;
	v5 =	vsub.f32 v12, v5;
	v12 =	vld [tilespmem:s6+$0xFFFFFFD0]  }
0x1bf: {  	v61 =	vmov s18;
	v4 =	vsub.f32 v10, v4;
	v1 =	vadd.f32 v8, v1;
	v8 =	vld [tilespmem:s20+$0xFFFFFFD0]  }
0x1c0: {  	v14 =	vand.u32 $0x7FFFFFFF, v14;
	v17 =	vand.u32 $0x7FFFFFFF, v17;
	v19 =	vand.u32 $0x7FFFFFFF, v57;
	v10 =	vld [tilespmem:s6+$0xFFFFFFC0]  }
0x1c1: {  	v14 =	vadd.f32 v19, v14;
	v4 =	vand.u32 $0x7FFFFFFF, v4;
	v11 =	vld [tilespmem:s6+$0xFFFFFF50];
	v3 =	vsub.f32 v9, v3  }
0x1c2: {  	v5 =	vand.u32 $0x7FFFFFFF, v5;
	v2 =	vsub.f32 v6, v2;
	v6 =	vld [tilespmem:s20+$0x40];
	v0 =	vsub.f32 v13, v0  }
0x1c3: {  	v4 =	vadd.f32 v5, v4;
	v3 =	vand.u32 $0x7FFFFFFF, v3;
	v13 =	vsub.f32 v15, v16;
	v15 =	vld [tilespmem:s6+$0x40];
	v9, _, _ =	vpop (xrf2)  }
0x1c4: {  	v8 =	vsub.f32 v8, v12;
	v12 =	vld [tilespmem:s20+$0xFFFFFF70];
	v0 =	vand.u32 $0x7FFFFFFF, v0;
	v9 =	vsub.f32 $0.0e+00, v9  }
0x1c5: {  	v63 =	vld [tilespmem:s20+$0xFFFFFFE0];
	v2 =	vand.u32 $0x7FFFFFFF, v2;
	v13 =	vand.u32 $0x7FFFFFFF, v13;
	v0 =	vadd.f32 v0, v3  }
0x1c6: {  	v16 =	vld [tilespmem:s6+$0x50];
	v3 =	vsub.f32 v56, v59;
	v13 =	vadd.f32 v13, v2;
	v5 =	vmul.f32 $1.442695020e+00, v9  }
0x1c7: {  	v20 =	vand.u32 $0x7FFFFFFF, v58;
	v2 =	vsub.f32 v7, v11;
	v7 =	vsub.f32 v60, v10;
	v10 =	vld [tilespmem:s6+$0xFFFFFF60]  }
0x1c8: {  	v17 =	vadd.f32 v20, v17;
	v3 =	vand.u32 $0x7FFFFFFF, v3;
	v9 =	vld [tilespmem:s20+$0x50];
	(erf) = vpow2.f32 v5  }
0x1c9: {  	v2 =	vand.u32 $0x7FFFFFFF, v2;
	v6 =	vsub.f32 v6, v15;
	v19 =	vsub.f32 v12, v62;
	v5 =	vld [tilespmem:s20+$0xFFFFFF60]  }
0x1ca: {  	s22 =	sadd.s32 $0x44, s21;
	v15 =	vld [tilespmem:s6+$0xFFFFFFE0];
	v11 =	vadd.f32 v3, v14;
	v17 =	vadd.f32 v2, v17;
	v2 =	vand.u32 $0x7FFFFFFF, v7  }
0x1cb: {  	s19 =	sadd.s32 $0x45, s21;
	s17 =	sadd.s32 $0x46, s21;
	v14 =	vmov s22;
	v3 =	vadd.f32 v2, v1;
	v1 =	vand.u32 $0x7FFFFFFF, v8  }
0x1cc: {  	v7 =	vmov s19;
	v2 =	vmov s17;
	v4 =	vadd.f32 v1, v4  }
0x1cd: {  	v1 =	vand.u32 $0xFFFFFFFC, v14;
	v14 =	vand.u32 $0xFFFFFFFD, v7;
	v7 =	vld [tilespmem:s20+$0xFFFFFFF0];
	v8 =	vsub.f32 v9, v16  }
0x1ce: {  	v16 =	vand.u32 $0xFFFFFFFE, v2;
	v2 =	vbroadcast v1, $0x0;
	v9 =	vld [tilespmem:s6+$0xFFFFFFF0];
	v1 =	vsub.f32 v5, v10  }
0x1cf: {  	v15 =	vsub.f32 v63, v15;
	v5 =	vand.u32 $0x7FFFFFFF, v6;
	v6 =	vand.u32 $0x7FFFFFFF, v8;
	v8 =	vld [tilespmem:s20+$0x60]  }
0x1d0: {  	v10 =	vld [tilespmem:s6+$0x60];
	v5 =	vadd.f32 v5, v0;
	v6 =	vadd.f32 v6, v13;
	v1 =	vand.u32 $0x7FFFFFFF, v1  }
0x1d1: {  	v0 =	vbroadcast v14, $0x0;
	v14 =	vand.u32 $0x7FFFFFFF, v19;
	v12 =	vadd.f32 v1, v11;
	v11 =	vld [tilespmem:s20+$0x70];
	v13 =	vpop (erf)  }
0x1d2: {  	s18 =	simm.s32 $0x2500;
	s16 =	sor.u32 $0x40, s28;
	s17 =	simm.s32 $0x0;
	v14 =	vadd.f32 v14, v17;
	v1 =	vbroadcast v16, $0x0;
	[tilespmem:v61+s2+$0x0] =	vst.idx.msk vm0, v13;
	v13 =	vld [tilespmem:s6+$0x70]  }
.LBB2_7:
0x1d3: {  	v16 =	vld [tilespmem:s18+$0xE0];
	v15 =	vand.u32 $0x7FFFFFFF, v15;
	v7 =	vsub.f32 v7, v9;
	s6 =	sadd.s32 $0x200, s6;
	s19 =	smov.u32 s17  }
0x1d4: {  	v9 =	vld [tilespmem:s6+$0xE0];
	v12 =	vadd.f32 v14, v12;
	v3 =	vadd.f32 v15, v3  }
0x1d5: {  	v14 =	vld [tilespmem:s18+$0xC0];
	v7 =	vand.u32 $0x7FFFFFFF, v7;
	v8 =	vsub.f32 v8, v10  }
0x1d6: {  	v10 =	vld [tilespmem:s6+$0xC0];
	v4 =	vadd.f32 v7, v4;
	(xrf2) =	vadd.scan.msk.f32 $0xffff, v12  }
0x1d7: {  	v7 =	vld [tilespmem:s18+$0xD0];
	v8 =	vand.u32 $0x7FFFFFFF, v8;
	v11 =	vsub.f32 v11, v13  }
0x1d8: {  	v12 =	vld [tilespmem:s18+$0x80];
	v3 =	vadd.f32 v4, v3;
	v4 =	vadd.f32 v8, v5  }
0x1d9: {  	v5 =	vld [tilespmem:s6+$0x80];
	v8 =	vand.u32 $0x7FFFFFFF, v11  }
0x1da: {  	v11 =	vld [tilespmem:s18+$0x90];
	v6 =	vadd.f32 v8, v6;
	(xrf2) =	vadd.scan.msk.f32 $0xffff, v3  }
0x1db: {  	v3 =	vld [tilespmem:s6+$0x90]  }
0x1dc: {  	v8 =	vld [tilespmem:s18+$0xA0];
	v4 =	vadd.f32 v6, v4  }
0x1dd: {  	v6 =	vld [tilespmem:s6+$0xA0]  }
0x1de: {  	v13 =	vld [tilespmem:s18+$0xB0];
	(xrf2) =	vadd.scan.msk.f32 $0xffff, v4  }
0x1df: {  	s17 =	sadd.s32 $0x4, s17;
	v4 =	vld [tilespmem:s6+$0xB0]  }
0x1e0: {  	p1 =	slt.u32 s17, $0x1C;
	v15 =	vld [tilespmem:s6+$0xD0];
	v17, _, _ =	vpop (xrf2)  }
0x1e1: {  	v18 =	vld [tilespmem:s18+$0xFFFFFF00];
	v17 =	vsub.f32 $0.0e+00, v17  }
0x1e2: {  	v9 =	vsub.f32 v16, v9;
	v16 =	vld [tilespmem:s18+$0xF0]  }
0x1e3: {  	v5 =	vsub.f32 v12, v5;
	v3 =	vsub.f32 v11, v3;
	v11 =	vld [tilespmem:s6+$0xF0];
	v12 =	vmul.f32 $1.442695020e+00, v17  }
0x1e4: {  	v6 =	vsub.f32 v8, v6;
	v17 =	vld [tilespmem:s6+$0xFFFFFF00];
	v4 =	vsub.f32 v13, v4;
	v8, _, _ =	vpop (xrf2)  }
0x1e5: {  	v10 =	vsub.f32 v14, v10;
	v5 =	vand.u32 $0x7FFFFFFF, v5;
	v13 =	vld [tilespmem:s18+$0xFFFFFF10];
	v7 =	vsub.f32 v7, v15  }
0x1e6: {  	v3 =	vand.u32 $0x7FFFFFFF, v3;
	v6 =	vand.u32 $0x7FFFFFFF, v6;
	v14 =	vld [tilespmem:s6+$0xFFFFFF10];
	v4 =	vand.u32 $0x7FFFFFFF, v4  }
0x1e7: {  	v5 =	vadd.f32 v6, v5;
	v15 =	vld [tilespmem:s18+$0xFFFFFF20];
	v3 =	vadd.f32 v4, v3;
	(erf) = vpow2.f32 v12  }
0x1e8: {  	v6 =	vand.u32 $0x7FFFFFFF, v10;
	v7 =	vand.u32 $0x7FFFFFFF, v7;
	v4 =	vld [tilespmem:s6+$0xFFFFFF20];
	v10 =	vsub.f32 v16, v11;
	v11, _, _ =	vpop (xrf2)  }
0x1e9: {  	v5 =	vadd.f32 v6, v5;
	v12 =	vld [tilespmem:s18+$0xFFFFFF30];
	v3 =	vadd.f32 v7, v3  }
0x1ea: {  	v9 =	vand.u32 $0x7FFFFFFF, v9;
	v6 =	vsub.f32 v18, v17;
	v7 =	vld [tilespmem:s6+$0xFFFFFF30];
	v10 =	vand.u32 $0x7FFFFFFF, v10  }
0x1eb: {  	v5 =	vadd.f32 v9, v5;
	v16 =	vld [tilespmem:s18+$0xFFFFFF80];
	v3 =	vadd.f32 v10, v3  }
0x1ec: {  	v8 =	vsub.f32 $0.0e+00, v8;
	v6 =	vand.u32 $0x7FFFFFFF, v6;
	v9 =	vsub.f32 v13, v14;
	v10 =	vld [tilespmem:s6+$0xFFFFFF80]  }
0x1ed: {  	v4 =	vsub.f32 v15, v4;
	v13 =	vld [tilespmem:s18+$0xFFFFFF90];
	v3 =	vadd.f32 v3, v5  }
0x1ee: {  	v8 =	vmul.f32 $1.442695020e+00, v8;
	v14 =	vsub.f32 $0.0e+00, v11;
	v5 =	vand.u32 $0x7FFFFFFF, v9;
	v9 =	vld [tilespmem:s6+$0xFFFFFF90]  }
0x1ef: {  	v4 =	vand.u32 $0x7FFFFFFF, v4;
	v7 =	vsub.f32 v12, v7;
	v12 =	vld [tilespmem:s18+$0xFFFFFFA0];
	(xrf2) =	vadd.scan.msk.f32 $0xffff, v3  }
0x1f0: {  	v3 =	vadd.f32 v4, v6;
	v4 =	vld [tilespmem:s6+$0xFFFFFFA0];
	v6 =	vmul.f32 $1.442695020e+00, v14;
	v11 =	vpop (erf)  }
0x1f1: {  	v7 =	vand.u32 $0x7FFFFFFF, v7;
	v10 =	vsub.f32 v16, v10;
	v14 =	vld [tilespmem:s18+$0xFFFFFFB0];
	[tilespmem:v2+s2+$0x0] =	vst.idx.msk vm0, v11;
	(erf) = vpow2.f32 v8  }
0x1f2: {  	v2 =	vadd.f32 v7, v5;
	v5 =	vld [tilespmem:s6+$0xFFFFFFB0];
	(erf) = vpow2.f32 v6  }
0x1f3: {  	v6 =	vand.u32 $0x7FFFFFFF, v10;
	v7 =	vsub.f32 v13, v9;
	v8 =	vld [tilespmem:s18+$0x0]  }
0x1f4: {  	v9 =	vld [tilespmem:s6+$0x0]  }
0x1f5: {  	v7 =	vand.u32 $0x7FFFFFFF, v7;
	v4 =	vsub.f32 v12, v4;
	v10 =	vld [tilespmem:s18+$0x10]  }
0x1f6: {  	v11 =	vld [tilespmem:s6+$0x10]  }
0x1f7: {  	v4 =	vand.u32 $0x7FFFFFFF, v4;
	v5 =	vsub.f32 v14, v5;
	v12 =	vld [tilespmem:s18+$0x20]  }
0x1f8: {  	v4 =	vadd.f32 v4, v6;
	v6 =	vld [tilespmem:s6+$0x20]  }
0x1f9: {  	v5 =	vand.u32 $0x7FFFFFFF, v5;
	v8 =	vsub.f32 v8, v9;
	v9 =	vld [tilespmem:s18+$0x30];
	v13, _, _ =	vpop (xrf2)  }
0x1fa: {  	v5 =	vadd.f32 v5, v7;
	v7 =	vld [tilespmem:s6+$0x30];
	v13 =	vsub.f32 $0.0e+00, v13;
	v14 =	vpop (erf)  }
0x1fb: {  	v15 =	vld [tilespmem:s18+$0xFFFFFF40];
	v8 =	vand.u32 $0x7FFFFFFF, v8;
	v10 =	vsub.f32 v10, v11;
	[tilespmem:v0+s2+$0x0] =	vst.idx.msk vm0, v14;
	v0 =	vpop (erf)  }
0x1fc: {  	v11 =	vld [tilespmem:s6+$0xFFFFFF40];
	v13 =	vmul.f32 $1.442695020e+00, v13;
	[tilespmem:v1+s2+$0x0] =	vst.idx.msk vm0, v0  }
0x1fd: {  	v0 =	vld [tilespmem:s18+$0xFFFFFF50];
	v1 =	vand.u32 $0x7FFFFFFF, v10;
	v6 =	vsub.f32 v12, v6  }
0x1fe: {  	v10 =	vld [tilespmem:s6+$0xFFFFFF50];
	(erf) = vpow2.f32 v13  }
0x1ff: {  	v12 =	vld [tilespmem:s18+$0xFFFFFFC0];
	v6 =	vand.u32 $0x7FFFFFFF, v6;
	v7 =	vsub.f32 v9, v7  }
0x200: {  	v9 =	vld [tilespmem:s6+$0xFFFFFFC0];
	v6 =	vadd.f32 v6, v8  }
0x201: {  	s19 =	sadd.s32 s19, s28;
	v8 =	vsub.f32 v15, v11;
	v11 =	vld [tilespmem:s18+$0xFFFFFFD0];
	v7 =	vand.u32 $0x7FFFFFFF, v7  }
0x202: {  	s20 =	sadd.s32 $0x44, s19;
	s21 =	sadd.s32 $0x45, s19;
	s22 =	sadd.s32 $0x47, s19;
	v13 =	vld [tilespmem:s6+$0xFFFFFFD0];
	v14 =	vadd.f32 v7, v1  }
0x203: {  	s19 =	sadd.s32 $0x46, s19;
	v1 =	vand.u32 $0x7FFFFFFF, v8;
	v0 =	vsub.f32 v0, v10;
	v7 =	vld [tilespmem:s18+$0x40];
	v8 =	vmov s22  }
0x204: {  	v10 =	vadd.f32 v1, v3;
	v1 =	vmov s20;
	v3 =	vmov s21;
	v15 =	vld [tilespmem:s6+$0x40]  }
0x205: {  	v16 =	vmov s19;
	v0 =	vand.u32 $0x7FFFFFFF, v0;
	v9 =	vsub.f32 v12, v9;
	v12 =	vld [tilespmem:s18+$0x50]  }
0x206: {  	v17 =	vadd.f32 v0, v2;
	v0 =	vand.u32 $0xFFFFFFFC, v1;
	v1 =	vand.u32 $0xFFFFFFFD, v3;
	v18 =	vld [tilespmem:s6+$0x50]  }
0x207: {  	v19 =	vld [tilespmem:s18+$0xFFFFFF60];
	v3 =	vand.u32 $0x7FFFFFFF, v9;
	v9 =	vsub.f32 v11, v13;
	v11 =	vand.u32 $0xFFFFFFFE, v16;
	v13 =	vpop (erf)  }
0x208: {  	v2 =	vbroadcast v0, $0x0;
	v0 =	vbroadcast v1, $0x0;
	v16 =	vld [tilespmem:s6+$0xFFFFFF60];
	v3 =	vadd.f32 v3, v4;
	[tilespmem:v8+s2+$0x0] =	vst.idx.msk vm0, v13  }
0x209: {  	v1 =	vbroadcast v11, $0x0;
	v8 =	vld [tilespmem:s18+$0xFFFFFF70];
	v4 =	vand.u32 $0x7FFFFFFF, v9;
	v7 =	vsub.f32 v7, v15  }
0x20a: {  	v11 =	vld [tilespmem:s6+$0xFFFFFF70];
	v4 =	vadd.f32 v4, v5  }
0x20b: {  	v13 =	vld [tilespmem:s18+$0xFFFFFFE0];
	v5 =	vand.u32 $0x7FFFFFFF, v7;
	v9 =	vsub.f32 v12, v18  }
0x20c: {  	v15 =	vld [tilespmem:s6+$0xFFFFFFE0];
	v5 =	vadd.f32 v5, v6  }
0x20d: {  	v12 =	vsub.f32 v19, v16;
	v7 =	vld [tilespmem:s18+$0xFFFFFFF0];
	v6 =	vand.u32 $0x7FFFFFFF, v9  }
.Ltmp2:
0x20e: {  	v9 =	vld [tilespmem:s6+$0xFFFFFFF0];
	v6 =	vadd.f32 v6, v14;
	(pc) =	sbr.rel @p1 .LBB2_7-.Ltmp2, $4  }
0x20f: {  	v12 =	vand.u32 $0x7FFFFFFF, v12;
	v11 =	vsub.f32 v8, v11;
	v8 =	vld [tilespmem:s18+$0x60]  }
0x210: {  	v12 =	vadd.f32 v12, v10;
	v10 =	vld [tilespmem:s6+$0x60]  }
0x211: {  	v14 =	vand.u32 $0x7FFFFFFF, v11;
	v15 =	vsub.f32 v13, v15;
	v11 =	vld [tilespmem:s18+$0x70]  }
0x212: {  	s18 =	sadd.s32 $0x200, s18;
	v14 =	vadd.f32 v14, v17;
	v13 =	vld [tilespmem:s6+$0x70]  }
0x213: {  	_ =	sdelay $0x1  }
0x214: {  	v7 =	vsub.f32 v7, v9  }
0x215: {  	v9 =	vand.u32 $0x7FFFFFFF, v15  }
0x216: {  	v8 =	vsub.f32 v8, v10;
	v7 =	vand.u32 $0x7FFFFFFF, v7;
	v10 =	vsub.f32 v11, v13  }
0x217: {  	v3 =	vadd.f32 v9, v3;
	v4 =	vadd.f32 v7, v4  }
0x218: {  	v11 =	vadd.f32 v14, v12;
	v7 =	vand.u32 $0x7FFFFFFF, v8;
	v8 =	vand.u32 $0x7FFFFFFF, v10  }
0x219: {  	v5 =	vadd.f32 v7, v5;
	v6 =	vadd.f32 v8, v6  }
0x21a: {  	v3 =	vadd.f32 v4, v3  }
0x21b: {  	(xrf2) =	vadd.scan.msk.f32 $0xffff, v11;
	v4 =	vadd.f32 v6, v5  }
0x21c: {  	(xrf2) =	vadd.scan.msk.f32 $0xffff, v3  }
0x21d: {  	(xrf2) =	vadd.scan.msk.f32 $0xffff, v4;
	_ =	sdelay $0x7  }
0x21e: {  	v3, _, _ =	vpop (xrf2)  }
0x21f: {  	v3 =	vsub.f32 $0.0e+00, v3;
	v4, _, _ =	vpop (xrf2)  }
0x220: {  	v4 =	vsub.f32 $0.0e+00, v4;
	v5, _, _ =	vpop (xrf2)  }
0x221: {  	v3 =	vmul.f32 $1.442695020e+00, v3;
	v5 =	vsub.f32 $0.0e+00, v5  }
0x222: {  	v4 =	vmul.f32 $1.442695020e+00, v4  }
0x223: {  	(erf) = vpow2.f32 v3;
	v3 =	vmul.f32 $1.442695020e+00, v5  }
0x224: {  	(erf) = vpow2.f32 v4  }
0x225: {  	(erf) = vpow2.f32 v3;
	_ =	sdelay $0x6  }
0x226: {  	v3 =	vpop (erf)  }
0x227: {  	s6 =	sor.u32 s5, s16;
	[tilespmem:v2+s2+$0x0] =	vst.idx.msk vm0, v3;
	v2 =	vpop (erf)  }
0x228: {  	s6 =	sshrl.u32 s6, $0x3;
	[tilespmem:v0+s2+$0x0] =	vst.idx.msk vm0, v2;
	v0 =	vpop (erf)  }
0x229: {  	s19 =	sadd.s32 $0x10200, s16;
	s6 =	sadd.s32 s3, s6;
	[tilespmem:v1+s2+$0x0] =	vst.idx.msk vm0, v0  }
0x22a: {  	[hbm4b:s6+s4] =	stream.linear.scatter [tilespmem:s19], [sflag:$0x12], $0x20, $0x38;
	[tilespmem:$0x10400] =	vst v63  }
0x22b: {  	s16 =	simm.s32 @p0 $0x2200;
	s6 =	simm.s32 @p0 $0x0;
	s17 =	rddreg [dreg:$0x10]  }
0x22c: {  	[tilespmem:s16], [sflag:$0xB] =	stream.linear.gather @p0 [hbm4b:s17+s6], $0x1000, $0x38;
	[tilespmem:$0x10400] =	vst v63  }
0x22d: {  	s6 =	simm.s32 @p0 $0x20;
	s16 =	simm.s32 @p0 $0x140;
	s17 =	simm.s32 @p0 $0xA200  }
0x22e: {  	[tilespmem:s17], [sflag:$0x3] =	stream.indirect.gather @p0 [hbm4b:s1+s6], $0x80, s16, s6, $0xb8;
	[tilespmem:$0x10400] =	vst v63  }
0x22f: {  	_ =	swait.ge [sflag:s11], $0x1000  }
0x230: {  	[sflag:s11] =	ssyncset.done $0x0  }
0x231: {  	[sflag:s11] =	ssyncadd.s32 $0xFFFFF000  }
0x232: {  	_ =	swait.ge [sflag:s12], $0x1000  }
0x233: {  	[sflag:s12] =	ssyncset.done $0x0  }
0x234: {  	s20 =	simm.s32 $0x3300;
	[sflag:s12] =	ssyncadd.s32 $0xFFFFF000  }
0x235: {  	s6 =	simm.s32 $0xB300;
	v0 =	vld [tilespmem:s20+$0xE0]  }
0x236: {  	v1 =	vld [tilespmem:s6+$0xE0]  }
0x237: {  	v2 =	vld [tilespmem:s20+$0xC0]  }
0x238: {  	v3 =	vld [tilespmem:s6+$0xC0]  }
0x239: {  	v4 =	vld [tilespmem:s20+$0xD0]  }
0x23a: {  	v5 =	vld [tilespmem:s20+$0x80]  }
0x23b: {  	v6 =	vld [tilespmem:s6+$0x80]  }
0x23c: {  	v7 =	vld [tilespmem:s20+$0x90]  }
0x23d: {  	v8 =	vld [tilespmem:s6+$0x90]  }
0x23e: {  	v9 =	vld [tilespmem:s20+$0xA0]  }
0x23f: {  	v10 =	vld [tilespmem:s6+$0xA0]  }
0x240: {  	v11 =	vld [tilespmem:s20+$0xB0]  }
0x241: {  	v12 =	vld [tilespmem:s6+$0xB0]  }
0x242: {  	v13 =	vld [tilespmem:s6+$0xD0]  }
0x243: {  	v14 =	vld [tilespmem:s20+$0xFFFFFF00]  }
0x244: {  	v15 =	vld [tilespmem:s20+$0xF0]  }
0x245: {  	v16 =	vld [tilespmem:s6+$0xF0]  }
0x246: {  	v17 =	vld [tilespmem:s6+$0xFFFFFF00]  }
0x247: {  	v18 =	vld [tilespmem:s20+$0xFFFFFF10]  }
0x248: {  	v19 =	vld [tilespmem:s6+$0xFFFFFF10]  }
0x249: {  	v20 =	vld [tilespmem:s20+$0xFFFFFF20]  }
0x24a: {  	v21 =	vld [tilespmem:s6+$0xFFFFFF20]  }
0x24b: {  	v22 =	vld [tilespmem:s20+$0xFFFFFF30]  }
0x24c: {  	v23 =	vld [tilespmem:s6+$0xFFFFFF30]  }
0x24d: {  	v56 =	vld [tilespmem:s20+$0xFFFFFF40]  }
0x24e: {  	v59 =	vld [tilespmem:s6+$0xFFFFFF40]  }
0x24f: {  	v60 =	vld [tilespmem:s20+$0xFFFFFFC0]  }
0x250: {  	v62 =	vld [tilespmem:s6+$0xFFFFFF70];
	v0 =	vsub.f32 v0, v1  }
0x251: {  	v1 =	vld [tilespmem:s20+$0xFFFFFF80];
	v5 =	vsub.f32 v5, v6;
	v6 =	vsub.f32 v7, v8  }
0x252: {  	v7 =	vld [tilespmem:s6+$0xFFFFFF80];
	v8 =	vsub.f32 v9, v10;
	v9 =	vsub.f32 v11, v12  }
0x253: {  	v10 =	vld [tilespmem:s20+$0xFFFFFF90];
	v2 =	vsub.f32 v2, v3;
	v3 =	vsub.f32 v4, v13;
	v5 =	vand.u32 $0x7FFFFFFF, v5  }
0x254: {  	v4 =	vld [tilespmem:s6+$0xFFFFFF90];
	v6 =	vand.u32 $0x7FFFFFFF, v6;
	v8 =	vand.u32 $0x7FFFFFFF, v8;
	v9 =	vand.u32 $0x7FFFFFFF, v9  }
0x255: {  	v11 =	vld [tilespmem:s20+$0xFFFFFFA0];
	v5 =	vadd.f32 v8, v5;
	v6 =	vadd.f32 v9, v6  }
0x256: {  	v12 =	vld [tilespmem:s20+$0xFFFFFFB0];
	v2 =	vand.u32 $0x7FFFFFFF, v2;
	v3 =	vand.u32 $0x7FFFFFFF, v3;
	v9 =	vsub.f32 v15, v16  }
0x257: {  	v13 =	vld [tilespmem:s20+$0x20];
	v2 =	vadd.f32 v2, v5;
	v3 =	vadd.f32 v3, v6  }
0x258: {  	v0 =	vand.u32 $0x7FFFFFFF, v0;
	v8 =	vld [tilespmem:s6+$0xFFFFFFA0];
	v6 =	vand.u32 $0x7FFFFFFF, v9  }
0x259: {  	v15 =	vld [tilespmem:s20+$0x30];
	v0 =	vadd.f32 v0, v2;
	v2 =	vadd.f32 v6, v3  }
0x25a: {  	v16 =	vld [tilespmem:s6+$0x30]  }
0x25b: {  	v5 =	vld [tilespmem:s6+$0xFFFFFFB0];
	v0 =	vadd.f32 v2, v0  }
0x25c: {  	v9 =	vld [tilespmem:s20+$0x0]  }
0x25d: {  	v1 =	vsub.f32 v1, v7;
	v7 =	vld [tilespmem:s20+$0xFFFFFF50];
	(xrf2) =	vadd.scan.msk.f32 $0xffff, v0  }
0x25e: {  	v3 =	vld [tilespmem:s6+$0x0]  }
0x25f: {  	v14 =	vsub.f32 v14, v17;
	v6 =	vld [tilespmem:s20+$0x10]  }
0x260: {  	v17 =	vsub.f32 v18, v19;
	v8 =	vsub.f32 v11, v8;
	v2 =	vld [tilespmem:s6+$0x10]  }
0x261: {  	s21 =	sadd.s32 $0xFFFFFFFC, s28;
	v57 =	vsub.f32 v20, v21;
	v58 =	vsub.f32 v22, v23;
	v0 =	vld [tilespmem:s6+$0x20]  }
0x262: {  	s18 =	sadd.s32 $0x67, s21;
	v1 =	vand.u32 $0x7FFFFFFF, v1;
	v8 =	vand.u32 $0x7FFFFFFF, v8;
	v5 =	vsub.f32 v12, v5;
	v12 =	vld [tilespmem:s6+$0xFFFFFFD0]  }
0x263: {  	v61 =	vmov s18;
	v4 =	vsub.f32 v10, v4;
	v1 =	vadd.f32 v8, v1;
	v8 =	vld [tilespmem:s20+$0xFFFFFFD0]  }
0x264: {  	v14 =	vand.u32 $0x7FFFFFFF, v14;
	v17 =	vand.u32 $0x7FFFFFFF, v17;
	v19 =	vand.u32 $0x7FFFFFFF, v57;
	v10 =	vld [tilespmem:s6+$0xFFFFFFC0]  }
0x265: {  	v14 =	vadd.f32 v19, v14;
	v4 =	vand.u32 $0x7FFFFFFF, v4;
	v11 =	vld [tilespmem:s6+$0xFFFFFF50];
	v3 =	vsub.f32 v9, v3  }
0x266: {  	v5 =	vand.u32 $0x7FFFFFFF, v5;
	v2 =	vsub.f32 v6, v2;
	v6 =	vld [tilespmem:s20+$0x40];
	v0 =	vsub.f32 v13, v0  }
0x267: {  	v4 =	vadd.f32 v5, v4;
	v3 =	vand.u32 $0x7FFFFFFF, v3;
	v13 =	vsub.f32 v15, v16;
	v15 =	vld [tilespmem:s6+$0x40];
	v9, _, _ =	vpop (xrf2)  }
0x268: {  	v8 =	vsub.f32 v8, v12;
	v12 =	vld [tilespmem:s20+$0xFFFFFF70];
	v0 =	vand.u32 $0x7FFFFFFF, v0;
	v9 =	vsub.f32 $0.0e+00, v9  }
0x269: {  	v63 =	vld [tilespmem:s20+$0xFFFFFFE0];
	v2 =	vand.u32 $0x7FFFFFFF, v2;
	v13 =	vand.u32 $0x7FFFFFFF, v13;
	v0 =	vadd.f32 v0, v3  }
0x26a: {  	v16 =	vld [tilespmem:s6+$0x50];
	v3 =	vsub.f32 v56, v59;
	v13 =	vadd.f32 v13, v2;
	v5 =	vmul.f32 $1.442695020e+00, v9  }
0x26b: {  	v20 =	vand.u32 $0x7FFFFFFF, v58;
	v2 =	vsub.f32 v7, v11;
	v7 =	vsub.f32 v60, v10;
	v10 =	vld [tilespmem:s6+$0xFFFFFF60]  }
0x26c: {  	v17 =	vadd.f32 v20, v17;
	v3 =	vand.u32 $0x7FFFFFFF, v3;
	v9 =	vld [tilespmem:s20+$0x50];
	(erf) = vpow2.f32 v5  }
0x26d: {  	v2 =	vand.u32 $0x7FFFFFFF, v2;
	v6 =	vsub.f32 v6, v15;
	v19 =	vsub.f32 v12, v62;
	v5 =	vld [tilespmem:s20+$0xFFFFFF60]  }
0x26e: {  	s22 =	sadd.s32 $0x64, s21;
	v15 =	vld [tilespmem:s6+$0xFFFFFFE0];
	v11 =	vadd.f32 v3, v14;
	v17 =	vadd.f32 v2, v17;
	v2 =	vand.u32 $0x7FFFFFFF, v7  }
0x26f: {  	s19 =	sadd.s32 $0x65, s21;
	s17 =	sadd.s32 $0x66, s21;
	v14 =	vmov s22;
	v3 =	vadd.f32 v2, v1;
	v1 =	vand.u32 $0x7FFFFFFF, v8  }
0x270: {  	v7 =	vmov s19;
	v2 =	vmov s17;
	v4 =	vadd.f32 v1, v4  }
0x271: {  	v1 =	vand.u32 $0xFFFFFFFC, v14;
	v14 =	vand.u32 $0xFFFFFFFD, v7;
	v7 =	vld [tilespmem:s20+$0xFFFFFFF0];
	v8 =	vsub.f32 v9, v16  }
0x272: {  	v16 =	vand.u32 $0xFFFFFFFE, v2;
	v2 =	vbroadcast v1, $0x0;
	v9 =	vld [tilespmem:s6+$0xFFFFFFF0];
	v1 =	vsub.f32 v5, v10  }
0x273: {  	v15 =	vsub.f32 v63, v15;
	v5 =	vand.u32 $0x7FFFFFFF, v6;
	v6 =	vand.u32 $0x7FFFFFFF, v8;
	v8 =	vld [tilespmem:s20+$0x60]  }
0x274: {  	v10 =	vld [tilespmem:s6+$0x60];
	v5 =	vadd.f32 v5, v0;
	v6 =	vadd.f32 v6, v13;
	v1 =	vand.u32 $0x7FFFFFFF, v1  }
0x275: {  	v0 =	vbroadcast v14, $0x0;
	v14 =	vand.u32 $0x7FFFFFFF, v19;
	v12 =	vadd.f32 v1, v11;
	v11 =	vld [tilespmem:s20+$0x70];
	v13 =	vpop (erf)  }
0x276: {  	s18 =	simm.s32 $0x3500;
	s16 =	sor.u32 $0x60, s28;
	s17 =	simm.s32 $0x0;
	v14 =	vadd.f32 v14, v17;
	v1 =	vbroadcast v16, $0x0;
	[tilespmem:v61+s2+$0x0] =	vst.idx.msk vm0, v13;
	v13 =	vld [tilespmem:s6+$0x70]  }
.LBB2_9:
0x277: {  	v16 =	vld [tilespmem:s18+$0xE0];
	v15 =	vand.u32 $0x7FFFFFFF, v15;
	v7 =	vsub.f32 v7, v9;
	s6 =	sadd.s32 $0x200, s6;
	s19 =	smov.u32 s17  }
0x278: {  	v9 =	vld [tilespmem:s6+$0xE0];
	v12 =	vadd.f32 v14, v12;
	v3 =	vadd.f32 v15, v3  }
0x279: {  	v14 =	vld [tilespmem:s18+$0xC0];
	v7 =	vand.u32 $0x7FFFFFFF, v7;
	v8 =	vsub.f32 v8, v10  }
0x27a: {  	v10 =	vld [tilespmem:s6+$0xC0];
	v4 =	vadd.f32 v7, v4;
	(xrf2) =	vadd.scan.msk.f32 $0xffff, v12  }
0x27b: {  	v7 =	vld [tilespmem:s18+$0xD0];
	v8 =	vand.u32 $0x7FFFFFFF, v8;
	v11 =	vsub.f32 v11, v13  }
0x27c: {  	v12 =	vld [tilespmem:s18+$0x80];
	v3 =	vadd.f32 v4, v3;
	v4 =	vadd.f32 v8, v5  }
0x27d: {  	v5 =	vld [tilespmem:s6+$0x80];
	v8 =	vand.u32 $0x7FFFFFFF, v11  }
0x27e: {  	v11 =	vld [tilespmem:s18+$0x90];
	v6 =	vadd.f32 v8, v6;
	(xrf2) =	vadd.scan.msk.f32 $0xffff, v3  }
0x27f: {  	v3 =	vld [tilespmem:s6+$0x90]  }
0x280: {  	v8 =	vld [tilespmem:s18+$0xA0];
	v4 =	vadd.f32 v6, v4  }
0x281: {  	v6 =	vld [tilespmem:s6+$0xA0]  }
0x282: {  	v13 =	vld [tilespmem:s18+$0xB0];
	(xrf2) =	vadd.scan.msk.f32 $0xffff, v4  }
0x283: {  	s17 =	sadd.s32 $0x4, s17;
	v4 =	vld [tilespmem:s6+$0xB0]  }
0x284: {  	p1 =	slt.u32 s17, $0x1C;
	v15 =	vld [tilespmem:s6+$0xD0];
	v17, _, _ =	vpop (xrf2)  }
0x285: {  	v18 =	vld [tilespmem:s18+$0xFFFFFF00];
	v17 =	vsub.f32 $0.0e+00, v17  }
0x286: {  	v9 =	vsub.f32 v16, v9;
	v16 =	vld [tilespmem:s18+$0xF0]  }
0x287: {  	v5 =	vsub.f32 v12, v5;
	v3 =	vsub.f32 v11, v3;
	v11 =	vld [tilespmem:s6+$0xF0];
	v12 =	vmul.f32 $1.442695020e+00, v17  }
0x288: {  	v6 =	vsub.f32 v8, v6;
	v17 =	vld [tilespmem:s6+$0xFFFFFF00];
	v4 =	vsub.f32 v13, v4;
	v8, _, _ =	vpop (xrf2)  }
0x289: {  	v10 =	vsub.f32 v14, v10;
	v5 =	vand.u32 $0x7FFFFFFF, v5;
	v13 =	vld [tilespmem:s18+$0xFFFFFF10];
	v7 =	vsub.f32 v7, v15  }
0x28a: {  	v3 =	vand.u32 $0x7FFFFFFF, v3;
	v6 =	vand.u32 $0x7FFFFFFF, v6;
	v14 =	vld [tilespmem:s6+$0xFFFFFF10];
	v4 =	vand.u32 $0x7FFFFFFF, v4  }
0x28b: {  	v5 =	vadd.f32 v6, v5;
	v15 =	vld [tilespmem:s18+$0xFFFFFF20];
	v3 =	vadd.f32 v4, v3;
	(erf) = vpow2.f32 v12  }
0x28c: {  	v6 =	vand.u32 $0x7FFFFFFF, v10;
	v7 =	vand.u32 $0x7FFFFFFF, v7;
	v4 =	vld [tilespmem:s6+$0xFFFFFF20];
	v10 =	vsub.f32 v16, v11;
	v11, _, _ =	vpop (xrf2)  }
0x28d: {  	v5 =	vadd.f32 v6, v5;
	v12 =	vld [tilespmem:s18+$0xFFFFFF30];
	v3 =	vadd.f32 v7, v3  }
0x28e: {  	v9 =	vand.u32 $0x7FFFFFFF, v9;
	v6 =	vsub.f32 v18, v17;
	v7 =	vld [tilespmem:s6+$0xFFFFFF30];
	v10 =	vand.u32 $0x7FFFFFFF, v10  }
0x28f: {  	v5 =	vadd.f32 v9, v5;
	v16 =	vld [tilespmem:s18+$0xFFFFFF80];
	v3 =	vadd.f32 v10, v3  }
0x290: {  	v8 =	vsub.f32 $0.0e+00, v8;
	v6 =	vand.u32 $0x7FFFFFFF, v6;
	v9 =	vsub.f32 v13, v14;
	v10 =	vld [tilespmem:s6+$0xFFFFFF80]  }
0x291: {  	v4 =	vsub.f32 v15, v4;
	v13 =	vld [tilespmem:s18+$0xFFFFFF90];
	v3 =	vadd.f32 v3, v5  }
0x292: {  	v8 =	vmul.f32 $1.442695020e+00, v8;
	v14 =	vsub.f32 $0.0e+00, v11;
	v5 =	vand.u32 $0x7FFFFFFF, v9;
	v9 =	vld [tilespmem:s6+$0xFFFFFF90]  }
0x293: {  	v4 =	vand.u32 $0x7FFFFFFF, v4;
	v7 =	vsub.f32 v12, v7;
	v12 =	vld [tilespmem:s18+$0xFFFFFFA0];
	(xrf2) =	vadd.scan.msk.f32 $0xffff, v3  }
0x294: {  	v3 =	vadd.f32 v4, v6;
	v4 =	vld [tilespmem:s6+$0xFFFFFFA0];
	v6 =	vmul.f32 $1.442695020e+00, v14;
	v11 =	vpop (erf)  }
0x295: {  	v7 =	vand.u32 $0x7FFFFFFF, v7;
	v10 =	vsub.f32 v16, v10;
	v14 =	vld [tilespmem:s18+$0xFFFFFFB0];
	[tilespmem:v2+s2+$0x0] =	vst.idx.msk vm0, v11;
	(erf) = vpow2.f32 v8  }
0x296: {  	v2 =	vadd.f32 v7, v5;
	v5 =	vld [tilespmem:s6+$0xFFFFFFB0];
	(erf) = vpow2.f32 v6  }
0x297: {  	v6 =	vand.u32 $0x7FFFFFFF, v10;
	v7 =	vsub.f32 v13, v9;
	v8 =	vld [tilespmem:s18+$0x0]  }
0x298: {  	v9 =	vld [tilespmem:s6+$0x0]  }
0x299: {  	v7 =	vand.u32 $0x7FFFFFFF, v7;
	v4 =	vsub.f32 v12, v4;
	v10 =	vld [tilespmem:s18+$0x10]  }
0x29a: {  	v11 =	vld [tilespmem:s6+$0x10]  }
0x29b: {  	v4 =	vand.u32 $0x7FFFFFFF, v4;
	v5 =	vsub.f32 v14, v5;
	v12 =	vld [tilespmem:s18+$0x20]  }
0x29c: {  	v4 =	vadd.f32 v4, v6;
	v6 =	vld [tilespmem:s6+$0x20]  }
0x29d: {  	v5 =	vand.u32 $0x7FFFFFFF, v5;
	v8 =	vsub.f32 v8, v9;
	v9 =	vld [tilespmem:s18+$0x30];
	v13, _, _ =	vpop (xrf2)  }
0x29e: {  	v5 =	vadd.f32 v5, v7;
	v7 =	vld [tilespmem:s6+$0x30];
	v13 =	vsub.f32 $0.0e+00, v13;
	v14 =	vpop (erf)  }
0x29f: {  	v15 =	vld [tilespmem:s18+$0xFFFFFF40];
	v8 =	vand.u32 $0x7FFFFFFF, v8;
	v10 =	vsub.f32 v10, v11;
	[tilespmem:v0+s2+$0x0] =	vst.idx.msk vm0, v14;
	v0 =	vpop (erf)  }
0x2a0: {  	v11 =	vld [tilespmem:s6+$0xFFFFFF40];
	v13 =	vmul.f32 $1.442695020e+00, v13;
	[tilespmem:v1+s2+$0x0] =	vst.idx.msk vm0, v0  }
0x2a1: {  	v0 =	vld [tilespmem:s18+$0xFFFFFF50];
	v1 =	vand.u32 $0x7FFFFFFF, v10;
	v6 =	vsub.f32 v12, v6  }
0x2a2: {  	v10 =	vld [tilespmem:s6+$0xFFFFFF50];
	(erf) = vpow2.f32 v13  }
0x2a3: {  	v12 =	vld [tilespmem:s18+$0xFFFFFFC0];
	v6 =	vand.u32 $0x7FFFFFFF, v6;
	v7 =	vsub.f32 v9, v7  }
0x2a4: {  	v9 =	vld [tilespmem:s6+$0xFFFFFFC0];
	v6 =	vadd.f32 v6, v8  }
0x2a5: {  	s19 =	sadd.s32 s19, s28;
	v8 =	vsub.f32 v15, v11;
	v11 =	vld [tilespmem:s18+$0xFFFFFFD0];
	v7 =	vand.u32 $0x7FFFFFFF, v7  }
0x2a6: {  	s20 =	sadd.s32 $0x64, s19;
	s21 =	sadd.s32 $0x65, s19;
	s22 =	sadd.s32 $0x67, s19;
	v13 =	vld [tilespmem:s6+$0xFFFFFFD0];
	v14 =	vadd.f32 v7, v1  }
0x2a7: {  	s19 =	sadd.s32 $0x66, s19;
	v1 =	vand.u32 $0x7FFFFFFF, v8;
	v0 =	vsub.f32 v0, v10;
	v7 =	vld [tilespmem:s18+$0x40];
	v8 =	vmov s22  }
0x2a8: {  	v10 =	vadd.f32 v1, v3;
	v1 =	vmov s20;
	v3 =	vmov s21;
	v15 =	vld [tilespmem:s6+$0x40]  }
0x2a9: {  	v16 =	vmov s19;
	v0 =	vand.u32 $0x7FFFFFFF, v0;
	v9 =	vsub.f32 v12, v9;
	v12 =	vld [tilespmem:s18+$0x50]  }
0x2aa: {  	v17 =	vadd.f32 v0, v2;
	v0 =	vand.u32 $0xFFFFFFFC, v1;
	v1 =	vand.u32 $0xFFFFFFFD, v3;
	v18 =	vld [tilespmem:s6+$0x50]  }
0x2ab: {  	v19 =	vld [tilespmem:s18+$0xFFFFFF60];
	v3 =	vand.u32 $0x7FFFFFFF, v9;
	v9 =	vsub.f32 v11, v13;
	v11 =	vand.u32 $0xFFFFFFFE, v16;
	v13 =	vpop (erf)  }
0x2ac: {  	v2 =	vbroadcast v0, $0x0;
	v0 =	vbroadcast v1, $0x0;
	v16 =	vld [tilespmem:s6+$0xFFFFFF60];
	v3 =	vadd.f32 v3, v4;
	[tilespmem:v8+s2+$0x0] =	vst.idx.msk vm0, v13  }
0x2ad: {  	v1 =	vbroadcast v11, $0x0;
	v8 =	vld [tilespmem:s18+$0xFFFFFF70];
	v4 =	vand.u32 $0x7FFFFFFF, v9;
	v7 =	vsub.f32 v7, v15  }
0x2ae: {  	v11 =	vld [tilespmem:s6+$0xFFFFFF70];
	v4 =	vadd.f32 v4, v5  }
0x2af: {  	v13 =	vld [tilespmem:s18+$0xFFFFFFE0];
	v5 =	vand.u32 $0x7FFFFFFF, v7;
	v9 =	vsub.f32 v12, v18  }
0x2b0: {  	v15 =	vld [tilespmem:s6+$0xFFFFFFE0];
	v5 =	vadd.f32 v5, v6  }
0x2b1: {  	v12 =	vsub.f32 v19, v16;
	v7 =	vld [tilespmem:s18+$0xFFFFFFF0];
	v6 =	vand.u32 $0x7FFFFFFF, v9  }
.Ltmp3:
0x2b2: {  	v9 =	vld [tilespmem:s6+$0xFFFFFFF0];
	v6 =	vadd.f32 v6, v14;
	(pc) =	sbr.rel @p1 .LBB2_9-.Ltmp3, $4  }
0x2b3: {  	v12 =	vand.u32 $0x7FFFFFFF, v12;
	v11 =	vsub.f32 v8, v11;
	v8 =	vld [tilespmem:s18+$0x60]  }
0x2b4: {  	v12 =	vadd.f32 v12, v10;
	v10 =	vld [tilespmem:s6+$0x60]  }
0x2b5: {  	v14 =	vand.u32 $0x7FFFFFFF, v11;
	v15 =	vsub.f32 v13, v15;
	v11 =	vld [tilespmem:s18+$0x70]  }
0x2b6: {  	s18 =	sadd.s32 $0x200, s18;
	v14 =	vadd.f32 v14, v17;
	v13 =	vld [tilespmem:s6+$0x70]  }
0x2b7: {  	_ =	sdelay $0x1  }
0x2b8: {  	v7 =	vsub.f32 v7, v9  }
0x2b9: {  	v9 =	vand.u32 $0x7FFFFFFF, v15  }
0x2ba: {  	v8 =	vsub.f32 v8, v10;
	v7 =	vand.u32 $0x7FFFFFFF, v7;
	v10 =	vsub.f32 v11, v13  }
0x2bb: {  	v3 =	vadd.f32 v9, v3;
	v4 =	vadd.f32 v7, v4  }
0x2bc: {  	v11 =	vadd.f32 v14, v12;
	v7 =	vand.u32 $0x7FFFFFFF, v8;
	v8 =	vand.u32 $0x7FFFFFFF, v10  }
0x2bd: {  	v5 =	vadd.f32 v7, v5;
	v6 =	vadd.f32 v8, v6  }
0x2be: {  	v3 =	vadd.f32 v4, v3  }
0x2bf: {  	(xrf2) =	vadd.scan.msk.f32 $0xffff, v11;
	v4 =	vadd.f32 v6, v5  }
0x2c0: {  	(xrf2) =	vadd.scan.msk.f32 $0xffff, v3  }
0x2c1: {  	(xrf2) =	vadd.scan.msk.f32 $0xffff, v4;
	_ =	sdelay $0x7  }
0x2c2: {  	v3, _, _ =	vpop (xrf2)  }
0x2c3: {  	v3 =	vsub.f32 $0.0e+00, v3;
	v4, _, _ =	vpop (xrf2)  }
0x2c4: {  	v4 =	vsub.f32 $0.0e+00, v4;
	v5, _, _ =	vpop (xrf2)  }
0x2c5: {  	v3 =	vmul.f32 $1.442695020e+00, v3;
	v5 =	vsub.f32 $0.0e+00, v5  }
0x2c6: {  	v4 =	vmul.f32 $1.442695020e+00, v4  }
0x2c7: {  	(erf) = vpow2.f32 v3;
	v3 =	vmul.f32 $1.442695020e+00, v5  }
0x2c8: {  	(erf) = vpow2.f32 v4  }
0x2c9: {  	(erf) = vpow2.f32 v3;
	_ =	sdelay $0x6  }
0x2ca: {  	v3 =	vpop (erf)  }
0x2cb: {  	s6 =	sor.u32 s5, s16;
	[tilespmem:v2+s2+$0x0] =	vst.idx.msk vm0, v3;
	v2 =	vpop (erf)  }
0x2cc: {  	s6 =	sshrl.u32 s6, $0x3;
	[tilespmem:v0+s2+$0x0] =	vst.idx.msk vm0, v2;
	v0 =	vpop (erf)  }
0x2cd: {  	s19 =	sadd.s32 $0x10200, s16;
	s6 =	sadd.s32 s3, s6;
	[tilespmem:v1+s2+$0x0] =	vst.idx.msk vm0, v0  }
0x2ce: {  	[hbm4b:s6+s4] =	stream.linear.scatter [tilespmem:s19], [sflag:$0x12], $0x20, $0x38;
	[tilespmem:$0x10400] =	vst v63  }
0x2cf: {  	s16 =	simm.s32 @p0 $0x3200;
	s6 =	simm.s32 @p0 $0x0;
	s17 =	rddreg [dreg:$0x11]  }
0x2d0: {  	[tilespmem:s16], [sflag:$0xC] =	stream.linear.gather @p0 [hbm4b:s17+s6], $0x1000, $0x38;
	[tilespmem:$0x10400] =	vst v63  }
0x2d1: {  	s6 =	simm.s32 @p0 $0x20;
	s16 =	simm.s32 @p0 $0x160;
	s17 =	simm.s32 @p0 $0xB200  }
0x2d2: {  	[tilespmem:s17], [sflag:$0x4] =	stream.indirect.gather @p0 [hbm4b:s1+s6], $0x80, s16, s6, $0xb8;
	[tilespmem:$0x10400] =	vst v63  }
0x2d3: {  	_ =	swait.ge [sflag:s13], $0x1000  }
0x2d4: {  	[sflag:s13] =	ssyncset.done $0x0  }
0x2d5: {  	[sflag:s13] =	ssyncadd.s32 $0xFFFFF000  }
0x2d6: {  	_ =	swait.ge [sflag:s14], $0x1000  }
0x2d7: {  	[sflag:s14] =	ssyncset.done $0x0  }
0x2d8: {  	s20 =	simm.s32 $0x4300;
	[sflag:s14] =	ssyncadd.s32 $0xFFFFF000  }
0x2d9: {  	s6 =	simm.s32 $0xC300;
	v0 =	vld [tilespmem:s20+$0xE0]  }
0x2da: {  	v1 =	vld [tilespmem:s6+$0xE0]  }
0x2db: {  	v2 =	vld [tilespmem:s20+$0xC0]  }
0x2dc: {  	v3 =	vld [tilespmem:s6+$0xC0]  }
0x2dd: {  	v4 =	vld [tilespmem:s20+$0xD0]  }
0x2de: {  	v5 =	vld [tilespmem:s20+$0x80]  }
0x2df: {  	v6 =	vld [tilespmem:s6+$0x80]  }
0x2e0: {  	v7 =	vld [tilespmem:s20+$0x90]  }
0x2e1: {  	v8 =	vld [tilespmem:s6+$0x90]  }
0x2e2: {  	v9 =	vld [tilespmem:s20+$0xA0]  }
0x2e3: {  	v10 =	vld [tilespmem:s6+$0xA0]  }
0x2e4: {  	v11 =	vld [tilespmem:s20+$0xB0]  }
0x2e5: {  	v12 =	vld [tilespmem:s6+$0xB0]  }
0x2e6: {  	v13 =	vld [tilespmem:s6+$0xD0]  }
0x2e7: {  	v14 =	vld [tilespmem:s20+$0xFFFFFF00]  }
0x2e8: {  	v15 =	vld [tilespmem:s20+$0xF0]  }
0x2e9: {  	v16 =	vld [tilespmem:s6+$0xF0]  }
0x2ea: {  	v17 =	vld [tilespmem:s6+$0xFFFFFF00]  }
0x2eb: {  	v18 =	vld [tilespmem:s20+$0xFFFFFF10]  }
0x2ec: {  	v19 =	vld [tilespmem:s6+$0xFFFFFF10]  }
0x2ed: {  	v20 =	vld [tilespmem:s20+$0xFFFFFF20]  }
0x2ee: {  	v21 =	vld [tilespmem:s6+$0xFFFFFF20]  }
0x2ef: {  	v22 =	vld [tilespmem:s20+$0xFFFFFF30]  }
0x2f0: {  	v23 =	vld [tilespmem:s6+$0xFFFFFF30]  }
0x2f1: {  	v56 =	vld [tilespmem:s20+$0xFFFFFF40]  }
0x2f2: {  	v59 =	vld [tilespmem:s6+$0xFFFFFF40]  }
0x2f3: {  	v60 =	vld [tilespmem:s20+$0xFFFFFFC0]  }
0x2f4: {  	v62 =	vld [tilespmem:s6+$0xFFFFFF70];
	v0 =	vsub.f32 v0, v1  }
0x2f5: {  	v1 =	vld [tilespmem:s20+$0xFFFFFF80];
	v5 =	vsub.f32 v5, v6;
	v6 =	vsub.f32 v7, v8  }
0x2f6: {  	v7 =	vld [tilespmem:s6+$0xFFFFFF80];
	v8 =	vsub.f32 v9, v10;
	v9 =	vsub.f32 v11, v12  }
0x2f7: {  	v10 =	vld [tilespmem:s20+$0xFFFFFF90];
	v2 =	vsub.f32 v2, v3;
	v3 =	vsub.f32 v4, v13;
	v5 =	vand.u32 $0x7FFFFFFF, v5  }
0x2f8: {  	v4 =	vld [tilespmem:s6+$0xFFFFFF90];
	v6 =	vand.u32 $0x7FFFFFFF, v6;
	v8 =	vand.u32 $0x7FFFFFFF, v8;
	v9 =	vand.u32 $0x7FFFFFFF, v9  }
0x2f9: {  	v11 =	vld [tilespmem:s20+$0xFFFFFFA0];
	v5 =	vadd.f32 v8, v5;
	v6 =	vadd.f32 v9, v6  }
0x2fa: {  	v12 =	vld [tilespmem:s20+$0xFFFFFFB0];
	v2 =	vand.u32 $0x7FFFFFFF, v2;
	v3 =	vand.u32 $0x7FFFFFFF, v3;
	v9 =	vsub.f32 v15, v16  }
0x2fb: {  	v13 =	vld [tilespmem:s20+$0x20];
	v2 =	vadd.f32 v2, v5;
	v3 =	vadd.f32 v3, v6  }
0x2fc: {  	v0 =	vand.u32 $0x7FFFFFFF, v0;
	v8 =	vld [tilespmem:s6+$0xFFFFFFA0];
	v6 =	vand.u32 $0x7FFFFFFF, v9  }
0x2fd: {  	v15 =	vld [tilespmem:s20+$0x30];
	v0 =	vadd.f32 v0, v2;
	v2 =	vadd.f32 v6, v3  }
0x2fe: {  	v16 =	vld [tilespmem:s6+$0x30]  }
0x2ff: {  	v5 =	vld [tilespmem:s6+$0xFFFFFFB0];
	v0 =	vadd.f32 v2, v0  }
0x300: {  	v9 =	vld [tilespmem:s20+$0x0]  }
0x301: {  	v1 =	vsub.f32 v1, v7;
	v7 =	vld [tilespmem:s20+$0xFFFFFF50];
	(xrf2) =	vadd.scan.msk.f32 $0xffff, v0  }
0x302: {  	v3 =	vld [tilespmem:s6+$0x0]  }
0x303: {  	v14 =	vsub.f32 v14, v17;
	v6 =	vld [tilespmem:s20+$0x10]  }
0x304: {  	v17 =	vsub.f32 v18, v19;
	v8 =	vsub.f32 v11, v8;
	v2 =	vld [tilespmem:s6+$0x10]  }
0x305: {  	s21 =	sadd.s32 $0xFFFFFFFC, s28;
	v57 =	vsub.f32 v20, v21;
	v58 =	vsub.f32 v22, v23;
	v0 =	vld [tilespmem:s6+$0x20]  }
0x306: {  	s18 =	sadd.s32 $0x87, s21;
	v1 =	vand.u32 $0x7FFFFFFF, v1;
	v8 =	vand.u32 $0x7FFFFFFF, v8;
	v5 =	vsub.f32 v12, v5;
	v12 =	vld [tilespmem:s6+$0xFFFFFFD0]  }
0x307: {  	v61 =	vmov s18;
	v4 =	vsub.f32 v10, v4;
	v1 =	vadd.f32 v8, v1;
	v8 =	vld [tilespmem:s20+$0xFFFFFFD0]  }
0x308: {  	v14 =	vand.u32 $0x7FFFFFFF, v14;
	v17 =	vand.u32 $0x7FFFFFFF, v17;
	v19 =	vand.u32 $0x7FFFFFFF, v57;
	v10 =	vld [tilespmem:s6+$0xFFFFFFC0]  }
0x309: {  	v14 =	vadd.f32 v19, v14;
	v4 =	vand.u32 $0x7FFFFFFF, v4;
	v11 =	vld [tilespmem:s6+$0xFFFFFF50];
	v3 =	vsub.f32 v9, v3  }
0x30a: {  	v5 =	vand.u32 $0x7FFFFFFF, v5;
	v2 =	vsub.f32 v6, v2;
	v6 =	vld [tilespmem:s20+$0x40];
	v0 =	vsub.f32 v13, v0  }
0x30b: {  	v4 =	vadd.f32 v5, v4;
	v3 =	vand.u32 $0x7FFFFFFF, v3;
	v13 =	vsub.f32 v15, v16;
	v15 =	vld [tilespmem:s6+$0x40];
	v9, _, _ =	vpop (xrf2)  }
0x30c: {  	v8 =	vsub.f32 v8, v12;
	v12 =	vld [tilespmem:s20+$0xFFFFFF70];
	v0 =	vand.u32 $0x7FFFFFFF, v0;
	v9 =	vsub.f32 $0.0e+00, v9  }
0x30d: {  	v63 =	vld [tilespmem:s20+$0xFFFFFFE0];
	v2 =	vand.u32 $0x7FFFFFFF, v2;
	v13 =	vand.u32 $0x7FFFFFFF, v13;
	v0 =	vadd.f32 v0, v3  }
0x30e: {  	v16 =	vld [tilespmem:s6+$0x50];
	v3 =	vsub.f32 v56, v59;
	v13 =	vadd.f32 v13, v2;
	v5 =	vmul.f32 $1.442695020e+00, v9  }
0x30f: {  	v20 =	vand.u32 $0x7FFFFFFF, v58;
	v2 =	vsub.f32 v7, v11;
	v7 =	vsub.f32 v60, v10;
	v10 =	vld [tilespmem:s6+$0xFFFFFF60]  }
0x310: {  	v17 =	vadd.f32 v20, v17;
	v3 =	vand.u32 $0x7FFFFFFF, v3;
	v9 =	vld [tilespmem:s20+$0x50];
	(erf) = vpow2.f32 v5  }
0x311: {  	v2 =	vand.u32 $0x7FFFFFFF, v2;
	v6 =	vsub.f32 v6, v15;
	v19 =	vsub.f32 v12, v62;
	v5 =	vld [tilespmem:s20+$0xFFFFFF60]  }
0x312: {  	s22 =	sadd.s32 $0x84, s21;
	v15 =	vld [tilespmem:s6+$0xFFFFFFE0];
	v11 =	vadd.f32 v3, v14;
	v17 =	vadd.f32 v2, v17;
	v2 =	vand.u32 $0x7FFFFFFF, v7  }
0x313: {  	s19 =	sadd.s32 $0x85, s21;
	s17 =	sadd.s32 $0x86, s21;
	v14 =	vmov s22;
	v3 =	vadd.f32 v2, v1;
	v1 =	vand.u32 $0x7FFFFFFF, v8  }
0x314: {  	v7 =	vmov s19;
	v2 =	vmov s17;
	v4 =	vadd.f32 v1, v4  }
0x315: {  	v1 =	vand.u32 $0xFFFFFFFC, v14;
	v14 =	vand.u32 $0xFFFFFFFD, v7;
	v7 =	vld [tilespmem:s20+$0xFFFFFFF0];
	v8 =	vsub.f32 v9, v16  }
0x316: {  	v16 =	vand.u32 $0xFFFFFFFE, v2;
	v2 =	vbroadcast v1, $0x0;
	v9 =	vld [tilespmem:s6+$0xFFFFFFF0];
	v1 =	vsub.f32 v5, v10  }
0x317: {  	v15 =	vsub.f32 v63, v15;
	v5 =	vand.u32 $0x7FFFFFFF, v6;
	v6 =	vand.u32 $0x7FFFFFFF, v8;
	v8 =	vld [tilespmem:s20+$0x60]  }
0x318: {  	v10 =	vld [tilespmem:s6+$0x60];
	v5 =	vadd.f32 v5, v0;
	v6 =	vadd.f32 v6, v13;
	v1 =	vand.u32 $0x7FFFFFFF, v1  }
0x319: {  	v0 =	vbroadcast v14, $0x0;
	v14 =	vand.u32 $0x7FFFFFFF, v19;
	v12 =	vadd.f32 v1, v11;
	v11 =	vld [tilespmem:s20+$0x70];
	v13 =	vpop (erf)  }
0x31a: {  	s18 =	simm.s32 $0x4500;
	s16 =	sor.u32 $0x80, s28;
	s17 =	simm.s32 $0x0;
	v14 =	vadd.f32 v14, v17;
	v1 =	vbroadcast v16, $0x0;
	[tilespmem:v61+s2+$0x0] =	vst.idx.msk vm0, v13;
	v13 =	vld [tilespmem:s6+$0x70]  }
.LBB2_11:
0x31b: {  	v16 =	vld [tilespmem:s18+$0xE0];
	v15 =	vand.u32 $0x7FFFFFFF, v15;
	v7 =	vsub.f32 v7, v9;
	s6 =	sadd.s32 $0x200, s6;
	s19 =	smov.u32 s17  }
0x31c: {  	v9 =	vld [tilespmem:s6+$0xE0];
	v12 =	vadd.f32 v14, v12;
	v3 =	vadd.f32 v15, v3  }
0x31d: {  	v14 =	vld [tilespmem:s18+$0xC0];
	v7 =	vand.u32 $0x7FFFFFFF, v7;
	v8 =	vsub.f32 v8, v10  }
0x31e: {  	v10 =	vld [tilespmem:s6+$0xC0];
	v4 =	vadd.f32 v7, v4;
	(xrf2) =	vadd.scan.msk.f32 $0xffff, v12  }
0x31f: {  	v7 =	vld [tilespmem:s18+$0xD0];
	v8 =	vand.u32 $0x7FFFFFFF, v8;
	v11 =	vsub.f32 v11, v13  }
0x320: {  	v12 =	vld [tilespmem:s18+$0x80];
	v3 =	vadd.f32 v4, v3;
	v4 =	vadd.f32 v8, v5  }
0x321: {  	v5 =	vld [tilespmem:s6+$0x80];
	v8 =	vand.u32 $0x7FFFFFFF, v11  }
0x322: {  	v11 =	vld [tilespmem:s18+$0x90];
	v6 =	vadd.f32 v8, v6;
	(xrf2) =	vadd.scan.msk.f32 $0xffff, v3  }
0x323: {  	v3 =	vld [tilespmem:s6+$0x90]  }
0x324: {  	v8 =	vld [tilespmem:s18+$0xA0];
	v4 =	vadd.f32 v6, v4  }
0x325: {  	v6 =	vld [tilespmem:s6+$0xA0]  }
0x326: {  	v13 =	vld [tilespmem:s18+$0xB0];
	(xrf2) =	vadd.scan.msk.f32 $0xffff, v4  }
0x327: {  	s17 =	sadd.s32 $0x4, s17;
	v4 =	vld [tilespmem:s6+$0xB0]  }
0x328: {  	p1 =	slt.u32 s17, $0x1C;
	v15 =	vld [tilespmem:s6+$0xD0];
	v17, _, _ =	vpop (xrf2)  }
0x329: {  	v18 =	vld [tilespmem:s18+$0xFFFFFF00];
	v17 =	vsub.f32 $0.0e+00, v17  }
0x32a: {  	v9 =	vsub.f32 v16, v9;
	v16 =	vld [tilespmem:s18+$0xF0]  }
0x32b: {  	v5 =	vsub.f32 v12, v5;
	v3 =	vsub.f32 v11, v3;
	v11 =	vld [tilespmem:s6+$0xF0];
	v12 =	vmul.f32 $1.442695020e+00, v17  }
0x32c: {  	v6 =	vsub.f32 v8, v6;
	v17 =	vld [tilespmem:s6+$0xFFFFFF00];
	v4 =	vsub.f32 v13, v4;
	v8, _, _ =	vpop (xrf2)  }
0x32d: {  	v10 =	vsub.f32 v14, v10;
	v5 =	vand.u32 $0x7FFFFFFF, v5;
	v13 =	vld [tilespmem:s18+$0xFFFFFF10];
	v7 =	vsub.f32 v7, v15  }
0x32e: {  	v3 =	vand.u32 $0x7FFFFFFF, v3;
	v6 =	vand.u32 $0x7FFFFFFF, v6;
	v14 =	vld [tilespmem:s6+$0xFFFFFF10];
	v4 =	vand.u32 $0x7FFFFFFF, v4  }
0x32f: {  	v5 =	vadd.f32 v6, v5;
	v15 =	vld [tilespmem:s18+$0xFFFFFF20];
	v3 =	vadd.f32 v4, v3;
	(erf) = vpow2.f32 v12  }
0x330: {  	v6 =	vand.u32 $0x7FFFFFFF, v10;
	v7 =	vand.u32 $0x7FFFFFFF, v7;
	v4 =	vld [tilespmem:s6+$0xFFFFFF20];
	v10 =	vsub.f32 v16, v11;
	v11, _, _ =	vpop (xrf2)  }
0x331: {  	v5 =	vadd.f32 v6, v5;
	v12 =	vld [tilespmem:s18+$0xFFFFFF30];
	v3 =	vadd.f32 v7, v3  }
0x332: {  	v9 =	vand.u32 $0x7FFFFFFF, v9;
	v6 =	vsub.f32 v18, v17;
	v7 =	vld [tilespmem:s6+$0xFFFFFF30];
	v10 =	vand.u32 $0x7FFFFFFF, v10  }
0x333: {  	v5 =	vadd.f32 v9, v5;
	v16 =	vld [tilespmem:s18+$0xFFFFFF80];
	v3 =	vadd.f32 v10, v3  }
0x334: {  	v8 =	vsub.f32 $0.0e+00, v8;
	v6 =	vand.u32 $0x7FFFFFFF, v6;
	v9 =	vsub.f32 v13, v14;
	v10 =	vld [tilespmem:s6+$0xFFFFFF80]  }
0x335: {  	v4 =	vsub.f32 v15, v4;
	v13 =	vld [tilespmem:s18+$0xFFFFFF90];
	v3 =	vadd.f32 v3, v5  }
0x336: {  	v8 =	vmul.f32 $1.442695020e+00, v8;
	v14 =	vsub.f32 $0.0e+00, v11;
	v5 =	vand.u32 $0x7FFFFFFF, v9;
	v9 =	vld [tilespmem:s6+$0xFFFFFF90]  }
0x337: {  	v4 =	vand.u32 $0x7FFFFFFF, v4;
	v7 =	vsub.f32 v12, v7;
	v12 =	vld [tilespmem:s18+$0xFFFFFFA0];
	(xrf2) =	vadd.scan.msk.f32 $0xffff, v3  }
0x338: {  	v3 =	vadd.f32 v4, v6;
	v4 =	vld [tilespmem:s6+$0xFFFFFFA0];
	v6 =	vmul.f32 $1.442695020e+00, v14;
	v11 =	vpop (erf)  }
0x339: {  	v7 =	vand.u32 $0x7FFFFFFF, v7;
	v10 =	vsub.f32 v16, v10;
	v14 =	vld [tilespmem:s18+$0xFFFFFFB0];
	[tilespmem:v2+s2+$0x0] =	vst.idx.msk vm0, v11;
	(erf) = vpow2.f32 v8  }
0x33a: {  	v2 =	vadd.f32 v7, v5;
	v5 =	vld [tilespmem:s6+$0xFFFFFFB0];
	(erf) = vpow2.f32 v6  }
0x33b: {  	v6 =	vand.u32 $0x7FFFFFFF, v10;
	v7 =	vsub.f32 v13, v9;
	v8 =	vld [tilespmem:s18+$0x0]  }
0x33c: {  	v9 =	vld [tilespmem:s6+$0x0]  }
0x33d: {  	v7 =	vand.u32 $0x7FFFFFFF, v7;
	v4 =	vsub.f32 v12, v4;
	v10 =	vld [tilespmem:s18+$0x10]  }
0x33e: {  	v11 =	vld [tilespmem:s6+$0x10]  }
0x33f: {  	v4 =	vand.u32 $0x7FFFFFFF, v4;
	v5 =	vsub.f32 v14, v5;
	v12 =	vld [tilespmem:s18+$0x20]  }
0x340: {  	v4 =	vadd.f32 v4, v6;
	v6 =	vld [tilespmem:s6+$0x20]  }
0x341: {  	v5 =	vand.u32 $0x7FFFFFFF, v5;
	v8 =	vsub.f32 v8, v9;
	v9 =	vld [tilespmem:s18+$0x30];
	v13, _, _ =	vpop (xrf2)  }
0x342: {  	v5 =	vadd.f32 v5, v7;
	v7 =	vld [tilespmem:s6+$0x30];
	v13 =	vsub.f32 $0.0e+00, v13;
	v14 =	vpop (erf)  }
0x343: {  	v15 =	vld [tilespmem:s18+$0xFFFFFF40];
	v8 =	vand.u32 $0x7FFFFFFF, v8;
	v10 =	vsub.f32 v10, v11;
	[tilespmem:v0+s2+$0x0] =	vst.idx.msk vm0, v14;
	v0 =	vpop (erf)  }
0x344: {  	v11 =	vld [tilespmem:s6+$0xFFFFFF40];
	v13 =	vmul.f32 $1.442695020e+00, v13;
	[tilespmem:v1+s2+$0x0] =	vst.idx.msk vm0, v0  }
0x345: {  	v0 =	vld [tilespmem:s18+$0xFFFFFF50];
	v1 =	vand.u32 $0x7FFFFFFF, v10;
	v6 =	vsub.f32 v12, v6  }
0x346: {  	v10 =	vld [tilespmem:s6+$0xFFFFFF50];
	(erf) = vpow2.f32 v13  }
0x347: {  	v12 =	vld [tilespmem:s18+$0xFFFFFFC0];
	v6 =	vand.u32 $0x7FFFFFFF, v6;
	v7 =	vsub.f32 v9, v7  }
0x348: {  	v9 =	vld [tilespmem:s6+$0xFFFFFFC0];
	v6 =	vadd.f32 v6, v8  }
0x349: {  	s19 =	sadd.s32 s19, s28;
	v8 =	vsub.f32 v15, v11;
	v11 =	vld [tilespmem:s18+$0xFFFFFFD0];
	v7 =	vand.u32 $0x7FFFFFFF, v7  }
0x34a: {  	s20 =	sadd.s32 $0x84, s19;
	s21 =	sadd.s32 $0x85, s19;
	s22 =	sadd.s32 $0x87, s19;
	v13 =	vld [tilespmem:s6+$0xFFFFFFD0];
	v14 =	vadd.f32 v7, v1  }
0x34b: {  	s19 =	sadd.s32 $0x86, s19;
	v1 =	vand.u32 $0x7FFFFFFF, v8;
	v0 =	vsub.f32 v0, v10;
	v7 =	vld [tilespmem:s18+$0x40];
	v8 =	vmov s22  }
0x34c: {  	v10 =	vadd.f32 v1, v3;
	v1 =	vmov s20;
	v3 =	vmov s21;
	v15 =	vld [tilespmem:s6+$0x40]  }
0x34d: {  	v16 =	vmov s19;
	v0 =	vand.u32 $0x7FFFFFFF, v0;
	v9 =	vsub.f32 v12, v9;
	v12 =	vld [tilespmem:s18+$0x50]  }
0x34e: {  	v17 =	vadd.f32 v0, v2;
	v0 =	vand.u32 $0xFFFFFFFC, v1;
	v1 =	vand.u32 $0xFFFFFFFD, v3;
	v18 =	vld [tilespmem:s6+$0x50]  }
0x34f: {  	v19 =	vld [tilespmem:s18+$0xFFFFFF60];
	v3 =	vand.u32 $0x7FFFFFFF, v9;
	v9 =	vsub.f32 v11, v13;
	v11 =	vand.u32 $0xFFFFFFFE, v16;
	v13 =	vpop (erf)  }
0x350: {  	v2 =	vbroadcast v0, $0x0;
	v0 =	vbroadcast v1, $0x0;
	v16 =	vld [tilespmem:s6+$0xFFFFFF60];
	v3 =	vadd.f32 v3, v4;
	[tilespmem:v8+s2+$0x0] =	vst.idx.msk vm0, v13  }
0x351: {  	v1 =	vbroadcast v11, $0x0;
	v8 =	vld [tilespmem:s18+$0xFFFFFF70];
	v4 =	vand.u32 $0x7FFFFFFF, v9;
	v7 =	vsub.f32 v7, v15  }
0x352: {  	v11 =	vld [tilespmem:s6+$0xFFFFFF70];
	v4 =	vadd.f32 v4, v5  }
0x353: {  	v13 =	vld [tilespmem:s18+$0xFFFFFFE0];
	v5 =	vand.u32 $0x7FFFFFFF, v7;
	v9 =	vsub.f32 v12, v18  }
0x354: {  	v15 =	vld [tilespmem:s6+$0xFFFFFFE0];
	v5 =	vadd.f32 v5, v6  }
0x355: {  	v12 =	vsub.f32 v19, v16;
	v7 =	vld [tilespmem:s18+$0xFFFFFFF0];
	v6 =	vand.u32 $0x7FFFFFFF, v9  }
.Ltmp4:
0x356: {  	v9 =	vld [tilespmem:s6+$0xFFFFFFF0];
	v6 =	vadd.f32 v6, v14;
	(pc) =	sbr.rel @p1 .LBB2_11-.Ltmp4, $4  }
0x357: {  	v12 =	vand.u32 $0x7FFFFFFF, v12;
	v11 =	vsub.f32 v8, v11;
	v8 =	vld [tilespmem:s18+$0x60]  }
0x358: {  	v12 =	vadd.f32 v12, v10;
	v10 =	vld [tilespmem:s6+$0x60]  }
0x359: {  	v14 =	vand.u32 $0x7FFFFFFF, v11;
	v15 =	vsub.f32 v13, v15;
	v11 =	vld [tilespmem:s18+$0x70]  }
0x35a: {  	s18 =	sadd.s32 $0x200, s18;
	v14 =	vadd.f32 v14, v17;
	v13 =	vld [tilespmem:s6+$0x70]  }
0x35b: {  	_ =	sdelay $0x1  }
0x35c: {  	v7 =	vsub.f32 v7, v9  }
0x35d: {  	v9 =	vand.u32 $0x7FFFFFFF, v15  }
0x35e: {  	v8 =	vsub.f32 v8, v10;
	v7 =	vand.u32 $0x7FFFFFFF, v7;
	v10 =	vsub.f32 v11, v13  }
0x35f: {  	v3 =	vadd.f32 v9, v3;
	v4 =	vadd.f32 v7, v4  }
0x360: {  	v11 =	vadd.f32 v14, v12;
	v7 =	vand.u32 $0x7FFFFFFF, v8;
	v8 =	vand.u32 $0x7FFFFFFF, v10  }
0x361: {  	v5 =	vadd.f32 v7, v5;
	v6 =	vadd.f32 v8, v6  }
0x362: {  	v3 =	vadd.f32 v4, v3  }
0x363: {  	(xrf2) =	vadd.scan.msk.f32 $0xffff, v11;
	v4 =	vadd.f32 v6, v5  }
0x364: {  	(xrf2) =	vadd.scan.msk.f32 $0xffff, v3  }
0x365: {  	(xrf2) =	vadd.scan.msk.f32 $0xffff, v4;
	_ =	sdelay $0x7  }
0x366: {  	v3, _, _ =	vpop (xrf2)  }
0x367: {  	v3 =	vsub.f32 $0.0e+00, v3;
	v4, _, _ =	vpop (xrf2)  }
0x368: {  	v4 =	vsub.f32 $0.0e+00, v4;
	v5, _, _ =	vpop (xrf2)  }
0x369: {  	v3 =	vmul.f32 $1.442695020e+00, v3;
	v5 =	vsub.f32 $0.0e+00, v5  }
0x36a: {  	v4 =	vmul.f32 $1.442695020e+00, v4  }
0x36b: {  	(erf) = vpow2.f32 v3;
	v3 =	vmul.f32 $1.442695020e+00, v5  }
0x36c: {  	(erf) = vpow2.f32 v4  }
0x36d: {  	(erf) = vpow2.f32 v3;
	_ =	sdelay $0x6  }
0x36e: {  	v3 =	vpop (erf)  }
0x36f: {  	s6 =	sor.u32 s5, s16;
	[tilespmem:v2+s2+$0x0] =	vst.idx.msk vm0, v3;
	v2 =	vpop (erf)  }
0x370: {  	s6 =	sshrl.u32 s6, $0x3;
	[tilespmem:v0+s2+$0x0] =	vst.idx.msk vm0, v2;
	v0 =	vpop (erf)  }
0x371: {  	s19 =	sadd.s32 $0x10200, s16;
	s6 =	sadd.s32 s3, s6;
	[tilespmem:v1+s2+$0x0] =	vst.idx.msk vm0, v0  }
0x372: {  	[hbm4b:s6+s4] =	stream.linear.scatter [tilespmem:s19], [sflag:$0x12], $0x20, $0x38;
	[tilespmem:$0x10400] =	vst v63  }
0x373: {  	s16 =	simm.s32 @p0 $0x4200;
	s6 =	simm.s32 @p0 $0x0;
	s17 =	rddreg [dreg:$0x12]  }
0x374: {  	[tilespmem:s16], [sflag:$0xD] =	stream.linear.gather @p0 [hbm4b:s17+s6], $0x1000, $0x38;
	[tilespmem:$0x10400] =	vst v63  }
0x375: {  	s6 =	simm.s32 @p0 $0x20;
	s16 =	simm.s32 @p0 $0x180;
	s17 =	simm.s32 @p0 $0xC200  }
0x376: {  	[tilespmem:s17], [sflag:$0x5] =	stream.indirect.gather @p0 [hbm4b:s1+s6], $0x80, s16, s6, $0xb8;
	[tilespmem:$0x10400] =	vst v63  }
0x377: {  	_ =	swait.ge [sflag:s24], $0x1000  }
0x378: {  	[sflag:s24] =	ssyncset.done $0x0  }
0x379: {  	[sflag:s24] =	ssyncadd.s32 $0xFFFFF000  }
0x37a: {  	_ =	swait.ge [sflag:s15], $0x1000  }
0x37b: {  	[sflag:s15] =	ssyncset.done $0x0  }
0x37c: {  	s20 =	simm.s32 $0x5300;
	[sflag:s15] =	ssyncadd.s32 $0xFFFFF000  }
0x37d: {  	s6 =	simm.s32 $0xD300;
	v0 =	vld [tilespmem:s20+$0xE0]  }
0x37e: {  	v1 =	vld [tilespmem:s6+$0xE0]  }
0x37f: {  	v2 =	vld [tilespmem:s20+$0xC0]  }
0x380: {  	v3 =	vld [tilespmem:s6+$0xC0]  }
0x381: {  	v4 =	vld [tilespmem:s20+$0xD0]  }
0x382: {  	v5 =	vld [tilespmem:s20+$0x80]  }
0x383: {  	v6 =	vld [tilespmem:s6+$0x80]  }
0x384: {  	v7 =	vld [tilespmem:s20+$0x90]  }
0x385: {  	v8 =	vld [tilespmem:s6+$0x90]  }
0x386: {  	v9 =	vld [tilespmem:s20+$0xA0]  }
0x387: {  	v10 =	vld [tilespmem:s6+$0xA0]  }
0x388: {  	v11 =	vld [tilespmem:s20+$0xB0]  }
0x389: {  	v12 =	vld [tilespmem:s6+$0xB0]  }
0x38a: {  	v13 =	vld [tilespmem:s6+$0xD0]  }
0x38b: {  	v14 =	vld [tilespmem:s20+$0xFFFFFF00]  }
0x38c: {  	v15 =	vld [tilespmem:s20+$0xF0]  }
0x38d: {  	v16 =	vld [tilespmem:s6+$0xF0]  }
0x38e: {  	v17 =	vld [tilespmem:s6+$0xFFFFFF00]  }
0x38f: {  	v18 =	vld [tilespmem:s20+$0xFFFFFF10]  }
0x390: {  	v19 =	vld [tilespmem:s6+$0xFFFFFF10]  }
0x391: {  	v20 =	vld [tilespmem:s20+$0xFFFFFF20]  }
0x392: {  	v21 =	vld [tilespmem:s6+$0xFFFFFF20]  }
0x393: {  	v22 =	vld [tilespmem:s20+$0xFFFFFF30]  }
0x394: {  	v23 =	vld [tilespmem:s6+$0xFFFFFF30]  }
0x395: {  	v56 =	vld [tilespmem:s20+$0xFFFFFF40]  }
0x396: {  	v59 =	vld [tilespmem:s6+$0xFFFFFF40]  }
0x397: {  	v60 =	vld [tilespmem:s20+$0xFFFFFFC0]  }
0x398: {  	v62 =	vld [tilespmem:s6+$0xFFFFFF70];
	v0 =	vsub.f32 v0, v1  }
0x399: {  	v1 =	vld [tilespmem:s20+$0xFFFFFF80];
	v5 =	vsub.f32 v5, v6;
	v6 =	vsub.f32 v7, v8  }
0x39a: {  	v7 =	vld [tilespmem:s6+$0xFFFFFF80];
	v8 =	vsub.f32 v9, v10;
	v9 =	vsub.f32 v11, v12  }
0x39b: {  	v10 =	vld [tilespmem:s20+$0xFFFFFF90];
	v2 =	vsub.f32 v2, v3;
	v3 =	vsub.f32 v4, v13;
	v5 =	vand.u32 $0x7FFFFFFF, v5  }
0x39c: {  	v4 =	vld [tilespmem:s6+$0xFFFFFF90];
	v6 =	vand.u32 $0x7FFFFFFF, v6;
	v8 =	vand.u32 $0x7FFFFFFF, v8;
	v9 =	vand.u32 $0x7FFFFFFF, v9  }
0x39d: {  	v11 =	vld [tilespmem:s20+$0xFFFFFFA0];
	v5 =	vadd.f32 v8, v5;
	v6 =	vadd.f32 v9, v6  }
0x39e: {  	v12 =	vld [tilespmem:s20+$0xFFFFFFB0];
	v2 =	vand.u32 $0x7FFFFFFF, v2;
	v3 =	vand.u32 $0x7FFFFFFF, v3;
	v9 =	vsub.f32 v15, v16  }
0x39f: {  	v13 =	vld [tilespmem:s20+$0x20];
	v2 =	vadd.f32 v2, v5;
	v3 =	vadd.f32 v3, v6  }
0x3a0: {  	v0 =	vand.u32 $0x7FFFFFFF, v0;
	v8 =	vld [tilespmem:s6+$0xFFFFFFA0];
	v6 =	vand.u32 $0x7FFFFFFF, v9  }
0x3a1: {  	v15 =	vld [tilespmem:s20+$0x30];
	v0 =	vadd.f32 v0, v2;
	v2 =	vadd.f32 v6, v3  }
0x3a2: {  	v16 =	vld [tilespmem:s6+$0x30]  }
0x3a3: {  	v5 =	vld [tilespmem:s6+$0xFFFFFFB0];
	v0 =	vadd.f32 v2, v0  }
0x3a4: {  	v9 =	vld [tilespmem:s20+$0x0]  }
0x3a5: {  	v1 =	vsub.f32 v1, v7;
	v7 =	vld [tilespmem:s20+$0xFFFFFF50];
	(xrf2) =	vadd.scan.msk.f32 $0xffff, v0  }
0x3a6: {  	v3 =	vld [tilespmem:s6+$0x0]  }
0x3a7: {  	v14 =	vsub.f32 v14, v17;
	v6 =	vld [tilespmem:s20+$0x10]  }
0x3a8: {  	v17 =	vsub.f32 v18, v19;
	v8 =	vsub.f32 v11, v8;
	v2 =	vld [tilespmem:s6+$0x10]  }
0x3a9: {  	s21 =	sadd.s32 $0xFFFFFFFC, s28;
	v57 =	vsub.f32 v20, v21;
	v58 =	vsub.f32 v22, v23;
	v0 =	vld [tilespmem:s6+$0x20]  }
0x3aa: {  	s18 =	sadd.s32 $0xA7, s21;
	v1 =	vand.u32 $0x7FFFFFFF, v1;
	v8 =	vand.u32 $0x7FFFFFFF, v8;
	v5 =	vsub.f32 v12, v5;
	v12 =	vld [tilespmem:s6+$0xFFFFFFD0]  }
0x3ab: {  	v61 =	vmov s18;
	v4 =	vsub.f32 v10, v4;
	v1 =	vadd.f32 v8, v1;
	v8 =	vld [tilespmem:s20+$0xFFFFFFD0]  }
0x3ac: {  	v14 =	vand.u32 $0x7FFFFFFF, v14;
	v17 =	vand.u32 $0x7FFFFFFF, v17;
	v19 =	vand.u32 $0x7FFFFFFF, v57;
	v10 =	vld [tilespmem:s6+$0xFFFFFFC0]  }
0x3ad: {  	v14 =	vadd.f32 v19, v14;
	v4 =	vand.u32 $0x7FFFFFFF, v4;
	v11 =	vld [tilespmem:s6+$0xFFFFFF50];
	v3 =	vsub.f32 v9, v3  }
0x3ae: {  	v5 =	vand.u32 $0x7FFFFFFF, v5;
	v2 =	vsub.f32 v6, v2;
	v6 =	vld [tilespmem:s20+$0x40];
	v0 =	vsub.f32 v13, v0  }
0x3af: {  	v4 =	vadd.f32 v5, v4;
	v3 =	vand.u32 $0x7FFFFFFF, v3;
	v13 =	vsub.f32 v15, v16;
	v15 =	vld [tilespmem:s6+$0x40];
	v9, _, _ =	vpop (xrf2)  }
0x3b0: {  	v8 =	vsub.f32 v8, v12;
	v12 =	vld [tilespmem:s20+$0xFFFFFF70];
	v0 =	vand.u32 $0x7FFFFFFF, v0;
	v9 =	vsub.f32 $0.0e+00, v9  }
0x3b1: {  	v63 =	vld [tilespmem:s20+$0xFFFFFFE0];
	v2 =	vand.u32 $0x7FFFFFFF, v2;
	v13 =	vand.u32 $0x7FFFFFFF, v13;
	v0 =	vadd.f32 v0, v3  }
0x3b2: {  	v16 =	vld [tilespmem:s6+$0x50];
	v3 =	vsub.f32 v56, v59;
	v13 =	vadd.f32 v13, v2;
	v5 =	vmul.f32 $1.442695020e+00, v9  }
0x3b3: {  	v20 =	vand.u32 $0x7FFFFFFF, v58;
	v2 =	vsub.f32 v7, v11;
	v7 =	vsub.f32 v60, v10;
	v10 =	vld [tilespmem:s6+$0xFFFFFF60]  }
0x3b4: {  	v17 =	vadd.f32 v20, v17;
	v3 =	vand.u32 $0x7FFFFFFF, v3;
	v9 =	vld [tilespmem:s20+$0x50];
	(erf) = vpow2.f32 v5  }
0x3b5: {  	v2 =	vand.u32 $0x7FFFFFFF, v2;
	v6 =	vsub.f32 v6, v15;
	v19 =	vsub.f32 v12, v62;
	v5 =	vld [tilespmem:s20+$0xFFFFFF60]  }
0x3b6: {  	s22 =	sadd.s32 $0xA4, s21;
	v15 =	vld [tilespmem:s6+$0xFFFFFFE0];
	v11 =	vadd.f32 v3, v14;
	v17 =	vadd.f32 v2, v17;
	v2 =	vand.u32 $0x7FFFFFFF, v7  }
0x3b7: {  	s19 =	sadd.s32 $0xA5, s21;
	s17 =	sadd.s32 $0xA6, s21;
	v14 =	vmov s22;
	v3 =	vadd.f32 v2, v1;
	v1 =	vand.u32 $0x7FFFFFFF, v8  }
0x3b8: {  	v7 =	vmov s19;
	v2 =	vmov s17;
	v4 =	vadd.f32 v1, v4  }
0x3b9: {  	v1 =	vand.u32 $0xFFFFFFFC, v14;
	v14 =	vand.u32 $0xFFFFFFFD, v7;
	v7 =	vld [tilespmem:s20+$0xFFFFFFF0];
	v8 =	vsub.f32 v9, v16  }
0x3ba: {  	v16 =	vand.u32 $0xFFFFFFFE, v2;
	v2 =	vbroadcast v1, $0x0;
	v9 =	vld [tilespmem:s6+$0xFFFFFFF0];
	v1 =	vsub.f32 v5, v10  }
0x3bb: {  	v15 =	vsub.f32 v63, v15;
	v5 =	vand.u32 $0x7FFFFFFF, v6;
	v6 =	vand.u32 $0x7FFFFFFF, v8;
	v8 =	vld [tilespmem:s20+$0x60]  }
0x3bc: {  	v10 =	vld [tilespmem:s6+$0x60];
	v5 =	vadd.f32 v5, v0;
	v6 =	vadd.f32 v6, v13;
	v1 =	vand.u32 $0x7FFFFFFF, v1  }
0x3bd: {  	v0 =	vbroadcast v14, $0x0;
	v14 =	vand.u32 $0x7FFFFFFF, v19;
	v12 =	vadd.f32 v1, v11;
	v11 =	vld [tilespmem:s20+$0x70];
	v13 =	vpop (erf)  }
0x3be: {  	s18 =	simm.s32 $0x5500;
	s16 =	sor.u32 $0xA0, s28;
	s17 =	simm.s32 $0x0;
	v14 =	vadd.f32 v14, v17;
	v1 =	vbroadcast v16, $0x0;
	[tilespmem:v61+s2+$0x0] =	vst.idx.msk vm0, v13;
	v13 =	vld [tilespmem:s6+$0x70]  }
.LBB2_13:
0x3bf: {  	v16 =	vld [tilespmem:s18+$0xE0];
	v15 =	vand.u32 $0x7FFFFFFF, v15;
	v7 =	vsub.f32 v7, v9;
	s6 =	sadd.s32 $0x200, s6;
	s19 =	smov.u32 s17  }
0x3c0: {  	v9 =	vld [tilespmem:s6+$0xE0];
	v12 =	vadd.f32 v14, v12;
	v3 =	vadd.f32 v15, v3  }
0x3c1: {  	v14 =	vld [tilespmem:s18+$0xC0];
	v7 =	vand.u32 $0x7FFFFFFF, v7;
	v8 =	vsub.f32 v8, v10  }
0x3c2: {  	v10 =	vld [tilespmem:s6+$0xC0];
	v4 =	vadd.f32 v7, v4;
	(xrf2) =	vadd.scan.msk.f32 $0xffff, v12  }
0x3c3: {  	v7 =	vld [tilespmem:s18+$0xD0];
	v8 =	vand.u32 $0x7FFFFFFF, v8;
	v11 =	vsub.f32 v11, v13  }
0x3c4: {  	v12 =	vld [tilespmem:s18+$0x80];
	v3 =	vadd.f32 v4, v3;
	v4 =	vadd.f32 v8, v5  }
0x3c5: {  	v5 =	vld [tilespmem:s6+$0x80];
	v8 =	vand.u32 $0x7FFFFFFF, v11  }
0x3c6: {  	v11 =	vld [tilespmem:s18+$0x90];
	v6 =	vadd.f32 v8, v6;
	(xrf2) =	vadd.scan.msk.f32 $0xffff, v3  }
0x3c7: {  	v3 =	vld [tilespmem:s6+$0x90]  }
0x3c8: {  	v8 =	vld [tilespmem:s18+$0xA0];
	v4 =	vadd.f32 v6, v4  }
0x3c9: {  	v6 =	vld [tilespmem:s6+$0xA0]  }
0x3ca: {  	v13 =	vld [tilespmem:s18+$0xB0];
	(xrf2) =	vadd.scan.msk.f32 $0xffff, v4  }
0x3cb: {  	s17 =	sadd.s32 $0x4, s17;
	v4 =	vld [tilespmem:s6+$0xB0]  }
0x3cc: {  	p1 =	slt.u32 s17, $0x1C;
	v15 =	vld [tilespmem:s6+$0xD0];
	v17, _, _ =	vpop (xrf2)  }
0x3cd: {  	v18 =	vld [tilespmem:s18+$0xFFFFFF00];
	v17 =	vsub.f32 $0.0e+00, v17  }
0x3ce: {  	v9 =	vsub.f32 v16, v9;
	v16 =	vld [tilespmem:s18+$0xF0]  }
0x3cf: {  	v5 =	vsub.f32 v12, v5;
	v3 =	vsub.f32 v11, v3;
	v11 =	vld [tilespmem:s6+$0xF0];
	v12 =	vmul.f32 $1.442695020e+00, v17  }
0x3d0: {  	v6 =	vsub.f32 v8, v6;
	v17 =	vld [tilespmem:s6+$0xFFFFFF00];
	v4 =	vsub.f32 v13, v4;
	v8, _, _ =	vpop (xrf2)  }
0x3d1: {  	v10 =	vsub.f32 v14, v10;
	v5 =	vand.u32 $0x7FFFFFFF, v5;
	v13 =	vld [tilespmem:s18+$0xFFFFFF10];
	v7 =	vsub.f32 v7, v15  }
0x3d2: {  	v3 =	vand.u32 $0x7FFFFFFF, v3;
	v6 =	vand.u32 $0x7FFFFFFF, v6;
	v14 =	vld [tilespmem:s6+$0xFFFFFF10];
	v4 =	vand.u32 $0x7FFFFFFF, v4  }
0x3d3: {  	v5 =	vadd.f32 v6, v5;
	v15 =	vld [tilespmem:s18+$0xFFFFFF20];
	v3 =	vadd.f32 v4, v3;
	(erf) = vpow2.f32 v12  }
0x3d4: {  	v6 =	vand.u32 $0x7FFFFFFF, v10;
	v7 =	vand.u32 $0x7FFFFFFF, v7;
	v4 =	vld [tilespmem:s6+$0xFFFFFF20];
	v10 =	vsub.f32 v16, v11;
	v11, _, _ =	vpop (xrf2)  }
0x3d5: {  	v5 =	vadd.f32 v6, v5;
	v12 =	vld [tilespmem:s18+$0xFFFFFF30];
	v3 =	vadd.f32 v7, v3  }
0x3d6: {  	v9 =	vand.u32 $0x7FFFFFFF, v9;
	v6 =	vsub.f32 v18, v17;
	v7 =	vld [tilespmem:s6+$0xFFFFFF30];
	v10 =	vand.u32 $0x7FFFFFFF, v10  }
0x3d7: {  	v5 =	vadd.f32 v9, v5;
	v16 =	vld [tilespmem:s18+$0xFFFFFF80];
	v3 =	vadd.f32 v10, v3  }
0x3d8: {  	v8 =	vsub.f32 $0.0e+00, v8;
	v6 =	vand.u32 $0x7FFFFFFF, v6;
	v9 =	vsub.f32 v13, v14;
	v10 =	vld [tilespmem:s6+$0xFFFFFF80]  }
0x3d9: {  	v4 =	vsub.f32 v15, v4;
	v13 =	vld [tilespmem:s18+$0xFFFFFF90];
	v3 =	vadd.f32 v3, v5  }
0x3da: {  	v8 =	vmul.f32 $1.442695020e+00, v8;
	v14 =	vsub.f32 $0.0e+00, v11;
	v5 =	vand.u32 $0x7FFFFFFF, v9;
	v9 =	vld [tilespmem:s6+$0xFFFFFF90]  }
0x3db: {  	v4 =	vand.u32 $0x7FFFFFFF, v4;
	v7 =	vsub.f32 v12, v7;
	v12 =	vld [tilespmem:s18+$0xFFFFFFA0];
	(xrf2) =	vadd.scan.msk.f32 $0xffff, v3  }
0x3dc: {  	v3 =	vadd.f32 v4, v6;
	v4 =	vld [tilespmem:s6+$0xFFFFFFA0];
	v6 =	vmul.f32 $1.442695020e+00, v14;
	v11 =	vpop (erf)  }
0x3dd: {  	v7 =	vand.u32 $0x7FFFFFFF, v7;
	v10 =	vsub.f32 v16, v10;
	v14 =	vld [tilespmem:s18+$0xFFFFFFB0];
	[tilespmem:v2+s2+$0x0] =	vst.idx.msk vm0, v11;
	(erf) = vpow2.f32 v8  }
0x3de: {  	v2 =	vadd.f32 v7, v5;
	v5 =	vld [tilespmem:s6+$0xFFFFFFB0];
	(erf) = vpow2.f32 v6  }
0x3df: {  	v6 =	vand.u32 $0x7FFFFFFF, v10;
	v7 =	vsub.f32 v13, v9;
	v8 =	vld [tilespmem:s18+$0x0]  }
0x3e0: {  	v9 =	vld [tilespmem:s6+$0x0]  }
0x3e1: {  	v7 =	vand.u32 $0x7FFFFFFF, v7;
	v4 =	vsub.f32 v12, v4;
	v10 =	vld [tilespmem:s18+$0x10]  }
0x3e2: {  	v11 =	vld [tilespmem:s6+$0x10]  }
0x3e3: {  	v4 =	vand.u32 $0x7FFFFFFF, v4;
	v5 =	vsub.f32 v14, v5;
	v12 =	vld [tilespmem:s18+$0x20]  }
0x3e4: {  	v4 =	vadd.f32 v4, v6;
	v6 =	vld [tilespmem:s6+$0x20]  }
0x3e5: {  	v5 =	vand.u32 $0x7FFFFFFF, v5;
	v8 =	vsub.f32 v8, v9;
	v9 =	vld [tilespmem:s18+$0x30];
	v13, _, _ =	vpop (xrf2)  }
0x3e6: {  	v5 =	vadd.f32 v5, v7;
	v7 =	vld [tilespmem:s6+$0x30];
	v13 =	vsub.f32 $0.0e+00, v13;
	v14 =	vpop (erf)  }
0x3e7: {  	v15 =	vld [tilespmem:s18+$0xFFFFFF40];
	v8 =	vand.u32 $0x7FFFFFFF, v8;
	v10 =	vsub.f32 v10, v11;
	[tilespmem:v0+s2+$0x0] =	vst.idx.msk vm0, v14;
	v0 =	vpop (erf)  }
0x3e8: {  	v11 =	vld [tilespmem:s6+$0xFFFFFF40];
	v13 =	vmul.f32 $1.442695020e+00, v13;
	[tilespmem:v1+s2+$0x0] =	vst.idx.msk vm0, v0  }
0x3e9: {  	v0 =	vld [tilespmem:s18+$0xFFFFFF50];
	v1 =	vand.u32 $0x7FFFFFFF, v10;
	v6 =	vsub.f32 v12, v6  }
0x3ea: {  	v10 =	vld [tilespmem:s6+$0xFFFFFF50];
	(erf) = vpow2.f32 v13  }
0x3eb: {  	v12 =	vld [tilespmem:s18+$0xFFFFFFC0];
	v6 =	vand.u32 $0x7FFFFFFF, v6;
	v7 =	vsub.f32 v9, v7  }
0x3ec: {  	v9 =	vld [tilespmem:s6+$0xFFFFFFC0];
	v6 =	vadd.f32 v6, v8  }
0x3ed: {  	s19 =	sadd.s32 s19, s28;
	v8 =	vsub.f32 v15, v11;
	v11 =	vld [tilespmem:s18+$0xFFFFFFD0];
	v7 =	vand.u32 $0x7FFFFFFF, v7  }
0x3ee: {  	s20 =	sadd.s32 $0xA4, s19;
	s21 =	sadd.s32 $0xA5, s19;
	s22 =	sadd.s32 $0xA7, s19;
	v13 =	vld [tilespmem:s6+$0xFFFFFFD0];
	v14 =	vadd.f32 v7, v1  }
0x3ef: {  	s19 =	sadd.s32 $0xA6, s19;
	v1 =	vand.u32 $0x7FFFFFFF, v8;
	v0 =	vsub.f32 v0, v10;
	v7 =	vld [tilespmem:s18+$0x40];
	v8 =	vmov s22  }
0x3f0: {  	v10 =	vadd.f32 v1, v3;
	v1 =	vmov s20;
	v3 =	vmov s21;
	v15 =	vld [tilespmem:s6+$0x40]  }
0x3f1: {  	v16 =	vmov s19;
	v0 =	vand.u32 $0x7FFFFFFF, v0;
	v9 =	vsub.f32 v12, v9;
	v12 =	vld [tilespmem:s18+$0x50]  }
0x3f2: {  	v17 =	vadd.f32 v0, v2;
	v0 =	vand.u32 $0xFFFFFFFC, v1;
	v1 =	vand.u32 $0xFFFFFFFD, v3;
	v18 =	vld [tilespmem:s6+$0x50]  }
0x3f3: {  	v19 =	vld [tilespmem:s18+$0xFFFFFF60];
	v3 =	vand.u32 $0x7FFFFFFF, v9;
	v9 =	vsub.f32 v11, v13;
	v11 =	vand.u32 $0xFFFFFFFE, v16;
	v13 =	vpop (erf)  }
0x3f4: {  	v2 =	vbroadcast v0, $0x0;
	v0 =	vbroadcast v1, $0x0;
	v16 =	vld [tilespmem:s6+$0xFFFFFF60];
	v3 =	vadd.f32 v3, v4;
	[tilespmem:v8+s2+$0x0] =	vst.idx.msk vm0, v13  }
0x3f5: {  	v1 =	vbroadcast v11, $0x0;
	v8 =	vld [tilespmem:s18+$0xFFFFFF70];
	v4 =	vand.u32 $0x7FFFFFFF, v9;
	v7 =	vsub.f32 v7, v15  }
0x3f6: {  	v11 =	vld [tilespmem:s6+$0xFFFFFF70];
	v4 =	vadd.f32 v4, v5  }
0x3f7: {  	v13 =	vld [tilespmem:s18+$0xFFFFFFE0];
	v5 =	vand.u32 $0x7FFFFFFF, v7;
	v9 =	vsub.f32 v12, v18  }
0x3f8: {  	v15 =	vld [tilespmem:s6+$0xFFFFFFE0];
	v5 =	vadd.f32 v5, v6  }
0x3f9: {  	v12 =	vsub.f32 v19, v16;
	v7 =	vld [tilespmem:s18+$0xFFFFFFF0];
	v6 =	vand.u32 $0x7FFFFFFF, v9  }
.Ltmp5:
0x3fa: {  	v9 =	vld [tilespmem:s6+$0xFFFFFFF0];
	v6 =	vadd.f32 v6, v14;
	(pc) =	sbr.rel @p1 .LBB2_13-.Ltmp5, $4  }
0x3fb: {  	v12 =	vand.u32 $0x7FFFFFFF, v12;
	v11 =	vsub.f32 v8, v11;
	v8 =	vld [tilespmem:s18+$0x60]  }
0x3fc: {  	v12 =	vadd.f32 v12, v10;
	v10 =	vld [tilespmem:s6+$0x60]  }
0x3fd: {  	v14 =	vand.u32 $0x7FFFFFFF, v11;
	v15 =	vsub.f32 v13, v15;
	v11 =	vld [tilespmem:s18+$0x70]  }
0x3fe: {  	s18 =	sadd.s32 $0x200, s18;
	v14 =	vadd.f32 v14, v17;
	v13 =	vld [tilespmem:s6+$0x70]  }
0x3ff: {  	_ =	sdelay $0x1  }
0x400: {  	v7 =	vsub.f32 v7, v9  }
0x401: {  	v9 =	vand.u32 $0x7FFFFFFF, v15  }
0x402: {  	v8 =	vsub.f32 v8, v10;
	v7 =	vand.u32 $0x7FFFFFFF, v7;
	v10 =	vsub.f32 v11, v13  }
0x403: {  	v3 =	vadd.f32 v9, v3;
	v4 =	vadd.f32 v7, v4  }
0x404: {  	v11 =	vadd.f32 v14, v12;
	v7 =	vand.u32 $0x7FFFFFFF, v8;
	v8 =	vand.u32 $0x7FFFFFFF, v10  }
0x405: {  	v5 =	vadd.f32 v7, v5;
	v6 =	vadd.f32 v8, v6  }
0x406: {  	v3 =	vadd.f32 v4, v3  }
0x407: {  	(xrf2) =	vadd.scan.msk.f32 $0xffff, v11;
	v4 =	vadd.f32 v6, v5  }
0x408: {  	(xrf2) =	vadd.scan.msk.f32 $0xffff, v3  }
0x409: {  	(xrf2) =	vadd.scan.msk.f32 $0xffff, v4;
	_ =	sdelay $0x7  }
0x40a: {  	v3, _, _ =	vpop (xrf2)  }
0x40b: {  	v3 =	vsub.f32 $0.0e+00, v3;
	v4, _, _ =	vpop (xrf2)  }
0x40c: {  	v4 =	vsub.f32 $0.0e+00, v4;
	v5, _, _ =	vpop (xrf2)  }
0x40d: {  	v3 =	vmul.f32 $1.442695020e+00, v3;
	v5 =	vsub.f32 $0.0e+00, v5  }
0x40e: {  	v4 =	vmul.f32 $1.442695020e+00, v4  }
0x40f: {  	(erf) = vpow2.f32 v3;
	v3 =	vmul.f32 $1.442695020e+00, v5  }
0x410: {  	(erf) = vpow2.f32 v4  }
0x411: {  	(erf) = vpow2.f32 v3;
	_ =	sdelay $0x6  }
0x412: {  	v3 =	vpop (erf)  }
0x413: {  	s6 =	sor.u32 s5, s16;
	[tilespmem:v2+s2+$0x0] =	vst.idx.msk vm0, v3;
	v2 =	vpop (erf)  }
0x414: {  	s6 =	sshrl.u32 s6, $0x3;
	[tilespmem:v0+s2+$0x0] =	vst.idx.msk vm0, v2;
	v0 =	vpop (erf)  }
0x415: {  	s19 =	sadd.s32 $0x10200, s16;
	s6 =	sadd.s32 s3, s6;
	[tilespmem:v1+s2+$0x0] =	vst.idx.msk vm0, v0  }
0x416: {  	[hbm4b:s6+s4] =	stream.linear.scatter [tilespmem:s19], [sflag:$0x12], $0x20, $0x38;
	[tilespmem:$0x10400] =	vst v63  }
0x417: {  	s16 =	simm.s32 @p0 $0x5200;
	s6 =	simm.s32 @p0 $0x0;
	s17 =	rddreg [dreg:$0x13]  }
0x418: {  	[tilespmem:s16], [sflag:$0xE] =	stream.linear.gather @p0 [hbm4b:s17+s6], $0x1000, $0x38;
	[tilespmem:$0x10400] =	vst v63  }
0x419: {  	s6 =	simm.s32 @p0 $0x20;
	s16 =	simm.s32 @p0 $0x1A0;
	s17 =	simm.s32 @p0 $0xD200  }
0x41a: {  	[tilespmem:s17], [sflag:$0x6] =	stream.indirect.gather @p0 [hbm4b:s1+s6], $0x80, s16, s6, $0xb8;
	[tilespmem:$0x10400] =	vst v63  }
0x41b: {  	_ =	swait.ge [sflag:s7], $0x1000  }
0x41c: {  	[sflag:s7] =	ssyncset.done $0x0  }
0x41d: {  	[sflag:s7] =	ssyncadd.s32 $0xFFFFF000  }
0x41e: {  	_ =	swait.ge [sflag:s26], $0x1000  }
0x41f: {  	[sflag:s26] =	ssyncset.done $0x0  }
0x420: {  	s20 =	simm.s32 $0x6300;
	[sflag:s26] =	ssyncadd.s32 $0xFFFFF000  }
0x421: {  	s6 =	simm.s32 $0xE300;
	v0 =	vld [tilespmem:s20+$0xE0]  }
0x422: {  	v1 =	vld [tilespmem:s6+$0xE0]  }
0x423: {  	v2 =	vld [tilespmem:s20+$0xC0]  }
0x424: {  	v3 =	vld [tilespmem:s6+$0xC0]  }
0x425: {  	v4 =	vld [tilespmem:s20+$0xD0]  }
0x426: {  	v5 =	vld [tilespmem:s20+$0x80]  }
0x427: {  	v6 =	vld [tilespmem:s6+$0x80]  }
0x428: {  	v7 =	vld [tilespmem:s20+$0x90]  }
0x429: {  	v8 =	vld [tilespmem:s6+$0x90]  }
0x42a: {  	v9 =	vld [tilespmem:s20+$0xA0]  }
0x42b: {  	v10 =	vld [tilespmem:s6+$0xA0]  }
0x42c: {  	v11 =	vld [tilespmem:s20+$0xB0]  }
0x42d: {  	v12 =	vld [tilespmem:s6+$0xB0]  }
0x42e: {  	v13 =	vld [tilespmem:s6+$0xD0]  }
0x42f: {  	v14 =	vld [tilespmem:s20+$0xFFFFFF00]  }
0x430: {  	v15 =	vld [tilespmem:s20+$0xF0]  }
0x431: {  	v16 =	vld [tilespmem:s6+$0xF0]  }
0x432: {  	v17 =	vld [tilespmem:s6+$0xFFFFFF00]  }
0x433: {  	v18 =	vld [tilespmem:s20+$0xFFFFFF10]  }
0x434: {  	v19 =	vld [tilespmem:s6+$0xFFFFFF10]  }
0x435: {  	v20 =	vld [tilespmem:s20+$0xFFFFFF20]  }
0x436: {  	v21 =	vld [tilespmem:s6+$0xFFFFFF20]  }
0x437: {  	v22 =	vld [tilespmem:s20+$0xFFFFFF30]  }
0x438: {  	v23 =	vld [tilespmem:s6+$0xFFFFFF30]  }
0x439: {  	v56 =	vld [tilespmem:s20+$0xFFFFFF40]  }
0x43a: {  	v59 =	vld [tilespmem:s6+$0xFFFFFF40]  }
0x43b: {  	v60 =	vld [tilespmem:s20+$0xFFFFFFC0]  }
0x43c: {  	v62 =	vld [tilespmem:s6+$0xFFFFFF70];
	v0 =	vsub.f32 v0, v1  }
0x43d: {  	v1 =	vld [tilespmem:s20+$0xFFFFFF80];
	v5 =	vsub.f32 v5, v6;
	v6 =	vsub.f32 v7, v8  }
0x43e: {  	v7 =	vld [tilespmem:s6+$0xFFFFFF80];
	v8 =	vsub.f32 v9, v10;
	v9 =	vsub.f32 v11, v12  }
0x43f: {  	v10 =	vld [tilespmem:s20+$0xFFFFFF90];
	v2 =	vsub.f32 v2, v3;
	v3 =	vsub.f32 v4, v13;
	v5 =	vand.u32 $0x7FFFFFFF, v5  }
0x440: {  	v4 =	vld [tilespmem:s6+$0xFFFFFF90];
	v6 =	vand.u32 $0x7FFFFFFF, v6;
	v8 =	vand.u32 $0x7FFFFFFF, v8;
	v9 =	vand.u32 $0x7FFFFFFF, v9  }
0x441: {  	v11 =	vld [tilespmem:s20+$0xFFFFFFA0];
	v5 =	vadd.f32 v8, v5;
	v6 =	vadd.f32 v9, v6  }
0x442: {  	v12 =	vld [tilespmem:s20+$0xFFFFFFB0];
	v2 =	vand.u32 $0x7FFFFFFF, v2;
	v3 =	vand.u32 $0x7FFFFFFF, v3;
	v9 =	vsub.f32 v15, v16  }
0x443: {  	v13 =	vld [tilespmem:s20+$0x20];
	v2 =	vadd.f32 v2, v5;
	v3 =	vadd.f32 v3, v6  }
0x444: {  	v0 =	vand.u32 $0x7FFFFFFF, v0;
	v8 =	vld [tilespmem:s6+$0xFFFFFFA0];
	v6 =	vand.u32 $0x7FFFFFFF, v9  }
0x445: {  	v15 =	vld [tilespmem:s20+$0x30];
	v0 =	vadd.f32 v0, v2;
	v2 =	vadd.f32 v6, v3  }
0x446: {  	v16 =	vld [tilespmem:s6+$0x30]  }
0x447: {  	v5 =	vld [tilespmem:s6+$0xFFFFFFB0];
	v0 =	vadd.f32 v2, v0  }
0x448: {  	v9 =	vld [tilespmem:s20+$0x0]  }
0x449: {  	v1 =	vsub.f32 v1, v7;
	v7 =	vld [tilespmem:s20+$0xFFFFFF50];
	(xrf2) =	vadd.scan.msk.f32 $0xffff, v0  }
0x44a: {  	v3 =	vld [tilespmem:s6+$0x0]  }
0x44b: {  	v14 =	vsub.f32 v14, v17;
	v6 =	vld [tilespmem:s20+$0x10]  }
0x44c: {  	v17 =	vsub.f32 v18, v19;
	v8 =	vsub.f32 v11, v8;
	v2 =	vld [tilespmem:s6+$0x10]  }
0x44d: {  	s21 =	sadd.s32 $0xFFFFFFFC, s28;
	v57 =	vsub.f32 v20, v21;
	v58 =	vsub.f32 v22, v23;
	v0 =	vld [tilespmem:s6+$0x20]  }
0x44e: {  	s18 =	sadd.s32 $0xC7, s21;
	v1 =	vand.u32 $0x7FFFFFFF, v1;
	v8 =	vand.u32 $0x7FFFFFFF, v8;
	v5 =	vsub.f32 v12, v5;
	v12 =	vld [tilespmem:s6+$0xFFFFFFD0]  }
0x44f: {  	v61 =	vmov s18;
	v4 =	vsub.f32 v10, v4;
	v1 =	vadd.f32 v8, v1;
	v8 =	vld [tilespmem:s20+$0xFFFFFFD0]  }
0x450: {  	v14 =	vand.u32 $0x7FFFFFFF, v14;
	v17 =	vand.u32 $0x7FFFFFFF, v17;
	v19 =	vand.u32 $0x7FFFFFFF, v57;
	v10 =	vld [tilespmem:s6+$0xFFFFFFC0]  }
0x451: {  	v14 =	vadd.f32 v19, v14;
	v4 =	vand.u32 $0x7FFFFFFF, v4;
	v11 =	vld [tilespmem:s6+$0xFFFFFF50];
	v3 =	vsub.f32 v9, v3  }
0x452: {  	v5 =	vand.u32 $0x7FFFFFFF, v5;
	v2 =	vsub.f32 v6, v2;
	v6 =	vld [tilespmem:s20+$0x40];
	v0 =	vsub.f32 v13, v0  }
0x453: {  	v4 =	vadd.f32 v5, v4;
	v3 =	vand.u32 $0x7FFFFFFF, v3;
	v13 =	vsub.f32 v15, v16;
	v15 =	vld [tilespmem:s6+$0x40];
	v9, _, _ =	vpop (xrf2)  }
0x454: {  	v8 =	vsub.f32 v8, v12;
	v12 =	vld [tilespmem:s20+$0xFFFFFF70];
	v0 =	vand.u32 $0x7FFFFFFF, v0;
	v9 =	vsub.f32 $0.0e+00, v9  }
0x455: {  	v63 =	vld [tilespmem:s20+$0xFFFFFFE0];
	v2 =	vand.u32 $0x7FFFFFFF, v2;
	v13 =	vand.u32 $0x7FFFFFFF, v13;
	v0 =	vadd.f32 v0, v3  }
0x456: {  	v16 =	vld [tilespmem:s6+$0x50];
	v3 =	vsub.f32 v56, v59;
	v13 =	vadd.f32 v13, v2;
	v5 =	vmul.f32 $1.442695020e+00, v9  }
0x457: {  	v20 =	vand.u32 $0x7FFFFFFF, v58;
	v2 =	vsub.f32 v7, v11;
	v7 =	vsub.f32 v60, v10;
	v10 =	vld [tilespmem:s6+$0xFFFFFF60]  }
0x458: {  	v17 =	vadd.f32 v20, v17;
	v3 =	vand.u32 $0x7FFFFFFF, v3;
	v9 =	vld [tilespmem:s20+$0x50];
	(erf) = vpow2.f32 v5  }
0x459: {  	v2 =	vand.u32 $0x7FFFFFFF, v2;
	v6 =	vsub.f32 v6, v15;
	v19 =	vsub.f32 v12, v62;
	v5 =	vld [tilespmem:s20+$0xFFFFFF60]  }
0x45a: {  	s22 =	sadd.s32 $0xC4, s21;
	v15 =	vld [tilespmem:s6+$0xFFFFFFE0];
	v11 =	vadd.f32 v3, v14;
	v17 =	vadd.f32 v2, v17;
	v2 =	vand.u32 $0x7FFFFFFF, v7  }
0x45b: {  	s19 =	sadd.s32 $0xC5, s21;
	s17 =	sadd.s32 $0xC6, s21;
	v14 =	vmov s22;
	v3 =	vadd.f32 v2, v1;
	v1 =	vand.u32 $0x7FFFFFFF, v8  }
0x45c: {  	v7 =	vmov s19;
	v2 =	vmov s17;
	v4 =	vadd.f32 v1, v4  }
0x45d: {  	v1 =	vand.u32 $0xFFFFFFFC, v14;
	v14 =	vand.u32 $0xFFFFFFFD, v7;
	v7 =	vld [tilespmem:s20+$0xFFFFFFF0];
	v8 =	vsub.f32 v9, v16  }
0x45e: {  	v16 =	vand.u32 $0xFFFFFFFE, v2;
	v2 =	vbroadcast v1, $0x0;
	v9 =	vld [tilespmem:s6+$0xFFFFFFF0];
	v1 =	vsub.f32 v5, v10  }
0x45f: {  	v15 =	vsub.f32 v63, v15;
	v5 =	vand.u32 $0x7FFFFFFF, v6;
	v6 =	vand.u32 $0x7FFFFFFF, v8;
	v8 =	vld [tilespmem:s20+$0x60]  }
0x460: {  	v10 =	vld [tilespmem:s6+$0x60];
	v5 =	vadd.f32 v5, v0;
	v6 =	vadd.f32 v6, v13;
	v1 =	vand.u32 $0x7FFFFFFF, v1  }
0x461: {  	v0 =	vbroadcast v14, $0x0;
	v14 =	vand.u32 $0x7FFFFFFF, v19;
	v12 =	vadd.f32 v1, v11;
	v11 =	vld [tilespmem:s20+$0x70];
	v13 =	vpop (erf)  }
0x462: {  	s18 =	simm.s32 $0x6500;
	s16 =	sor.u32 $0xC0, s28;
	s17 =	simm.s32 $0x0;
	v14 =	vadd.f32 v14, v17;
	v1 =	vbroadcast v16, $0x0;
	[tilespmem:v61+s2+$0x0] =	vst.idx.msk vm0, v13;
	v13 =	vld [tilespmem:s6+$0x70]  }
.LBB2_15:
0x463: {  	v16 =	vld [tilespmem:s18+$0xE0];
	v15 =	vand.u32 $0x7FFFFFFF, v15;
	v7 =	vsub.f32 v7, v9;
	s6 =	sadd.s32 $0x200, s6;
	s19 =	smov.u32 s17  }
0x464: {  	v9 =	vld [tilespmem:s6+$0xE0];
	v12 =	vadd.f32 v14, v12;
	v3 =	vadd.f32 v15, v3  }
0x465: {  	v14 =	vld [tilespmem:s18+$0xC0];
	v7 =	vand.u32 $0x7FFFFFFF, v7;
	v8 =	vsub.f32 v8, v10  }
0x466: {  	v10 =	vld [tilespmem:s6+$0xC0];
	v4 =	vadd.f32 v7, v4;
	(xrf2) =	vadd.scan.msk.f32 $0xffff, v12  }
0x467: {  	v7 =	vld [tilespmem:s18+$0xD0];
	v8 =	vand.u32 $0x7FFFFFFF, v8;
	v11 =	vsub.f32 v11, v13  }
0x468: {  	v12 =	vld [tilespmem:s18+$0x80];
	v3 =	vadd.f32 v4, v3;
	v4 =	vadd.f32 v8, v5  }
0x469: {  	v5 =	vld [tilespmem:s6+$0x80];
	v8 =	vand.u32 $0x7FFFFFFF, v11  }
0x46a: {  	v11 =	vld [tilespmem:s18+$0x90];
	v6 =	vadd.f32 v8, v6;
	(xrf2) =	vadd.scan.msk.f32 $0xffff, v3  }
0x46b: {  	v3 =	vld [tilespmem:s6+$0x90]  }
0x46c: {  	v8 =	vld [tilespmem:s18+$0xA0];
	v4 =	vadd.f32 v6, v4  }
0x46d: {  	v6 =	vld [tilespmem:s6+$0xA0]  }
0x46e: {  	v13 =	vld [tilespmem:s18+$0xB0];
	(xrf2) =	vadd.scan.msk.f32 $0xffff, v4  }
0x46f: {  	s17 =	sadd.s32 $0x4, s17;
	v4 =	vld [tilespmem:s6+$0xB0]  }
0x470: {  	p1 =	slt.u32 s17, $0x1C;
	v15 =	vld [tilespmem:s6+$0xD0];
	v17, _, _ =	vpop (xrf2)  }
0x471: {  	v18 =	vld [tilespmem:s18+$0xFFFFFF00];
	v17 =	vsub.f32 $0.0e+00, v17  }
0x472: {  	v9 =	vsub.f32 v16, v9;
	v16 =	vld [tilespmem:s18+$0xF0]  }
0x473: {  	v5 =	vsub.f32 v12, v5;
	v3 =	vsub.f32 v11, v3;
	v11 =	vld [tilespmem:s6+$0xF0];
	v12 =	vmul.f32 $1.442695020e+00, v17  }
0x474: {  	v6 =	vsub.f32 v8, v6;
	v17 =	vld [tilespmem:s6+$0xFFFFFF00];
	v4 =	vsub.f32 v13, v4;
	v8, _, _ =	vpop (xrf2)  }
0x475: {  	v10 =	vsub.f32 v14, v10;
	v5 =	vand.u32 $0x7FFFFFFF, v5;
	v13 =	vld [tilespmem:s18+$0xFFFFFF10];
	v7 =	vsub.f32 v7, v15  }
0x476: {  	v3 =	vand.u32 $0x7FFFFFFF, v3;
	v6 =	vand.u32 $0x7FFFFFFF, v6;
	v14 =	vld [tilespmem:s6+$0xFFFFFF10];
	v4 =	vand.u32 $0x7FFFFFFF, v4  }
0x477: {  	v5 =	vadd.f32 v6, v5;
	v15 =	vld [tilespmem:s18+$0xFFFFFF20];
	v3 =	vadd.f32 v4, v3;
	(erf) = vpow2.f32 v12  }
0x478: {  	v6 =	vand.u32 $0x7FFFFFFF, v10;
	v7 =	vand.u32 $0x7FFFFFFF, v7;
	v4 =	vld [tilespmem:s6+$0xFFFFFF20];
	v10 =	vsub.f32 v16, v11;
	v11, _, _ =	vpop (xrf2)  }
0x479: {  	v5 =	vadd.f32 v6, v5;
	v12 =	vld [tilespmem:s18+$0xFFFFFF30];
	v3 =	vadd.f32 v7, v3  }
0x47a: {  	v9 =	vand.u32 $0x7FFFFFFF, v9;
	v6 =	vsub.f32 v18, v17;
	v7 =	vld [tilespmem:s6+$0xFFFFFF30];
	v10 =	vand.u32 $0x7FFFFFFF, v10  }
0x47b: {  	v5 =	vadd.f32 v9, v5;
	v16 =	vld [tilespmem:s18+$0xFFFFFF80];
	v3 =	vadd.f32 v10, v3  }
0x47c: {  	v8 =	vsub.f32 $0.0e+00, v8;
	v6 =	vand.u32 $0x7FFFFFFF, v6;
	v9 =	vsub.f32 v13, v14;
	v10 =	vld [tilespmem:s6+$0xFFFFFF80]  }
0x47d: {  	v4 =	vsub.f32 v15, v4;
	v13 =	vld [tilespmem:s18+$0xFFFFFF90];
	v3 =	vadd.f32 v3, v5  }
0x47e: {  	v8 =	vmul.f32 $1.442695020e+00, v8;
	v14 =	vsub.f32 $0.0e+00, v11;
	v5 =	vand.u32 $0x7FFFFFFF, v9;
	v9 =	vld [tilespmem:s6+$0xFFFFFF90]  }
0x47f: {  	v4 =	vand.u32 $0x7FFFFFFF, v4;
	v7 =	vsub.f32 v12, v7;
	v12 =	vld [tilespmem:s18+$0xFFFFFFA0];
	(xrf2) =	vadd.scan.msk.f32 $0xffff, v3  }
0x480: {  	v3 =	vadd.f32 v4, v6;
	v4 =	vld [tilespmem:s6+$0xFFFFFFA0];
	v6 =	vmul.f32 $1.442695020e+00, v14;
	v11 =	vpop (erf)  }
0x481: {  	v7 =	vand.u32 $0x7FFFFFFF, v7;
	v10 =	vsub.f32 v16, v10;
	v14 =	vld [tilespmem:s18+$0xFFFFFFB0];
	[tilespmem:v2+s2+$0x0] =	vst.idx.msk vm0, v11;
	(erf) = vpow2.f32 v8  }
0x482: {  	v2 =	vadd.f32 v7, v5;
	v5 =	vld [tilespmem:s6+$0xFFFFFFB0];
	(erf) = vpow2.f32 v6  }
0x483: {  	v6 =	vand.u32 $0x7FFFFFFF, v10;
	v7 =	vsub.f32 v13, v9;
	v8 =	vld [tilespmem:s18+$0x0]  }
0x484: {  	v9 =	vld [tilespmem:s6+$0x0]  }
0x485: {  	v7 =	vand.u32 $0x7FFFFFFF, v7;
	v4 =	vsub.f32 v12, v4;
	v10 =	vld [tilespmem:s18+$0x10]  }
0x486: {  	v11 =	vld [tilespmem:s6+$0x10]  }
0x487: {  	v4 =	vand.u32 $0x7FFFFFFF, v4;
	v5 =	vsub.f32 v14, v5;
	v12 =	vld [tilespmem:s18+$0x20]  }
0x488: {  	v4 =	vadd.f32 v4, v6;
	v6 =	vld [tilespmem:s6+$0x20]  }
0x489: {  	v5 =	vand.u32 $0x7FFFFFFF, v5;
	v8 =	vsub.f32 v8, v9;
	v9 =	vld [tilespmem:s18+$0x30];
	v13, _, _ =	vpop (xrf2)  }
0x48a: {  	v5 =	vadd.f32 v5, v7;
	v7 =	vld [tilespmem:s6+$0x30];
	v13 =	vsub.f32 $0.0e+00, v13;
	v14 =	vpop (erf)  }
0x48b: {  	v15 =	vld [tilespmem:s18+$0xFFFFFF40];
	v8 =	vand.u32 $0x7FFFFFFF, v8;
	v10 =	vsub.f32 v10, v11;
	[tilespmem:v0+s2+$0x0] =	vst.idx.msk vm0, v14;
	v0 =	vpop (erf)  }
0x48c: {  	v11 =	vld [tilespmem:s6+$0xFFFFFF40];
	v13 =	vmul.f32 $1.442695020e+00, v13;
	[tilespmem:v1+s2+$0x0] =	vst.idx.msk vm0, v0  }
0x48d: {  	v0 =	vld [tilespmem:s18+$0xFFFFFF50];
	v1 =	vand.u32 $0x7FFFFFFF, v10;
	v6 =	vsub.f32 v12, v6  }
0x48e: {  	v10 =	vld [tilespmem:s6+$0xFFFFFF50];
	(erf) = vpow2.f32 v13  }
0x48f: {  	v12 =	vld [tilespmem:s18+$0xFFFFFFC0];
	v6 =	vand.u32 $0x7FFFFFFF, v6;
	v7 =	vsub.f32 v9, v7  }
0x490: {  	v9 =	vld [tilespmem:s6+$0xFFFFFFC0];
	v6 =	vadd.f32 v6, v8  }
0x491: {  	s19 =	sadd.s32 s19, s28;
	v8 =	vsub.f32 v15, v11;
	v11 =	vld [tilespmem:s18+$0xFFFFFFD0];
	v7 =	vand.u32 $0x7FFFFFFF, v7  }
0x492: {  	s20 =	sadd.s32 $0xC4, s19;
	s21 =	sadd.s32 $0xC5, s19;
	s22 =	sadd.s32 $0xC7, s19;
	v13 =	vld [tilespmem:s6+$0xFFFFFFD0];
	v14 =	vadd.f32 v7, v1  }
0x493: {  	s19 =	sadd.s32 $0xC6, s19;
	v1 =	vand.u32 $0x7FFFFFFF, v8;
	v0 =	vsub.f32 v0, v10;
	v7 =	vld [tilespmem:s18+$0x40];
	v8 =	vmov s22  }
0x494: {  	v10 =	vadd.f32 v1, v3;
	v1 =	vmov s20;
	v3 =	vmov s21;
	v15 =	vld [tilespmem:s6+$0x40]  }
0x495: {  	v16 =	vmov s19;
	v0 =	vand.u32 $0x7FFFFFFF, v0;
	v9 =	vsub.f32 v12, v9;
	v12 =	vld [tilespmem:s18+$0x50]  }
0x496: {  	v17 =	vadd.f32 v0, v2;
	v0 =	vand.u32 $0xFFFFFFFC, v1;
	v1 =	vand.u32 $0xFFFFFFFD, v3;
	v18 =	vld [tilespmem:s6+$0x50]  }
0x497: {  	v19 =	vld [tilespmem:s18+$0xFFFFFF60];
	v3 =	vand.u32 $0x7FFFFFFF, v9;
	v9 =	vsub.f32 v11, v13;
	v11 =	vand.u32 $0xFFFFFFFE, v16;
	v13 =	vpop (erf)  }
0x498: {  	v2 =	vbroadcast v0, $0x0;
	v0 =	vbroadcast v1, $0x0;
	v16 =	vld [tilespmem:s6+$0xFFFFFF60];
	v3 =	vadd.f32 v3, v4;
	[tilespmem:v8+s2+$0x0] =	vst.idx.msk vm0, v13  }
0x499: {  	v1 =	vbroadcast v11, $0x0;
	v8 =	vld [tilespmem:s18+$0xFFFFFF70];
	v4 =	vand.u32 $0x7FFFFFFF, v9;
	v7 =	vsub.f32 v7, v15  }
0x49a: {  	v11 =	vld [tilespmem:s6+$0xFFFFFF70];
	v4 =	vadd.f32 v4, v5  }
0x49b: {  	v13 =	vld [tilespmem:s18+$0xFFFFFFE0];
	v5 =	vand.u32 $0x7FFFFFFF, v7;
	v9 =	vsub.f32 v12, v18  }
0x49c: {  	v15 =	vld [tilespmem:s6+$0xFFFFFFE0];
	v5 =	vadd.f32 v5, v6  }
0x49d: {  	v12 =	vsub.f32 v19, v16;
	v7 =	vld [tilespmem:s18+$0xFFFFFFF0];
	v6 =	vand.u32 $0x7FFFFFFF, v9  }
.Ltmp6:
0x49e: {  	v9 =	vld [tilespmem:s6+$0xFFFFFFF0];
	v6 =	vadd.f32 v6, v14;
	(pc) =	sbr.rel @p1 .LBB2_15-.Ltmp6, $4  }
0x49f: {  	v12 =	vand.u32 $0x7FFFFFFF, v12;
	v11 =	vsub.f32 v8, v11;
	v8 =	vld [tilespmem:s18+$0x60]  }
0x4a0: {  	v12 =	vadd.f32 v12, v10;
	v10 =	vld [tilespmem:s6+$0x60]  }
0x4a1: {  	v14 =	vand.u32 $0x7FFFFFFF, v11;
	v15 =	vsub.f32 v13, v15;
	v11 =	vld [tilespmem:s18+$0x70]  }
0x4a2: {  	s18 =	sadd.s32 $0x200, s18;
	v14 =	vadd.f32 v14, v17;
	v13 =	vld [tilespmem:s6+$0x70]  }
0x4a3: {  	_ =	sdelay $0x1  }
0x4a4: {  	v7 =	vsub.f32 v7, v9  }
0x4a5: {  	v9 =	vand.u32 $0x7FFFFFFF, v15  }
0x4a6: {  	v8 =	vsub.f32 v8, v10;
	v7 =	vand.u32 $0x7FFFFFFF, v7;
	v10 =	vsub.f32 v11, v13  }
0x4a7: {  	v3 =	vadd.f32 v9, v3;
	v4 =	vadd.f32 v7, v4  }
0x4a8: {  	v11 =	vadd.f32 v14, v12;
	v7 =	vand.u32 $0x7FFFFFFF, v8;
	v8 =	vand.u32 $0x7FFFFFFF, v10  }
0x4a9: {  	v5 =	vadd.f32 v7, v5;
	v6 =	vadd.f32 v8, v6  }
0x4aa: {  	v3 =	vadd.f32 v4, v3  }
0x4ab: {  	(xrf2) =	vadd.scan.msk.f32 $0xffff, v11;
	v4 =	vadd.f32 v6, v5  }
0x4ac: {  	(xrf2) =	vadd.scan.msk.f32 $0xffff, v3  }
0x4ad: {  	(xrf2) =	vadd.scan.msk.f32 $0xffff, v4;
	_ =	sdelay $0x7  }
0x4ae: {  	v3, _, _ =	vpop (xrf2)  }
0x4af: {  	v3 =	vsub.f32 $0.0e+00, v3;
	v4, _, _ =	vpop (xrf2)  }
0x4b0: {  	v4 =	vsub.f32 $0.0e+00, v4;
	v5, _, _ =	vpop (xrf2)  }
0x4b1: {  	v3 =	vmul.f32 $1.442695020e+00, v3;
	v5 =	vsub.f32 $0.0e+00, v5  }
0x4b2: {  	v4 =	vmul.f32 $1.442695020e+00, v4  }
0x4b3: {  	(erf) = vpow2.f32 v3;
	v3 =	vmul.f32 $1.442695020e+00, v5  }
0x4b4: {  	(erf) = vpow2.f32 v4  }
0x4b5: {  	(erf) = vpow2.f32 v3;
	_ =	sdelay $0x6  }
0x4b6: {  	v3 =	vpop (erf)  }
0x4b7: {  	s6 =	sor.u32 s5, s16;
	[tilespmem:v2+s2+$0x0] =	vst.idx.msk vm0, v3;
	v2 =	vpop (erf)  }
0x4b8: {  	s6 =	sshrl.u32 s6, $0x3;
	[tilespmem:v0+s2+$0x0] =	vst.idx.msk vm0, v2;
	v0 =	vpop (erf)  }
0x4b9: {  	s19 =	sadd.s32 $0x10200, s16;
	s6 =	sadd.s32 s3, s6;
	[tilespmem:v1+s2+$0x0] =	vst.idx.msk vm0, v0  }
0x4ba: {  	[hbm4b:s6+s4] =	stream.linear.scatter [tilespmem:s19], [sflag:$0x12], $0x20, $0x38;
	[tilespmem:$0x10400] =	vst v63  }
0x4bb: {  	s16 =	simm.s32 @p0 $0x6200;
	s6 =	simm.s32 @p0 $0x0;
	s17 =	rddreg [dreg:$0x14]  }
0x4bc: {  	[tilespmem:s16], [sflag:$0xF] =	stream.linear.gather @p0 [hbm4b:s17+s6], $0x1000, $0x38;
	[tilespmem:$0x10400] =	vst v63  }
0x4bd: {  	s6 =	simm.s32 @p0 $0x20;
	s16 =	simm.s32 @p0 $0x1C0;
	s17 =	simm.s32 @p0 $0xE200  }
0x4be: {  	[tilespmem:s17], [sflag:$0x7] =	stream.indirect.gather @p0 [hbm4b:s1+s6], $0x80, s16, s6, $0xb8;
	[tilespmem:$0x10400] =	vst v63  }
0x4bf: {  	_ =	swait.ge [sflag:s29], $0x1000  }
0x4c0: {  	[sflag:s29] =	ssyncset.done $0x0  }
0x4c1: {  	[sflag:s29] =	ssyncadd.s32 $0xFFFFF000  }
0x4c2: {  	_ =	swait.ge [sflag:s30], $0x1000  }
0x4c3: {  	[sflag:s30] =	ssyncset.done $0x0  }
0x4c4: {  	s20 =	simm.s32 $0x7300;
	[sflag:s30] =	ssyncadd.s32 $0xFFFFF000  }
0x4c5: {  	s6 =	simm.s32 $0xF300;
	v0 =	vld [tilespmem:s20+$0xE0]  }
0x4c6: {  	v1 =	vld [tilespmem:s6+$0xE0]  }
0x4c7: {  	v2 =	vld [tilespmem:s20+$0xC0]  }
0x4c8: {  	v3 =	vld [tilespmem:s6+$0xC0]  }
0x4c9: {  	v4 =	vld [tilespmem:s20+$0xD0]  }
0x4ca: {  	v5 =	vld [tilespmem:s20+$0x80]  }
0x4cb: {  	v6 =	vld [tilespmem:s6+$0x80]  }
0x4cc: {  	v7 =	vld [tilespmem:s20+$0x90]  }
0x4cd: {  	v8 =	vld [tilespmem:s6+$0x90]  }
0x4ce: {  	v9 =	vld [tilespmem:s20+$0xA0]  }
0x4cf: {  	v10 =	vld [tilespmem:s6+$0xA0]  }
0x4d0: {  	v11 =	vld [tilespmem:s20+$0xB0]  }
0x4d1: {  	v12 =	vld [tilespmem:s6+$0xB0]  }
0x4d2: {  	v13 =	vld [tilespmem:s6+$0xD0]  }
0x4d3: {  	v14 =	vld [tilespmem:s20+$0xFFFFFF00]  }
0x4d4: {  	v15 =	vld [tilespmem:s20+$0xF0]  }
0x4d5: {  	v16 =	vld [tilespmem:s6+$0xF0]  }
0x4d6: {  	v17 =	vld [tilespmem:s6+$0xFFFFFF00]  }
0x4d7: {  	v18 =	vld [tilespmem:s20+$0xFFFFFF10]  }
0x4d8: {  	v19 =	vld [tilespmem:s6+$0xFFFFFF10]  }
0x4d9: {  	v20 =	vld [tilespmem:s20+$0xFFFFFF20]  }
0x4da: {  	v21 =	vld [tilespmem:s6+$0xFFFFFF20]  }
0x4db: {  	v22 =	vld [tilespmem:s20+$0xFFFFFF30]  }
0x4dc: {  	v23 =	vld [tilespmem:s6+$0xFFFFFF30]  }
0x4dd: {  	v56 =	vld [tilespmem:s20+$0xFFFFFF40]  }
0x4de: {  	v59 =	vld [tilespmem:s6+$0xFFFFFF40]  }
0x4df: {  	v60 =	vld [tilespmem:s20+$0xFFFFFFC0]  }
0x4e0: {  	v62 =	vld [tilespmem:s6+$0xFFFFFF70];
	v0 =	vsub.f32 v0, v1  }
0x4e1: {  	v1 =	vld [tilespmem:s20+$0xFFFFFF80];
	v5 =	vsub.f32 v5, v6;
	v6 =	vsub.f32 v7, v8  }
0x4e2: {  	v7 =	vld [tilespmem:s6+$0xFFFFFF80];
	v8 =	vsub.f32 v9, v10;
	v9 =	vsub.f32 v11, v12  }
0x4e3: {  	v10 =	vld [tilespmem:s20+$0xFFFFFF90];
	v2 =	vsub.f32 v2, v3;
	v3 =	vsub.f32 v4, v13;
	v5 =	vand.u32 $0x7FFFFFFF, v5  }
0x4e4: {  	v4 =	vld [tilespmem:s6+$0xFFFFFF90];
	v6 =	vand.u32 $0x7FFFFFFF, v6;
	v8 =	vand.u32 $0x7FFFFFFF, v8;
	v9 =	vand.u32 $0x7FFFFFFF, v9  }
0x4e5: {  	v11 =	vld [tilespmem:s20+$0xFFFFFFA0];
	v5 =	vadd.f32 v8, v5;
	v6 =	vadd.f32 v9, v6  }
0x4e6: {  	v12 =	vld [tilespmem:s20+$0xFFFFFFB0];
	v2 =	vand.u32 $0x7FFFFFFF, v2;
	v3 =	vand.u32 $0x7FFFFFFF, v3;
	v9 =	vsub.f32 v15, v16  }
0x4e7: {  	v13 =	vld [tilespmem:s20+$0x20];
	v2 =	vadd.f32 v2, v5;
	v3 =	vadd.f32 v3, v6  }
0x4e8: {  	v0 =	vand.u32 $0x7FFFFFFF, v0;
	v8 =	vld [tilespmem:s6+$0xFFFFFFA0];
	v6 =	vand.u32 $0x7FFFFFFF, v9  }
0x4e9: {  	v15 =	vld [tilespmem:s20+$0x30];
	v0 =	vadd.f32 v0, v2;
	v2 =	vadd.f32 v6, v3  }
0x4ea: {  	v16 =	vld [tilespmem:s6+$0x30]  }
0x4eb: {  	v5 =	vld [tilespmem:s6+$0xFFFFFFB0];
	v0 =	vadd.f32 v2, v0  }
0x4ec: {  	v9 =	vld [tilespmem:s20+$0x0]  }
0x4ed: {  	v1 =	vsub.f32 v1, v7;
	v7 =	vld [tilespmem:s20+$0xFFFFFF50];
	(xrf2) =	vadd.scan.msk.f32 $0xffff, v0  }
0x4ee: {  	v3 =	vld [tilespmem:s6+$0x0]  }
0x4ef: {  	v14 =	vsub.f32 v14, v17;
	v6 =	vld [tilespmem:s20+$0x10]  }
0x4f0: {  	v17 =	vsub.f32 v18, v19;
	v8 =	vsub.f32 v11, v8;
	v2 =	vld [tilespmem:s6+$0x10]  }
0x4f1: {  	s21 =	sadd.s32 $0xFFFFFFFC, s28;
	v57 =	vsub.f32 v20, v21;
	v58 =	vsub.f32 v22, v23;
	v0 =	vld [tilespmem:s6+$0x20]  }
0x4f2: {  	s18 =	sadd.s32 $0xE7, s21;
	v1 =	vand.u32 $0x7FFFFFFF, v1;
	v8 =	vand.u32 $0x7FFFFFFF, v8;
	v5 =	vsub.f32 v12, v5;
	v12 =	vld [tilespmem:s6+$0xFFFFFFD0]  }
0x4f3: {  	v61 =	vmov s18;
	v4 =	vsub.f32 v10, v4;
	v1 =	vadd.f32 v8, v1;
	v8 =	vld [tilespmem:s20+$0xFFFFFFD0]  }
0x4f4: {  	v14 =	vand.u32 $0x7FFFFFFF, v14;
	v17 =	vand.u32 $0x7FFFFFFF, v17;
	v19 =	vand.u32 $0x7FFFFFFF, v57;
	v10 =	vld [tilespmem:s6+$0xFFFFFFC0]  }
0x4f5: {  	v14 =	vadd.f32 v19, v14;
	v4 =	vand.u32 $0x7FFFFFFF, v4;
	v11 =	vld [tilespmem:s6+$0xFFFFFF50];
	v3 =	vsub.f32 v9, v3  }
0x4f6: {  	v5 =	vand.u32 $0x7FFFFFFF, v5;
	v2 =	vsub.f32 v6, v2;
	v6 =	vld [tilespmem:s20+$0x40];
	v0 =	vsub.f32 v13, v0  }
0x4f7: {  	v4 =	vadd.f32 v5, v4;
	v3 =	vand.u32 $0x7FFFFFFF, v3;
	v13 =	vsub.f32 v15, v16;
	v15 =	vld [tilespmem:s6+$0x40];
	v9, _, _ =	vpop (xrf2)  }
0x4f8: {  	v8 =	vsub.f32 v8, v12;
	v12 =	vld [tilespmem:s20+$0xFFFFFF70];
	v0 =	vand.u32 $0x7FFFFFFF, v0;
	v9 =	vsub.f32 $0.0e+00, v9  }
0x4f9: {  	v63 =	vld [tilespmem:s20+$0xFFFFFFE0];
	v2 =	vand.u32 $0x7FFFFFFF, v2;
	v13 =	vand.u32 $0x7FFFFFFF, v13;
	v0 =	vadd.f32 v0, v3  }
0x4fa: {  	v16 =	vld [tilespmem:s6+$0x50];
	v3 =	vsub.f32 v56, v59;
	v13 =	vadd.f32 v13, v2;
	v5 =	vmul.f32 $1.442695020e+00, v9  }
0x4fb: {  	v20 =	vand.u32 $0x7FFFFFFF, v58;
	v2 =	vsub.f32 v7, v11;
	v7 =	vsub.f32 v60, v10;
	v10 =	vld [tilespmem:s6+$0xFFFFFF60]  }
0x4fc: {  	v17 =	vadd.f32 v20, v17;
	v3 =	vand.u32 $0x7FFFFFFF, v3;
	v9 =	vld [tilespmem:s20+$0x50];
	(erf) = vpow2.f32 v5  }
0x4fd: {  	v2 =	vand.u32 $0x7FFFFFFF, v2;
	v6 =	vsub.f32 v6, v15;
	v19 =	vsub.f32 v12, v62;
	v5 =	vld [tilespmem:s20+$0xFFFFFF60]  }
0x4fe: {  	s22 =	sadd.s32 $0xE4, s21;
	v15 =	vld [tilespmem:s6+$0xFFFFFFE0];
	v11 =	vadd.f32 v3, v14;
	v17 =	vadd.f32 v2, v17;
	v2 =	vand.u32 $0x7FFFFFFF, v7  }
0x4ff: {  	s19 =	sadd.s32 $0xE5, s21;
	s17 =	sadd.s32 $0xE6, s21;
	v14 =	vmov s22;
	v3 =	vadd.f32 v2, v1;
	v1 =	vand.u32 $0x7FFFFFFF, v8  }
0x500: {  	v7 =	vmov s19;
	v2 =	vmov s17;
	v4 =	vadd.f32 v1, v4  }
0x501: {  	v1 =	vand.u32 $0xFFFFFFFC, v14;
	v14 =	vand.u32 $0xFFFFFFFD, v7;
	v7 =	vld [tilespmem:s20+$0xFFFFFFF0];
	v8 =	vsub.f32 v9, v16  }
0x502: {  	v16 =	vand.u32 $0xFFFFFFFE, v2;
	v2 =	vbroadcast v1, $0x0;
	v9 =	vld [tilespmem:s6+$0xFFFFFFF0];
	v1 =	vsub.f32 v5, v10  }
0x503: {  	v15 =	vsub.f32 v63, v15;
	v5 =	vand.u32 $0x7FFFFFFF, v6;
	v6 =	vand.u32 $0x7FFFFFFF, v8;
	v8 =	vld [tilespmem:s20+$0x60]  }
0x504: {  	v10 =	vld [tilespmem:s6+$0x60];
	v5 =	vadd.f32 v5, v0;
	v6 =	vadd.f32 v6, v13;
	v1 =	vand.u32 $0x7FFFFFFF, v1  }
0x505: {  	v0 =	vbroadcast v14, $0x0;
	v14 =	vand.u32 $0x7FFFFFFF, v19;
	v12 =	vadd.f32 v1, v11;
	v11 =	vld [tilespmem:s20+$0x70];
	v13 =	vpop (erf)  }
0x506: {  	s18 =	simm.s32 $0x7500;
	s16 =	sor.u32 $0xE0, s28;
	s17 =	simm.s32 $0x0;
	v14 =	vadd.f32 v14, v17;
	v1 =	vbroadcast v16, $0x0;
	[tilespmem:v61+s2+$0x0] =	vst.idx.msk vm0, v13;
	v13 =	vld [tilespmem:s6+$0x70]  }
.LBB2_17:
0x507: {  	v16 =	vld [tilespmem:s18+$0xE0];
	v15 =	vand.u32 $0x7FFFFFFF, v15;
	v7 =	vsub.f32 v7, v9;
	s6 =	sadd.s32 $0x200, s6;
	s19 =	smov.u32 s17  }
0x508: {  	v9 =	vld [tilespmem:s6+$0xE0];
	v12 =	vadd.f32 v14, v12;
	v3 =	vadd.f32 v15, v3  }
0x509: {  	v14 =	vld [tilespmem:s18+$0xC0];
	v7 =	vand.u32 $0x7FFFFFFF, v7;
	v8 =	vsub.f32 v8, v10  }
0x50a: {  	v10 =	vld [tilespmem:s6+$0xC0];
	v4 =	vadd.f32 v7, v4;
	(xrf2) =	vadd.scan.msk.f32 $0xffff, v12  }
0x50b: {  	v7 =	vld [tilespmem:s18+$0xD0];
	v8 =	vand.u32 $0x7FFFFFFF, v8;
	v11 =	vsub.f32 v11, v13  }
0x50c: {  	v12 =	vld [tilespmem:s18+$0x80];
	v3 =	vadd.f32 v4, v3;
	v4 =	vadd.f32 v8, v5  }
0x50d: {  	v5 =	vld [tilespmem:s6+$0x80];
	v8 =	vand.u32 $0x7FFFFFFF, v11  }
0x50e: {  	v11 =	vld [tilespmem:s18+$0x90];
	v6 =	vadd.f32 v8, v6;
	(xrf2) =	vadd.scan.msk.f32 $0xffff, v3  }
0x50f: {  	v3 =	vld [tilespmem:s6+$0x90]  }
0x510: {  	v8 =	vld [tilespmem:s18+$0xA0];
	v4 =	vadd.f32 v6, v4  }
0x511: {  	v6 =	vld [tilespmem:s6+$0xA0]  }
0x512: {  	v13 =	vld [tilespmem:s18+$0xB0];
	(xrf2) =	vadd.scan.msk.f32 $0xffff, v4  }
0x513: {  	s17 =	sadd.s32 $0x4, s17;
	v4 =	vld [tilespmem:s6+$0xB0]  }
0x514: {  	p1 =	slt.u32 s17, $0x1C;
	v15 =	vld [tilespmem:s6+$0xD0];
	v17, _, _ =	vpop (xrf2)  }
0x515: {  	v18 =	vld [tilespmem:s18+$0xFFFFFF00];
	v17 =	vsub.f32 $0.0e+00, v17  }
0x516: {  	v9 =	vsub.f32 v16, v9;
	v16 =	vld [tilespmem:s18+$0xF0]  }
0x517: {  	v5 =	vsub.f32 v12, v5;
	v3 =	vsub.f32 v11, v3;
	v11 =	vld [tilespmem:s6+$0xF0];
	v12 =	vmul.f32 $1.442695020e+00, v17  }
0x518: {  	v6 =	vsub.f32 v8, v6;
	v17 =	vld [tilespmem:s6+$0xFFFFFF00];
	v4 =	vsub.f32 v13, v4;
	v8, _, _ =	vpop (xrf2)  }
0x519: {  	v10 =	vsub.f32 v14, v10;
	v5 =	vand.u32 $0x7FFFFFFF, v5;
	v13 =	vld [tilespmem:s18+$0xFFFFFF10];
	v7 =	vsub.f32 v7, v15  }
0x51a: {  	v3 =	vand.u32 $0x7FFFFFFF, v3;
	v6 =	vand.u32 $0x7FFFFFFF, v6;
	v14 =	vld [tilespmem:s6+$0xFFFFFF10];
	v4 =	vand.u32 $0x7FFFFFFF, v4  }
0x51b: {  	v5 =	vadd.f32 v6, v5;
	v15 =	vld [tilespmem:s18+$0xFFFFFF20];
	v3 =	vadd.f32 v4, v3;
	(erf) = vpow2.f32 v12  }
0x51c: {  	v6 =	vand.u32 $0x7FFFFFFF, v10;
	v7 =	vand.u32 $0x7FFFFFFF, v7;
	v4 =	vld [tilespmem:s6+$0xFFFFFF20];
	v10 =	vsub.f32 v16, v11;
	v11, _, _ =	vpop (xrf2)  }
0x51d: {  	v5 =	vadd.f32 v6, v5;
	v12 =	vld [tilespmem:s18+$0xFFFFFF30];
	v3 =	vadd.f32 v7, v3  }
0x51e: {  	v9 =	vand.u32 $0x7FFFFFFF, v9;
	v6 =	vsub.f32 v18, v17;
	v7 =	vld [tilespmem:s6+$0xFFFFFF30];
	v10 =	vand.u32 $0x7FFFFFFF, v10  }
0x51f: {  	v5 =	vadd.f32 v9, v5;
	v16 =	vld [tilespmem:s18+$0xFFFFFF80];
	v3 =	vadd.f32 v10, v3  }
0x520: {  	v8 =	vsub.f32 $0.0e+00, v8;
	v6 =	vand.u32 $0x7FFFFFFF, v6;
	v9 =	vsub.f32 v13, v14;
	v10 =	vld [tilespmem:s6+$0xFFFFFF80]  }
0x521: {  	v4 =	vsub.f32 v15, v4;
	v13 =	vld [tilespmem:s18+$0xFFFFFF90];
	v3 =	vadd.f32 v3, v5  }
0x522: {  	v8 =	vmul.f32 $1.442695020e+00, v8;
	v14 =	vsub.f32 $0.0e+00, v11;
	v5 =	vand.u32 $0x7FFFFFFF, v9;
	v9 =	vld [tilespmem:s6+$0xFFFFFF90]  }
0x523: {  	v4 =	vand.u32 $0x7FFFFFFF, v4;
	v7 =	vsub.f32 v12, v7;
	v12 =	vld [tilespmem:s18+$0xFFFFFFA0];
	(xrf2) =	vadd.scan.msk.f32 $0xffff, v3  }
0x524: {  	v3 =	vadd.f32 v4, v6;
	v4 =	vld [tilespmem:s6+$0xFFFFFFA0];
	v6 =	vmul.f32 $1.442695020e+00, v14;
	v11 =	vpop (erf)  }
0x525: {  	v7 =	vand.u32 $0x7FFFFFFF, v7;
	v10 =	vsub.f32 v16, v10;
	v14 =	vld [tilespmem:s18+$0xFFFFFFB0];
	[tilespmem:v2+s2+$0x0] =	vst.idx.msk vm0, v11;
	(erf) = vpow2.f32 v8  }
0x526: {  	v2 =	vadd.f32 v7, v5;
	v5 =	vld [tilespmem:s6+$0xFFFFFFB0];
	(erf) = vpow2.f32 v6  }
0x527: {  	v6 =	vand.u32 $0x7FFFFFFF, v10;
	v7 =	vsub.f32 v13, v9;
	v8 =	vld [tilespmem:s18+$0x0]  }
0x528: {  	v9 =	vld [tilespmem:s6+$0x0]  }
0x529: {  	v7 =	vand.u32 $0x7FFFFFFF, v7;
	v4 =	vsub.f32 v12, v4;
	v10 =	vld [tilespmem:s18+$0x10]  }
0x52a: {  	v11 =	vld [tilespmem:s6+$0x10]  }
0x52b: {  	v4 =	vand.u32 $0x7FFFFFFF, v4;
	v5 =	vsub.f32 v14, v5;
	v12 =	vld [tilespmem:s18+$0x20]  }
0x52c: {  	v4 =	vadd.f32 v4, v6;
	v6 =	vld [tilespmem:s6+$0x20]  }
0x52d: {  	v5 =	vand.u32 $0x7FFFFFFF, v5;
	v8 =	vsub.f32 v8, v9;
	v9 =	vld [tilespmem:s18+$0x30];
	v13, _, _ =	vpop (xrf2)  }
0x52e: {  	v5 =	vadd.f32 v5, v7;
	v7 =	vld [tilespmem:s6+$0x30];
	v13 =	vsub.f32 $0.0e+00, v13;
	v14 =	vpop (erf)  }
0x52f: {  	v15 =	vld [tilespmem:s18+$0xFFFFFF40];
	v8 =	vand.u32 $0x7FFFFFFF, v8;
	v10 =	vsub.f32 v10, v11;
	[tilespmem:v0+s2+$0x0] =	vst.idx.msk vm0, v14;
	v0 =	vpop (erf)  }
0x530: {  	v11 =	vld [tilespmem:s6+$0xFFFFFF40];
	v13 =	vmul.f32 $1.442695020e+00, v13;
	[tilespmem:v1+s2+$0x0] =	vst.idx.msk vm0, v0  }
0x531: {  	v0 =	vld [tilespmem:s18+$0xFFFFFF50];
	v1 =	vand.u32 $0x7FFFFFFF, v10;
	v6 =	vsub.f32 v12, v6  }
0x532: {  	v10 =	vld [tilespmem:s6+$0xFFFFFF50];
	(erf) = vpow2.f32 v13  }
0x533: {  	v12 =	vld [tilespmem:s18+$0xFFFFFFC0];
	v6 =	vand.u32 $0x7FFFFFFF, v6;
	v7 =	vsub.f32 v9, v7  }
0x534: {  	v9 =	vld [tilespmem:s6+$0xFFFFFFC0];
	v6 =	vadd.f32 v6, v8  }
0x535: {  	s19 =	sadd.s32 s19, s28;
	v8 =	vsub.f32 v15, v11;
	v11 =	vld [tilespmem:s18+$0xFFFFFFD0];
	v7 =	vand.u32 $0x7FFFFFFF, v7  }
0x536: {  	s20 =	sadd.s32 $0xE4, s19;
	s21 =	sadd.s32 $0xE5, s19;
	s22 =	sadd.s32 $0xE7, s19;
	v13 =	vld [tilespmem:s6+$0xFFFFFFD0];
	v14 =	vadd.f32 v7, v1  }
0x537: {  	s19 =	sadd.s32 $0xE6, s19;
	v1 =	vand.u32 $0x7FFFFFFF, v8;
	v0 =	vsub.f32 v0, v10;
	v7 =	vld [tilespmem:s18+$0x40];
	v8 =	vmov s22  }
0x538: {  	v10 =	vadd.f32 v1, v3;
	v1 =	vmov s20;
	v3 =	vmov s21;
	v15 =	vld [tilespmem:s6+$0x40]  }
0x539: {  	v16 =	vmov s19;
	v0 =	vand.u32 $0x7FFFFFFF, v0;
	v9 =	vsub.f32 v12, v9;
	v12 =	vld [tilespmem:s18+$0x50]  }
0x53a: {  	v17 =	vadd.f32 v0, v2;
	v0 =	vand.u32 $0xFFFFFFFC, v1;
	v1 =	vand.u32 $0xFFFFFFFD, v3;
	v18 =	vld [tilespmem:s6+$0x50]  }
0x53b: {  	v19 =	vld [tilespmem:s18+$0xFFFFFF60];
	v3 =	vand.u32 $0x7FFFFFFF, v9;
	v9 =	vsub.f32 v11, v13;
	v11 =	vand.u32 $0xFFFFFFFE, v16;
	v13 =	vpop (erf)  }
0x53c: {  	v2 =	vbroadcast v0, $0x0;
	v0 =	vbroadcast v1, $0x0;
	v16 =	vld [tilespmem:s6+$0xFFFFFF60];
	v3 =	vadd.f32 v3, v4;
	[tilespmem:v8+s2+$0x0] =	vst.idx.msk vm0, v13  }
0x53d: {  	v1 =	vbroadcast v11, $0x0;
	v8 =	vld [tilespmem:s18+$0xFFFFFF70];
	v4 =	vand.u32 $0x7FFFFFFF, v9;
	v7 =	vsub.f32 v7, v15  }
0x53e: {  	v11 =	vld [tilespmem:s6+$0xFFFFFF70];
	v4 =	vadd.f32 v4, v5  }
0x53f: {  	v13 =	vld [tilespmem:s18+$0xFFFFFFE0];
	v5 =	vand.u32 $0x7FFFFFFF, v7;
	v9 =	vsub.f32 v12, v18  }
0x540: {  	v15 =	vld [tilespmem:s6+$0xFFFFFFE0];
	v5 =	vadd.f32 v5, v6  }
0x541: {  	v12 =	vsub.f32 v19, v16;
	v7 =	vld [tilespmem:s18+$0xFFFFFFF0];
	v6 =	vand.u32 $0x7FFFFFFF, v9  }
.Ltmp7:
0x542: {  	v9 =	vld [tilespmem:s6+$0xFFFFFFF0];
	v6 =	vadd.f32 v6, v14;
	(pc) =	sbr.rel @p1 .LBB2_17-.Ltmp7, $4  }
0x543: {  	v12 =	vand.u32 $0x7FFFFFFF, v12;
	v11 =	vsub.f32 v8, v11;
	v8 =	vld [tilespmem:s18+$0x60]  }
0x544: {  	v12 =	vadd.f32 v12, v10;
	v10 =	vld [tilespmem:s6+$0x60]  }
0x545: {  	v14 =	vand.u32 $0x7FFFFFFF, v11;
	v15 =	vsub.f32 v13, v15;
	v11 =	vld [tilespmem:s18+$0x70]  }
0x546: {  	s18 =	sadd.s32 $0x200, s18;
	v14 =	vadd.f32 v14, v17;
	v13 =	vld [tilespmem:s6+$0x70]  }
0x547: {  	_ =	sdelay $0x2  }
0x548: {  	v7 =	vsub.f32 v7, v9  }
0x549: {  	v51 =	vand.u32 $0x7FFFFFFF, v15;
	v8 =	vsub.f32 v8, v10;
	v52 =	vsub.f32 v11, v13  }
0x54a: {  	v53 =	vadd.f32 v14, v12;
	v3 =	vadd.f32 v51, v3;
	v7 =	vand.u32 $0x7FFFFFFF, v7  }
0x54b: {  	v4 =	vadd.f32 v7, v4;
	v54 =	vand.u32 $0x7FFFFFFF, v8;
	v55 =	vand.u32 $0x7FFFFFFF, v52  }
0x54c: {  	v5 =	vadd.f32 v54, v5;
	v6 =	vadd.f32 v55, v6  }
0x54d: {  	v3 =	vadd.f32 v4, v3  }
0x54e: {  	(xrf2) =	vadd.scan.msk.f32 $0xffff, v53;
	v56 =	vadd.f32 v6, v5  }
0x54f: {  	(xrf2) =	vadd.scan.msk.f32 $0xffff, v3  }
0x550: {  	(xrf2) =	vadd.scan.msk.f32 $0xffff, v56;
	_ =	sdelay $0x7  }
0x551: {  	v57, _, _ =	vpop (xrf2)  }
0x552: {  	v3 =	vsub.f32 $0.0e+00, v57;
	v58, _, _ =	vpop (xrf2)  }
0x553: {  	v4 =	vsub.f32 $0.0e+00, v58;
	v59, _, _ =	vpop (xrf2)  }
0x554: {  	v3 =	vmul.f32 $1.442695020e+00, v3;
	v5 =	vsub.f32 $0.0e+00, v59  }
0x555: {  	v4 =	vmul.f32 $1.442695020e+00, v4  }
0x556: {  	(erf) = vpow2.f32 v3;
	v60 =	vmul.f32 $1.442695020e+00, v5  }
0x557: {  	(erf) = vpow2.f32 v4  }
0x558: {  	(erf) = vpow2.f32 v60;
	_ =	sdelay $0x6  }
0x559: {  	v61 =	vpop (erf)  }
.Ltmp8:
0x55a: {  	s6 =	sor.u32 s5, s16;
	[tilespmem:v2+s2+$0x0] =	vst.idx.msk vm0, v61;
	v62 =	vpop (erf);
	(pc) =	sbr.rel @p0 .LBB2_2-.Ltmp8, $4  }
0x55b: {  	s6 =	sshrl.u32 s6, $0x3;
	[tilespmem:v0+s2+$0x0] =	vst.idx.msk vm0, v62;
	v63 =	vpop (erf)  }
0x55c: {  	s22 =	sadd.s32 $0x10200, s16;
	s28 =	simm.s32 $0x100;
	s6 =	sadd.s32 s3, s6;
	[tilespmem:v1+s2+$0x0] =	vst.idx.msk vm0, v63  }
0x55d: {  	[hbm4b:s6+s4] =	stream.linear.scatter [tilespmem:s22], [sflag:$0x12], $0x20, $0x38;
	[tilespmem:$0x10400] =	vst v63  }
0x55e: {  	p1 =	por $0x0, $0x0;
	s16 =	smov.u32 s23;
	s6 =	simm.s32 $0x1E0  }
0x55f: {  	s16 =	simm.s32 $0x12  }
0x560: {  	_ =	swait.ge [sflag:s16], $0x200  }
0x561: {  	s17 =	rddreg [dreg:$0x16]  }
0x562: {  	s6 =	rddreg [dreg:$0x15];
	s17 =	sadd.s32 $0x1, s17  }
0x563: {  	p0 =	sne.s32 s17, s6  }
.Ltmp9:
0x564: {  	_ = 	snop;
	(pc) =	sbr.rel @p0 .LBB2_1-.Ltmp9, $3  }
0x565: {  	_ =	sdelay $0x1  }
0x566: {  	[sflag:s16] =	ssyncset.done $0x0  }
0x567: {  	[sflag:s16] =	ssyncadd.s32 $0xFFFFFE00  }
0x568: {  	_ =	sfence.sel $0x180000  }
0x569: {  	[bflag:$0x0] =	sbarrier.arrive $0xFFFF  }
0x56a: {  	_ =	strace $0x90000047  }
0x56b: {  	s0 =	stileid.u32;
	[bflag:$0x2] =	sbarrier.arrive $0xFFFF  }
0x56c: {  	p0 =	sne.s32 s0, $0x0;
	s0 =	rddreg [dreg:$0x3]  }
0x56d: {  	s0 =	sadd.s32 @!p0 $0x100000, s0  }
0x56e: {  	[sflag:s0] =	ssyncadd.tile.s32 @!p0 $0x1;
	_ =	shalt  }
.Lfunc_end2:
_tile_overlayer_lowered:
.L_overlay_start_2:
0x56f: {  	(tag) =	ssettag $0x2  }
0x570: {  	s0 =	rddreg [dreg:$0x0];
	s2 =	stileid.u32  }
0x571: {  	s1 =	rddreg [dreg:$0x1];
	p0 =	sne.s32 s2, $0x0  }
0x572: {  	s3 =	rddreg [dreg:$0x2];
	[bflag:$0x3] =	sbarrier.arrive $0xFFFF;
	s2 =	simm.s32 @!p0 $0x1C13  }
0x573: {  	[timem:s3], [sflag:s2] =	dma.local @!p0 [hbm:s0], s1  }
0x574: {  	s0 =	simm.s32 @!p0 $0x13  }
0x575: {  	_ =	swait.ge @!p0 [sflag:s0], s1  }
0x576: {  	s1 =	ssub.s32 @!p0 $0x0, s1;
	[sflag:s0] =	ssyncset.done @!p0 $0x0  }
0x577: {  	[sflag:s0] =	ssyncadd.s32 @!p0 s1  }
0x578: {  	[bflag:$0x3] =	sbarrier.arrive $0xFFFF  }
0x579: {  	_ =	shalt  }

</sc_bundles>
